<compile_context>
chip_gen: v7x
topology: tpu7x:2x2x1
jax: 0.10.2.dev20260603
libtpu: 0.0.44.dev20260713+nightly
codegen_flags: <defaults>
</compile_context>

<pallas_src>
import functools

import jax
import jax.numpy as jnp
from jax import lax
from jax.experimental import pallas as pl
from jax.experimental.pallas import tpu as pltpu
from jax.experimental.pallas import tpu_sc as plsc

N_NODES = 10000
N_EDGES = 320000
D = 128

NW = 32
BPW = N_EDGES // NW
C = 200
NCHUNK = BPW // C


def _mm_body(x_ref, w_ref, ei_ref, p_ref, q_ref, src_ref, dst_ref):
    x = x_ref[...]
    p_ref[...] = jnp.dot(x, w_ref[:D], preferred_element_type=jnp.float32)
    q_ref[...] = jnp.dot(x, w_ref[D:], preferred_element_type=jnp.float32)
    src_ref[...] = ei_ref[0]
    dst_ref[...] = ei_ref[1]


def _project_nodes(node_feat, w, edge_index):
    return pl.pallas_call(
        _mm_body,
        out_shape=[
            jax.ShapeDtypeStruct((N_NODES, D), jnp.float32),
            jax.ShapeDtypeStruct((N_NODES, D), jnp.float32),
            jax.ShapeDtypeStruct((N_EDGES,), jnp.int32),
            jax.ShapeDtypeStruct((N_EDGES,), jnp.int32),
        ],
    )(node_feat, w, edge_index)


def _sc_body(p_hbm, q_hbm, src_hbm, dst_hbm, out_hbm,
             idxs, idxd, buf0, buf1, buf2,
             sp0, sq0, so0, sp1, sq1, so1, sp2, sq2, so2):
    wid = lax.axis_index("s") * 2 + lax.axis_index("c")
    base = wid * BPW

    pltpu.sync_copy(src_hbm.at[pl.ds(base, BPW)], idxs)
    pltpu.sync_copy(dst_hbm.at[pl.ds(base, BPW)], idxd)

    bufs = ((buf0, sp0, sq0, so0),
            (buf1, sp1, sq1, so1),
            (buf2, sp2, sq2, so2))

    def start_p(t, b):
        buf, sp, _, _ = bufs[b]
        return pltpu.async_copy(p_hbm.at[idxs.at[pl.ds(t * C, C)]], buf, sp)

    def start_q(t, b):
        buf, _, sq, _ = bufs[b]
        return pltpu.async_copy(q_hbm.at[idxd.at[pl.ds(t * C, C)]], buf, sq,
                                add=True)

    def wait_p(b):
        buf, sp, _, _ = bufs[b]
        pltpu.make_async_copy(p_hbm.at[idxs.at[pl.ds(0, C)]], buf, sp).wait()

    def wait_q(b):
        buf, _, sq, _ = bufs[b]
        pltpu.make_async_copy(q_hbm.at[idxd.at[pl.ds(0, C)]], buf, sq).wait()

    def start_out(t, b):
        buf, _, _, so = bufs[b]
        return pltpu.async_copy(buf, out_hbm.at[pl.ds(base + t * C, C)], so)

    def wait_out(b):
        buf, _, _, so = bufs[b]
        pltpu.make_async_copy(buf, out_hbm.at[pl.ds(base, C)], so).wait()

    def lrelu_rows(buf, lo, hi):
        @plsc.parallel_loop(lo, hi, step=1, unroll=2)
        def _(r):
            for j in range(D // 16):
                sl = pl.ds(j * 16, 16)
                v = buf[r, sl]
                buf[r, sl] = jnp.maximum(v, v * 0.01)

    start_p(0, 0)
    wait_p(0)
    start_q(0, 0)
    start_p(1, 1)

    def step(t, b):
        buf = bufs[b][0]
        b1 = (b + 1) % 3
        b2 = (b + 2) % 3
        wait_q(b)
        lrelu_rows(buf, 0, C // 2)

        @pl.when(t + 1 < NCHUNK)
        def _():
            wait_p(b1)
            start_q(t + 1, b1)

        lrelu_rows(buf, C // 2, C)

        @pl.when(t + 2 < NCHUNK)
        def _():
            @pl.when(t >= 1)
            def _():
                wait_out(b2)
            start_p(t + 2, b2)

        start_out(t, b)

    def group(g, carry):
        step(3 * g, 0)
        step(3 * g + 1, 1)
        step(3 * g + 2, 2)
        return carry

    lax.fori_loop(0, (NCHUNK - 2) // 3, group, 0)
    step(NCHUNK - 2, 0)
    step(NCHUNK - 1, 1)
    wait_out(2)
    wait_out(0)
    wait_out(1)


_sc_edges = functools.partial(
    pl.kernel,
    out_type=jax.ShapeDtypeStruct((N_EDGES, D), jnp.float32),
    mesh=plsc.VectorSubcoreMesh(core_axis_name="c", subcore_axis_name="s"),
    scratch_types=[
        pltpu.VMEM((BPW,), jnp.int32),
        pltpu.VMEM((BPW,), jnp.int32),
        pltpu.VMEM((C, D), jnp.float32),
        pltpu.VMEM((C, D), jnp.float32),
        pltpu.VMEM((C, D), jnp.float32),
        pltpu.SemaphoreType.DMA,
        pltpu.SemaphoreType.DMA,
        pltpu.SemaphoreType.DMA,
        pltpu.SemaphoreType.DMA,
        pltpu.SemaphoreType.DMA,
        pltpu.SemaphoreType.DMA,
        pltpu.SemaphoreType.DMA,
        pltpu.SemaphoreType.DMA,
        pltpu.SemaphoreType.DMA,
    ],
)(_sc_body)


def kernel(node_feat, edge_index, W):
    edge_index = edge_index.astype(jnp.int32)
    P, Q, src, dst = _project_nodes(node_feat, W, edge_index)
    return _sc_edges(P, Q, src, dst)

# --- scband reference (transcript-rebuilt; emitter-appended) ---
"""Pipeline reference for scband-fc-edges-9783935500617 (READ-ONLY COPY).

The authoritative reference and input builder live on the scoring server;
editing this copy changes nothing except your own understanding.
"""

import jax, jax.numpy as jnp
import numpy as np

N_NODES = 10000
N_EDGES = 320000
D_FEAT = 128
IN_DIM = 2 * D_FEAT
OUT_DIM = 128


def setup_inputs(seed: int = 0) -> dict:
    key = jax.random.key(seed)
    k1, k2, k3 = jax.random.split(key, 3)
    node_feat = jax.random.normal(k1, (N_NODES, D_FEAT), dtype=jnp.float32)
    edge_index = jax.random.randint(k2, (2, N_EDGES), 0, N_NODES).astype(jnp.int64)
    # Learned param of nn.Linear(in_dim, out_dim, bias=False); stored as [in_dim, out_dim]
    W = (jax.random.normal(k3, (IN_DIM, OUT_DIM), dtype=jnp.float32) * (1.0 / np.sqrt(IN_DIM)))
    return {"node_feat": node_feat, "edge_index": edge_index, "W": W}


def reference(node_feat, edge_index, W):
    # DGL apply_edges: for every edge, gather src and dst node features
    src = jnp.take(node_feat, edge_index[0], axis=0)   # [E, d]
    dst = jnp.take(node_feat, edge_index[1], axis=0)   # [E, d]
    feature = jnp.concatenate([src, dst], axis=-1)     # [E, 2d]
    msg = feature @ W                                  # Linear(bias=False)
    msg = jax.nn.leaky_relu(msg, negative_slope=0.01)  # nn.LeakyReLU default slope
    return msg

if __name__ == "__main__":
    import jax
    _d = setup_inputs()
    print(jax.jit(kernel)(*tuple(_d.values())))

</pallas_src>

<mosaic_0001>
#map = affine_map<(d0, d1) -> (0, 0)>
#map1 = affine_map<(d0, d1) -> (0)>
module attributes {stable_mosaic.version = 14 : i64} {
  func.func @_sc_body(%arg0: i32, %arg1: i32, %arg2: memref<10000x128xf32, #tpu.memory_space<hbm>>, %arg3: memref<10000x128xf32, #tpu.memory_space<hbm>>, %arg4: memref<320000xi32, #tpu.memory_space<hbm>>, %arg5: memref<320000xi32, #tpu.memory_space<hbm>>, %arg6: memref<320000x128xf32, #tpu.memory_space<hbm>>, %arg7: memref<10000xi32, #tpu.memory_space<vmem>>, %arg8: memref<10000xi32, #tpu.memory_space<vmem>>, %arg9: memref<200x128xf32, #tpu.memory_space<vmem>>, %arg10: memref<200x128xf32, #tpu.memory_space<vmem>>, %arg11: memref<200x128xf32, #tpu.memory_space<vmem>>, %arg12: memref<!tpu.dma_semaphore, #tpu.memory_space<semaphore_mem>>, %arg13: memref<!tpu.dma_semaphore, #tpu.memory_space<semaphore_mem>>, %arg14: memref<!tpu.dma_semaphore, #tpu.memory_space<semaphore_mem>>, %arg15: memref<!tpu.dma_semaphore, #tpu.memory_space<semaphore_mem>>, %arg16: memref<!tpu.dma_semaphore, #tpu.memory_space<semaphore_mem>>, %arg17: memref<!tpu.dma_semaphore, #tpu.memory_space<semaphore_mem>>, %arg18: memref<!tpu.dma_semaphore, #tpu.memory_space<semaphore_mem>>, %arg19: memref<!tpu.dma_semaphore, #tpu.memory_space<semaphore_mem>>, %arg20: memref<!tpu.dma_semaphore, #tpu.memory_space<semaphore_mem>>) attributes {dimension_semantics = [#tpu.dimension_semantics<core_parallel>, #tpu.dimension_semantics<subcore_parallel>], iteration_bounds = array<i64: 2, 16>, scalar_prefetch = 0 : i64, scratch_operands = 14 : i64, tpu.core_type = #tpu.core_type<sc_vector_subcore>, window_params = [{transform_indices = #map}, {transform_indices = #map}, {transform_indices = #map1}, {transform_indices = #map1}, {transform_indices = #map}]} {
    %mul3A = arith.constant 2 : i32
    %mul3A_0 = arith.muli %arg1, %mul3A : i32
    %add3A = arith.addi %mul3A_0, %arg0 : i32
    %mul3A_1 = arith.constant 10000 : i32
    %mul3A_2 = arith.muli %add3A, %mul3A_1 : i32
    "tpu.region"() ({
      %run_scoped3A = tpu.sem_alloc : memref<!tpu.dma_semaphore, #tpu.memory_space<semaphore_mem>>
      %dma_start3A_81 = tpu.memref_slice %arg4[%mul3A_2] : memref<320000xi32, #tpu.memory_space<hbm>> -> memref<10000xi32, #tpu.memory_space<hbm>>
      %dma_start3A_82 = tpu.memref_slice %arg4[%mul3A_2] : memref<320000xi32, #tpu.memory_space<hbm>> -> memref<10000xi32, #tpu.memory_space<hbm>>
      tpu.enqueue_dma source(%dma_start3A_82 : memref<10000xi32, #tpu.memory_space<hbm>>) target(%arg7 : memref<10000xi32, #tpu.memory_space<vmem>>) target_semaphore(%run_scoped3A : memref<!tpu.dma_semaphore, #tpu.memory_space<semaphore_mem>>)
      %dma_wait3A_83 = tpu.memref_slice %arg4[%mul3A_2] : memref<320000xi32, #tpu.memory_space<hbm>> -> memref<10000xi32, #tpu.memory_space<hbm>>
      %dma_wait3A_84 = tpu.memref_slice %arg4[%mul3A_2] : memref<320000xi32, #tpu.memory_space<hbm>> -> memref<10000xi32, #tpu.memory_space<hbm>>
      tpu.wait_dma2 semaphore(%run_scoped3A : memref<!tpu.dma_semaphore, #tpu.memory_space<semaphore_mem>>) src(%dma_wait3A_84 : memref<10000xi32, #tpu.memory_space<hbm>>) dst(%arg7 : memref<10000xi32, #tpu.memory_space<vmem>>)
      tpu.yield
    }) : () -> ()
    "tpu.region"() ({
      %run_scoped3A = tpu.sem_alloc : memref<!tpu.dma_semaphore, #tpu.memory_space<semaphore_mem>>
      %dma_start3A_81 = tpu.memref_slice %arg5[%mul3A_2] : memref<320000xi32, #tpu.memory_space<hbm>> -> memref<10000xi32, #tpu.memory_space<hbm>>
      %dma_start3A_82 = tpu.memref_slice %arg5[%mul3A_2] : memref<320000xi32, #tpu.memory_space<hbm>> -> memref<10000xi32, #tpu.memory_space<hbm>>
      tpu.enqueue_dma source(%dma_start3A_82 : memref<10000xi32, #tpu.memory_space<hbm>>) target(%arg8 : memref<10000xi32, #tpu.memory_space<vmem>>) target_semaphore(%run_scoped3A : memref<!tpu.dma_semaphore, #tpu.memory_space<semaphore_mem>>)
      %dma_wait3A_83 = tpu.memref_slice %arg5[%mul3A_2] : memref<320000xi32, #tpu.memory_space<hbm>> -> memref<10000xi32, #tpu.memory_space<hbm>>
      %dma_wait3A_84 = tpu.memref_slice %arg5[%mul3A_2] : memref<320000xi32, #tpu.memory_space<hbm>> -> memref<10000xi32, #tpu.memory_space<hbm>>
      tpu.wait_dma2 semaphore(%run_scoped3A : memref<!tpu.dma_semaphore, #tpu.memory_space<semaphore_mem>>) src(%dma_wait3A_84 : memref<10000xi32, #tpu.memory_space<hbm>>) dst(%arg8 : memref<10000xi32, #tpu.memory_space<vmem>>)
      tpu.yield
    }) : () -> ()
    %dma_start3A = arith.constant 0 : i32
    %dma_start3A_3 = tpu.memref_slice %arg7[%dma_start3A] : memref<10000xi32, #tpu.memory_space<vmem>> -> memref<200xi32, #tpu.memory_space<vmem>>
    %dma_start3A_4 = arith.constant 0 : i32
    %dma_start3A_5 = arith.constant 0 : i32
    %dma_start3A_6 = tpu.memref_slice %arg2[%dma_start3A_4, %dma_start3A_5] : memref<10000x128xf32, #tpu.memory_space<hbm>> -> memref<10000x128xf32, #tpu.memory_space<hbm>>
    tpu.enqueue_indirect_dma source(%dma_start3A_6 : memref<10000x128xf32, #tpu.memory_space<hbm>>) target(%arg9 : memref<200x128xf32, #tpu.memory_space<vmem>>) offsets(%dma_start3A_3 : memref<200xi32, #tpu.memory_space<vmem>>) semaphore(%arg12 : memref<!tpu.dma_semaphore, #tpu.memory_space<semaphore_mem>>)
    %dma_wait3A = arith.constant 0 : i32
    %dma_wait3A_7 = tpu.memref_slice %arg7[%dma_wait3A] : memref<10000xi32, #tpu.memory_space<vmem>> -> memref<200xi32, #tpu.memory_space<vmem>>
    %dma_wait3A_8 = arith.constant 0 : i32
    %dma_wait3A_9 = arith.constant 0 : i32
    %dma_wait3A_10 = tpu.memref_slice %arg2[%dma_wait3A_8, %dma_wait3A_9] : memref<10000x128xf32, #tpu.memory_space<hbm>> -> memref<10000x128xf32, #tpu.memory_space<hbm>>
    tpu.wait_indirect_dma semaphore(%arg12 : memref<!tpu.dma_semaphore, #tpu.memory_space<semaphore_mem>>) src(%dma_wait3A_10 : memref<10000x128xf32, #tpu.memory_space<hbm>>) dst(%arg9 : memref<200x128xf32, #tpu.memory_space<vmem>>)
    %dma_start3A_11 = arith.constant 0 : i32
    %dma_start3A_12 = tpu.memref_slice %arg8[%dma_start3A_11] : memref<10000xi32, #tpu.memory_space<vmem>> -> memref<200xi32, #tpu.memory_space<vmem>>
    %dma_start3A_13 = arith.constant 0 : i32
    %dma_start3A_14 = arith.constant 0 : i32
    %dma_start3A_15 = tpu.memref_slice %arg3[%dma_start3A_13, %dma_start3A_14] : memref<10000x128xf32, #tpu.memory_space<hbm>> -> memref<10000x128xf32, #tpu.memory_space<hbm>>
    tpu.enqueue_indirect_dma source(%dma_start3A_15 : memref<10000x128xf32, #tpu.memory_space<hbm>>) target(%arg9 : memref<200x128xf32, #tpu.memory_space<vmem>>) offsets(%dma_start3A_12 : memref<200xi32, #tpu.memory_space<vmem>>) semaphore(%arg13 : memref<!tpu.dma_semaphore, #tpu.memory_space<semaphore_mem>>) {add = true}
    %dma_start3A_16 = arith.constant 200 : i32
    %dma_start3A_17 = tpu.memref_slice %arg7[%dma_start3A_16] : memref<10000xi32, #tpu.memory_space<vmem>> -> memref<200xi32, #tpu.memory_space<vmem>>
    %dma_start3A_18 = arith.constant 0 : i32
    %dma_start3A_19 = arith.constant 0 : i32
    %dma_start3A_20 = tpu.memref_slice %arg2[%dma_start3A_18, %dma_start3A_19] : memref<10000x128xf32, #tpu.memory_space<hbm>> -> memref<10000x128xf32, #tpu.memory_space<hbm>>
    tpu.enqueue_indirect_dma source(%dma_start3A_20 : memref<10000x128xf32, #tpu.memory_space<hbm>>) target(%arg10 : memref<200x128xf32, #tpu.memory_space<vmem>>) offsets(%dma_start3A_17 : memref<200xi32, #tpu.memory_space<vmem>>) semaphore(%arg15 : memref<!tpu.dma_semaphore, #tpu.memory_space<semaphore_mem>>)
    %scan3A = arith.constant 0 : i32
    %scan3A_21 = arith.constant 0 : i32
    %scan3A_22 = arith.constant 16 : i32
    %scan3A_23 = arith.addi %scan3A_21, %scan3A_22 : i32
    %scan3A_24 = arith.constant 1 : i32
    scf.for %scan3A_81 = %scan3A_21 to %scan3A_23 step %scan3A_24  : i32 {
      %mul3A_82 = arith.constant 3 : i32
      %mul3A_83 = arith.muli %mul3A_82, %scan3A_81 : i32
      %dma_wait3A_84 = arith.constant 0 : i32
      %dma_wait3A_85 = tpu.memref_slice %arg8[%dma_wait3A_84] : memref<10000xi32, #tpu.memory_space<vmem>> -> memref<200xi32, #tpu.memory_space<vmem>>
      %dma_wait3A_86 = arith.constant 0 : i32
      %dma_wait3A_87 = arith.constant 0 : i32
      %dma_wait3A_88 = tpu.memref_slice %arg3[%dma_wait3A_86, %dma_wait3A_87] : memref<10000x128xf32, #tpu.memory_space<hbm>> -> memref<10000x128xf32, #tpu.memory_space<hbm>>
      tpu.wait_indirect_dma semaphore(%arg13 : memref<!tpu.dma_semaphore, #tpu.memory_space<semaphore_mem>>) src(%dma_wait3A_88 : memref<10000x128xf32, #tpu.memory_space<hbm>>) dst(%arg9 : memref<200x128xf32, #tpu.memory_space<vmem>>)
      %parallel_loop3A_89 = arith.constant 0 : i32
      %parallel_loop3A_90 = arith.constant 100 : i32
      %parallel_loop3A_91 = arith.constant 1 : i32
      scf.for %parallel_loop3A_185 = %parallel_loop3A_89 to %parallel_loop3A_90 step %parallel_loop3A_91  : i32 {
        %parallel_loop3A_186 = arith.index_cast %parallel_loop3A_185 : i32 to index
        %parallel_loop3A_187 = arith.constant 0 : index
        %parallel_loop3A_188 = tpu.vector_load %arg9[%parallel_loop3A_186, %parallel_loop3A_187] {strides = array<i32>} : memref<200x128xf32, #tpu.memory_space<vmem>>, vector<1x16xf32>,
        %parallel_loop3A_189 = vector.shape_cast %parallel_loop3A_188 : vector<1x16xf32> to vector<16xf32>
        %parallel_loop3A_190 = arith.constant 0.00999999977 : f32
        %parallel_loop3A_191 = vector.broadcast %parallel_loop3A_190 : f32 to vector<16xf32>
        %parallel_loop3A_192 = arith.mulf %parallel_loop3A_189, %parallel_loop3A_191 : vector<16xf32>
        %parallel_loop3A_193 = arith.maximumf %parallel_loop3A_189, %parallel_loop3A_192 : vector<16xf32>
        %parallel_loop3A_194 = arith.index_cast %parallel_loop3A_185 : i32 to index
        %parallel_loop3A_195 = arith.constant 0 : index
        %parallel_loop3A_196 = tpu.vector_load %arg9[%parallel_loop3A_194, %parallel_loop3A_195] {strides = array<i32>} : memref<200x128xf32, #tpu.memory_space<vmem>>, vector<1x16xf32>,
        %parallel_loop3A_197 = vector.shape_cast %parallel_loop3A_196 : vector<1x16xf32> to vector<16xf32>
        %parallel_loop3A_198 = vector.shape_cast %parallel_loop3A_193 : vector<16xf32> to vector<1x16xf32>
        tpu.vector_store %arg9[%parallel_loop3A_194, %parallel_loop3A_195], %parallel_loop3A_198 {strides = array<i32>} : memref<200x128xf32, #tpu.memory_space<vmem>>, vector<1x16xf32>,
        %parallel_loop3A_199 = arith.index_cast %parallel_loop3A_185 : i32 to index
        %parallel_loop3A_200 = arith.constant 16 : index
        %parallel_loop3A_201 = tpu.vector_load %arg9[%parallel_loop3A_199, %parallel_loop3A_200] {strides = array<i32>} : memref<200x128xf32, #tpu.memory_space<vmem>>, vector<1x16xf32>,
        %parallel_loop3A_202 = vector.shape_cast %parallel_loop3A_201 : vector<1x16xf32> to vector<16xf32>
        %parallel_loop3A_203 = arith.constant 0.00999999977 : f32
        %parallel_loop3A_204 = vector.broadcast %parallel_loop3A_203 : f32 to vector<16xf32>
        %parallel_loop3A_205 = arith.mulf %parallel_loop3A_202, %parallel_loop3A_204 : vector<16xf32>
        %parallel_loop3A_206 = arith.maximumf %parallel_loop3A_202, %parallel_loop3A_205 : vector<16xf32>
        %parallel_loop3A_207 = arith.index_cast %parallel_loop3A_185 : i32 to index
        %parallel_loop3A_208 = arith.constant 16 : index
        %parallel_loop3A_209 = tpu.vector_load %arg9[%parallel_loop3A_207, %parallel_loop3A_208] {strides = array<i32>} : memref<200x128xf32, #tpu.memory_space<vmem>>, vector<1x16xf32>,
        %parallel_loop3A_210 = vector.shape_cast %parallel_loop3A_209 : vector<1x16xf32> to vector<16xf32>
        %parallel_loop3A_211 = vector.shape_cast %parallel_loop3A_206 : vector<16xf32> to vector<1x16xf32>
        tpu.vector_store %arg9[%parallel_loop3A_207, %parallel_loop3A_208], %parallel_loop3A_211 {strides = array<i32>} : memref<200x128xf32, #tpu.memory_space<vmem>>, vector<1x16xf32>,
        %parallel_loop3A_212 = arith.index_cast %parallel_loop3A_185 : i32 to index
        %parallel_loop3A_213 = arith.constant 32 : index
        %parallel_loop3A_214 = tpu.vector_load %arg9[%parallel_loop3A_212, %parallel_loop3A_213] {strides = array<i32>} : memref<200x128xf32, #tpu.memory_space<vmem>>, vector<1x16xf32>,
        %parallel_loop3A_215 = vector.shape_cast %parallel_loop3A_214 : vector<1x16xf32> to vector<16xf32>
        %parallel_loop3A_216 = arith.constant 0.00999999977 : f32
        %parallel_loop3A_217 = vector.broadcast %parallel_loop3A_216 : f32 to vector<16xf32>
        %parallel_loop3A_218 = arith.mulf %parallel_loop3A_215, %parallel_loop3A_217 : vector<16xf32>
        %parallel_loop3A_219 = arith.maximumf %parallel_loop3A_215, %parallel_loop3A_218 : vector<16xf32>
        %parallel_loop3A_220 = arith.index_cast %parallel_loop3A_185 : i32 to index
        %parallel_loop3A_221 = arith.constant 32 : index
        %parallel_loop3A_222 = tpu.vector_load %arg9[%parallel_loop3A_220, %parallel_loop3A_221] {strides = array<i32>} : memref<200x128xf32, #tpu.memory_space<vmem>>, vector<1x16xf32>,
        %parallel_loop3A_223 = vector.shape_cast %parallel_loop3A_222 : vector<1x16xf32> to vector<16xf32>
        %parallel_loop3A_224 = vector.shape_cast %parallel_loop3A_219 : vector<16xf32> to vector<1x16xf32>
        tpu.vector_store %arg9[%parallel_loop3A_220, %parallel_loop3A_221], %parallel_loop3A_224 {strides = array<i32>} : memref<200x128xf32, #tpu.memory_space<vmem>>, vector<1x16xf32>,
        %parallel_loop3A_225 = arith.index_cast %parallel_loop3A_185 : i32 to index
        %parallel_loop3A_226 = arith.constant 48 : index
        %parallel_loop3A_227 = tpu.vector_load %arg9[%parallel_loop3A_225, %parallel_loop3A_226] {strides = array<i32>} : memref<200x128xf32, #tpu.memory_space<vmem>>, vector<1x16xf32>,
        %parallel_loop3A_228 = vector.shape_cast %parallel_loop3A_227 : vector<1x16xf32> to vector<16xf32>
        %parallel_loop3A_229 = arith.constant 0.00999999977 : f32
        %parallel_loop3A_230 = vector.broadcast %parallel_loop3A_229 : f32 to vector<16xf32>
        %parallel_loop3A_231 = arith.mulf %parallel_loop3A_228, %parallel_loop3A_230 : vector<16xf32>
        %parallel_loop3A_232 = arith.maximumf %parallel_loop3A_228, %parallel_loop3A_231 : vector<16xf32>
        %parallel_loop3A_233 = arith.index_cast %parallel_loop3A_185 : i32 to index
        %parallel_loop3A_234 = arith.constant 48 : index
        %parallel_loop3A_235 = tpu.vector_load %arg9[%parallel_loop3A_233, %parallel_loop3A_234] {strides = array<i32>} : memref<200x128xf32, #tpu.memory_space<vmem>>, vector<1x16xf32>,
        %parallel_loop3A_236 = vector.shape_cast %parallel_loop3A_235 : vector<1x16xf32> to vector<16xf32>
        %parallel_loop3A_237 = vector.shape_cast %parallel_loop3A_232 : vector<16xf32> to vector<1x16xf32>
        tpu.vector_store %arg9[%parallel_loop3A_233, %parallel_loop3A_234], %parallel_loop3A_237 {strides = array<i32>} : memref<200x128xf32, #tpu.memory_space<vmem>>, vector<1x16xf32>,
        %parallel_loop3A_238 = arith.index_cast %parallel_loop3A_185 : i32 to index
        %parallel_loop3A_239 = arith.constant 64 : index
        %parallel_loop3A_240 = tpu.vector_load %arg9[%parallel_loop3A_238, %parallel_loop3A_239] {strides = array<i32>} : memref<200x128xf32, #tpu.memory_space<vmem>>, vector<1x16xf32>,
        %parallel_loop3A_241 = vector.shape_cast %parallel_loop3A_240 : vector<1x16xf32> to vector<16xf32>
        %parallel_loop3A_242 = arith.constant 0.00999999977 : f32
        %parallel_loop3A_243 = vector.broadcast %parallel_loop3A_242 : f32 to vector<16xf32>
        %parallel_loop3A_244 = arith.mulf %parallel_loop3A_241, %parallel_loop3A_243 : vector<16xf32>
        %parallel_loop3A_245 = arith.maximumf %parallel_loop3A_241, %parallel_loop3A_244 : vector<16xf32>
        %parallel_loop3A_246 = arith.index_cast %parallel_loop3A_185 : i32 to index
        %parallel_loop3A_247 = arith.constant 64 : index
        %parallel_loop3A_248 = tpu.vector_load %arg9[%parallel_loop3A_246, %parallel_loop3A_247] {strides = array<i32>} : memref<200x128xf32, #tpu.memory_space<vmem>>, vector<1x16xf32>,
        %parallel_loop3A_249 = vector.shape_cast %parallel_loop3A_248 : vector<1x16xf32> to vector<16xf32>
        %parallel_loop3A_250 = vector.shape_cast %parallel_loop3A_245 : vector<16xf32> to vector<1x16xf32>
        tpu.vector_store %arg9[%parallel_loop3A_246, %parallel_loop3A_247], %parallel_loop3A_250 {strides = array<i32>} : memref<200x128xf32, #tpu.memory_space<vmem>>, vector<1x16xf32>,
        %parallel_loop3A_251 = arith.index_cast %parallel_loop3A_185 : i32 to index
        %parallel_loop3A_252 = arith.constant 80 : index
        %parallel_loop3A_253 = tpu.vector_load %arg9[%parallel_loop3A_251, %parallel_loop3A_252] {strides = array<i32>} : memref<200x128xf32, #tpu.memory_space<vmem>>, vector<1x16xf32>,
        %parallel_loop3A_254 = vector.shape_cast %parallel_loop3A_253 : vector<1x16xf32> to vector<16xf32>
        %parallel_loop3A_255 = arith.constant 0.00999999977 : f32
        %parallel_loop3A_256 = vector.broadcast %parallel_loop3A_255 : f32 to vector<16xf32>
        %parallel_loop3A_257 = arith.mulf %parallel_loop3A_254, %parallel_loop3A_256 : vector<16xf32>
        %parallel_loop3A_258 = arith.maximumf %parallel_loop3A_254, %parallel_loop3A_257 : vector<16xf32>
        %parallel_loop3A_259 = arith.index_cast %parallel_loop3A_185 : i32 to index
        %parallel_loop3A_260 = arith.constant 80 : index
        %parallel_loop3A_261 = tpu.vector_load %arg9[%parallel_loop3A_259, %parallel_loop3A_260] {strides = array<i32>} : memref<200x128xf32, #tpu.memory_space<vmem>>, vector<1x16xf32>,
        %parallel_loop3A_262 = vector.shape_cast %parallel_loop3A_261 : vector<1x16xf32> to vector<16xf32>
        %parallel_loop3A_263 = vector.shape_cast %parallel_loop3A_258 : vector<16xf32> to vector<1x16xf32>
        tpu.vector_store %arg9[%parallel_loop3A_259, %parallel_loop3A_260], %parallel_loop3A_263 {strides = array<i32>} : memref<200x128xf32, #tpu.memory_space<vmem>>, vector<1x16xf32>,
        %parallel_loop3A_264 = arith.index_cast %parallel_loop3A_185 : i32 to index
        %parallel_loop3A_265 = arith.constant 96 : index
        %parallel_loop3A_266 = tpu.vector_load %arg9[%parallel_loop3A_264, %parallel_loop3A_265] {strides = array<i32>} : memref<200x128xf32, #tpu.memory_space<vmem>>, vector<1x16xf32>,
        %parallel_loop3A_267 = vector.shape_cast %parallel_loop3A_266 : vector<1x16xf32> to vector<16xf32>
        %parallel_loop3A_268 = arith.constant 0.00999999977 : f32
        %parallel_loop3A_269 = vector.broadcast %parallel_loop3A_268 : f32 to vector<16xf32>
        %parallel_loop3A_270 = arith.mulf %parallel_loop3A_267, %parallel_loop3A_269 : vector<16xf32>
        %parallel_loop3A_271 = arith.maximumf %parallel_loop3A_267, %parallel_loop3A_270 : vector<16xf32>
        %parallel_loop3A_272 = arith.index_cast %parallel_loop3A_185 : i32 to index
        %parallel_loop3A_273 = arith.constant 96 : index
        %parallel_loop3A_274 = tpu.vector_load %arg9[%parallel_loop3A_272, %parallel_loop3A_273] {strides = array<i32>} : memref<200x128xf32, #tpu.memory_space<vmem>>, vector<1x16xf32>,
        %parallel_loop3A_275 = vector.shape_cast %parallel_loop3A_274 : vector<1x16xf32> to vector<16xf32>
        %parallel_loop3A_276 = vector.shape_cast %parallel_loop3A_271 : vector<16xf32> to vector<1x16xf32>
        tpu.vector_store %arg9[%parallel_loop3A_272, %parallel_loop3A_273], %parallel_loop3A_276 {strides = array<i32>} : memref<200x128xf32, #tpu.memory_space<vmem>>, vector<1x16xf32>,
        %parallel_loop3A_277 = arith.index_cast %parallel_loop3A_185 : i32 to index
        %parallel_loop3A_278 = arith.constant 112 : index
        %parallel_loop3A_279 = tpu.vector_load %arg9[%parallel_loop3A_277, %parallel_loop3A_278] {strides = array<i32>} : memref<200x128xf32, #tpu.memory_space<vmem>>, vector<1x16xf32>,
        %parallel_loop3A_280 = vector.shape_cast %parallel_loop3A_279 : vector<1x16xf32> to vector<16xf32>
        %parallel_loop3A_281 = arith.constant 0.00999999977 : f32
        %parallel_loop3A_282 = vector.broadcast %parallel_loop3A_281 : f32 to vector<16xf32>
        %parallel_loop3A_283 = arith.mulf %parallel_loop3A_280, %parallel_loop3A_282 : vector<16xf32>
        %parallel_loop3A_284 = arith.maximumf %parallel_loop3A_280, %parallel_loop3A_283 : vector<16xf32>
        %parallel_loop3A_285 = arith.index_cast %parallel_loop3A_185 : i32 to index
        %parallel_loop3A_286 = arith.constant 112 : index
        %parallel_loop3A_287 = tpu.vector_load %arg9[%parallel_loop3A_285, %parallel_loop3A_286] {strides = array<i32>} : memref<200x128xf32, #tpu.memory_space<vmem>>, vector<1x16xf32>,
        %parallel_loop3A_288 = vector.shape_cast %parallel_loop3A_287 : vector<1x16xf32> to vector<16xf32>
        %parallel_loop3A_289 = vector.shape_cast %parallel_loop3A_284 : vector<16xf32> to vector<1x16xf32>
        tpu.vector_store %arg9[%parallel_loop3A_285, %parallel_loop3A_286], %parallel_loop3A_289 {strides = array<i32>} : memref<200x128xf32, #tpu.memory_space<vmem>>, vector<1x16xf32>,
      } {sc.loop_unroll_factor = 2 : i64, sc.parallel_access}
      %add3A_92 = arith.constant 1 : i32
      %add3A_93 = arith.addi %mul3A_83, %add3A_92 : i32
      %lt3A = arith.constant 50 : i32
      %lt3A_94 = arith.cmpi slt, %add3A_93, %lt3A : i32
      %convert_element_type3A = arith.extui %lt3A_94 : i1 to i32
      %cond3A = arith.constant 0 : i32
      %cond3A_95 = arith.cmpi ne, %convert_element_type3A, %cond3A : i32
      scf.if %cond3A_95 {
        %dma_wait3A_185 = arith.constant 0 : i32
        %dma_wait3A_186 = tpu.memref_slice %arg7[%dma_wait3A_185] : memref<10000xi32, #tpu.memory_space<vmem>> -> memref<200xi32, #tpu.memory_space<vmem>>
        %dma_wait3A_187 = arith.constant 0 : i32
        %dma_wait3A_188 = arith.constant 0 : i32
        %dma_wait3A_189 = tpu.memref_slice %arg2[%dma_wait3A_187, %dma_wait3A_188] : memref<10000x128xf32, #tpu.memory_space<hbm>> -> memref<10000x128xf32, #tpu.memory_space<hbm>>
        tpu.wait_indirect_dma semaphore(%arg15 : memref<!tpu.dma_semaphore, #tpu.memory_space<semaphore_mem>>) src(%dma_wait3A_189 : memref<10000x128xf32, #tpu.memory_space<hbm>>) dst(%arg10 : memref<200x128xf32, #tpu.memory_space<vmem>>)
        %add3A_190 = arith.constant 1 : i32
        %add3A_191 = arith.addi %mul3A_83, %add3A_190 : i32
        %mul3A_192 = arith.constant 200 : i32
        %mul3A_193 = arith.muli %add3A_191, %mul3A_192 : i32
        %dma_start3A_194 = tpu.memref_slice %arg8[%mul3A_193] : memref<10000xi32, #tpu.memory_space<vmem>> -> memref<200xi32, #tpu.memory_space<vmem>>
        %dma_start3A_195 = arith.constant 0 : i32
        %dma_start3A_196 = arith.constant 0 : i32
        %dma_start3A_197 = tpu.memref_slice %arg3[%dma_start3A_195, %dma_start3A_196] : memref<10000x128xf32, #tpu.memory_space<hbm>> -> memref<10000x128xf32, #tpu.memory_space<hbm>>
        tpu.enqueue_indirect_dma source(%dma_start3A_197 : memref<10000x128xf32, #tpu.memory_space<hbm>>) target(%arg10 : memref<200x128xf32, #tpu.memory_space<vmem>>) offsets(%dma_start3A_194 : memref<200xi32, #tpu.memory_space<vmem>>) semaphore(%arg16 : memref<!tpu.dma_semaphore, #tpu.memory_space<semaphore_mem>>) {add = true}
      } else {
      }
      %parallel_loop3A_96 = arith.constant 100 : i32
      %parallel_loop3A_97 = arith.constant 200 : i32
      %parallel_loop3A_98 = arith.constant 1 : i32
      scf.for %parallel_loop3A_185 = %parallel_loop3A_96 to %parallel_loop3A_97 step %parallel_loop3A_98  : i32 {
        %parallel_loop3A_186 = arith.index_cast %parallel_loop3A_185 : i32 to index
        %parallel_loop3A_187 = arith.constant 0 : index
        %parallel_loop3A_188 = tpu.vector_load %arg9[%parallel_loop3A_186, %parallel_loop3A_187] {strides = array<i32>} : memref<200x128xf32, #tpu.memory_space<vmem>>, vector<1x16xf32>,
        %parallel_loop3A_189 = vector.shape_cast %parallel_loop3A_188 : vector<1x16xf32> to vector<16xf32>
        %parallel_loop3A_190 = arith.constant 0.00999999977 : f32
        %parallel_loop3A_191 = vector.broadcast %parallel_loop3A_190 : f32 to vector<16xf32>
        %parallel_loop3A_192 = arith.mulf %parallel_loop3A_189, %parallel_loop3A_191 : vector<16xf32>
        %parallel_loop3A_193 = arith.maximumf %parallel_loop3A_189, %parallel_loop3A_192 : vector<16xf32>
        %parallel_loop3A_194 = arith.index_cast %parallel_loop3A_185 : i32 to index
        %parallel_loop3A_195 = arith.constant 0 : index
        %parallel_loop3A_196 = tpu.vector_load %arg9[%parallel_loop3A_194, %parallel_loop3A_195] {strides = array<i32>} : memref<200x128xf32, #tpu.memory_space<vmem>>, vector<1x16xf32>,
        %parallel_loop3A_197 = vector.shape_cast %parallel_loop3A_196 : vector<1x16xf32> to vector<16xf32>
        %parallel_loop3A_198 = vector.shape_cast %parallel_loop3A_193 : vector<16xf32> to vector<1x16xf32>
        tpu.vector_store %arg9[%parallel_loop3A_194, %parallel_loop3A_195], %parallel_loop3A_198 {strides = array<i32>} : memref<200x128xf32, #tpu.memory_space<vmem>>, vector<1x16xf32>,
        %parallel_loop3A_199 = arith.index_cast %parallel_loop3A_185 : i32 to index
        %parallel_loop3A_200 = arith.constant 16 : index
        %parallel_loop3A_201 = tpu.vector_load %arg9[%parallel_loop3A_199, %parallel_loop3A_200] {strides = array<i32>} : memref<200x128xf32, #tpu.memory_space<vmem>>, vector<1x16xf32>,
        %parallel_loop3A_202 = vector.shape_cast %parallel_loop3A_201 : vector<1x16xf32> to vector<16xf32>
        %parallel_loop3A_203 = arith.constant 0.00999999977 : f32
        %parallel_loop3A_204 = vector.broadcast %parallel_loop3A_203 : f32 to vector<16xf32>
        %parallel_loop3A_205 = arith.mulf %parallel_loop3A_202, %parallel_loop3A_204 : vector<16xf32>
        %parallel_loop3A_206 = arith.maximumf %parallel_loop3A_202, %parallel_loop3A_205 : vector<16xf32>
        %parallel_loop3A_207 = arith.index_cast %parallel_loop3A_185 : i32 to index
        %parallel_loop3A_208 = arith.constant 16 : index
        %parallel_loop3A_209 = tpu.vector_load %arg9[%parallel_loop3A_207, %parallel_loop3A_208] {strides = array<i32>} : memref<200x128xf32, #tpu.memory_space<vmem>>, vector<1x16xf32>,
        %parallel_loop3A_210 = vector.shape_cast %parallel_loop3A_209 : vector<1x16xf32> to vector<16xf32>
        %parallel_loop3A_211 = vector.shape_cast %parallel_loop3A_206 : vector<16xf32> to vector<1x16xf32>
        tpu.vector_store %arg9[%parallel_loop3A_207, %parallel_loop3A_208], %parallel_loop3A_211 {strides = array<i32>} : memref<200x128xf32, #tpu.memory_space<vmem>>, vector<1x16xf32>,
        %parallel_loop3A_212 = arith.index_cast %parallel_loop3A_185 : i32 to index
        %parallel_loop3A_213 = arith.constant 32 : index
        %parallel_loop3A_214 = tpu.vector_load %arg9[%parallel_loop3A_212, %parallel_loop3A_213] {strides = array<i32>} : memref<200x128xf32, #tpu.memory_space<vmem>>, vector<1x16xf32>,
        %parallel_loop3A_215 = vector.shape_cast %parallel_loop3A_214 : vector<1x16xf32> to vector<16xf32>
        %parallel_loop3A_216 = arith.constant 0.00999999977 : f32
        %parallel_loop3A_217 = vector.broadcast %parallel_loop3A_216 : f32 to vector<16xf32>
        %parallel_loop3A_218 = arith.mulf %parallel_loop3A_215, %parallel_loop3A_217 : vector<16xf32>
        %parallel_loop3A_219 = arith.maximumf %parallel_loop3A_215, %parallel_loop3A_218 : vector<16xf32>
        %parallel_loop3A_220 = arith.index_cast %parallel_loop3A_185 : i32 to index
        %parallel_loop3A_221 = arith.constant 32 : index
        %parallel_loop3A_222 = tpu.vector_load %arg9[%parallel_loop3A_220, %parallel_loop3A_221] {strides = array<i32>} : memref<200x128xf32, #tpu.memory_space<vmem>>, vector<1x16xf32>,
        %parallel_loop3A_223 = vector.shape_cast %parallel_loop3A_222 : vector<1x16xf32> to vector<16xf32>
        %parallel_loop3A_224 = vector.shape_cast %parallel_loop3A_219 : vector<16xf32> to vector<1x16xf32>
        tpu.vector_store %arg9[%parallel_loop3A_220, %parallel_loop3A_221], %parallel_loop3A_224 {strides = array<i32>} : memref<200x128xf32, #tpu.memory_space<vmem>>, vector<1x16xf32>,
        %parallel_loop3A_225 = arith.index_cast %parallel_loop3A_185 : i32 to index
        %parallel_loop3A_226 = arith.constant 48 : index
        %parallel_loop3A_227 = tpu.vector_load %arg9[%parallel_loop3A_225, %parallel_loop3A_226] {strides = array<i32>} : memref<200x128xf32, #tpu.memory_space<vmem>>, vector<1x16xf32>,
        %parallel_loop3A_228 = vector.shape_cast %parallel_loop3A_227 : vector<1x16xf32> to vector<16xf32>
        %parallel_loop3A_229 = arith.constant 0.00999999977 : f32
        %parallel_loop3A_230 = vector.broadcast %parallel_loop3A_229 : f32 to vector<16xf32>
        %parallel_loop3A_231 = arith.mulf %parallel_loop3A_228, %parallel_loop3A_230 : vector<16xf32>
        %parallel_loop3A_232 = arith.maximumf %parallel_loop3A_228, %parallel_loop3A_231 : vector<16xf32>
        %parallel_loop3A_233 = arith.index_cast %parallel_loop3A_185 : i32 to index
        %parallel_loop3A_234 = arith.constant 48 : index
        %parallel_loop3A_235 = tpu.vector_load %arg9[%parallel_loop3A_233, %parallel_loop3A_234] {strides = array<i32>} : memref<200x128xf32, #tpu.memory_space<vmem>>, vector<1x16xf32>,
        %parallel_loop3A_236 = vector.shape_cast %parallel_loop3A_235 : vector<1x16xf32> to vector<16xf32>
        %parallel_loop3A_237 = vector.shape_cast %parallel_loop3A_232 : vector<16xf32> to vector<1x16xf32>
        tpu.vector_store %arg9[%parallel_loop3A_233, %parallel_loop3A_234], %parallel_loop3A_237 {strides = array<i32>} : memref<200x128xf32, #tpu.memory_space<vmem>>, vector<1x16xf32>,
        %parallel_loop3A_238 = arith.index_cast %parallel_loop3A_185 : i32 to index
        %parallel_loop3A_239 = arith.constant 64 : index
        %parallel_loop3A_240 = tpu.vector_load %arg9[%parallel_loop3A_238, %parallel_loop3A_239] {strides = array<i32>} : memref<200x128xf32, #tpu.memory_space<vmem>>, vector<1x16xf32>,
        %parallel_loop3A_241 = vector.shape_cast %parallel_loop3A_240 : vector<1x16xf32> to vector<16xf32>
        %parallel_loop3A_242 = arith.constant 0.00999999977 : f32
        %parallel_loop3A_243 = vector.broadcast %parallel_loop3A_242 : f32 to vector<16xf32>
        %parallel_loop3A_244 = arith.mulf %parallel_loop3A_241, %parallel_loop3A_243 : vector<16xf32>
        %parallel_loop3A_245 = arith.maximumf %parallel_loop3A_241, %parallel_loop3A_244 : vector<16xf32>
        %parallel_loop3A_246 = arith.index_cast %parallel_loop3A_185 : i32 to index
        %parallel_loop3A_247 = arith.constant 64 : index
        %parallel_loop3A_248 = tpu.vector_load %arg9[%parallel_loop3A_246, %parallel_loop3A_247] {strides = array<i32>} : memref<200x128xf32, #tpu.memory_space<vmem>>, vector<1x16xf32>,
        %parallel_loop3A_249 = vector.shape_cast %parallel_loop3A_248 : vector<1x16xf32> to vector<16xf32>
        %parallel_loop3A_250 = vector.shape_cast %parallel_loop3A_245 : vector<16xf32> to vector<1x16xf32>
        tpu.vector_store %arg9[%parallel_loop3A_246, %parallel_loop3A_247], %parallel_loop3A_250 {strides = array<i32>} : memref<200x128xf32, #tpu.memory_space<vmem>>, vector<1x16xf32>,
        %parallel_loop3A_251 = arith.index_cast %parallel_loop3A_185 : i32 to index
        %parallel_loop3A_252 = arith.constant 80 : index
        %parallel_loop3A_253 = tpu.vector_load %arg9[%parallel_loop3A_251, %parallel_loop3A_252] {strides = array<i32>} : memref<200x128xf32, #tpu.memory_space<vmem>>, vector<1x16xf32>,
        %parallel_loop3A_254 = vector.shape_cast %parallel_loop3A_253 : vector<1x16xf32> to vector<16xf32>
        %parallel_loop3A_255 = arith.constant 0.00999999977 : f32
        %parallel_loop3A_256 = vector.broadcast %parallel_loop3A_255 : f32 to vector<16xf32>
        %parallel_loop3A_257 = arith.mulf %parallel_loop3A_254, %parallel_loop3A_256 : vector<16xf32>
        %parallel_loop3A_258 = arith.maximumf %parallel_loop3A_254, %parallel_loop3A_257 : vector<16xf32>
        %parallel_loop3A_259 = arith.index_cast %parallel_loop3A_185 : i32 to index
        %parallel_loop3A_260 = arith.constant 80 : index
        %parallel_loop3A_261 = tpu.vector_load %arg9[%parallel_loop3A_259, %parallel_loop3A_260] {strides = array<i32>} : memref<200x128xf32, #tpu.memory_space<vmem>>, vector<1x16xf32>,
        %parallel_loop3A_262 = vector.shape_cast %parallel_loop3A_261 : vector<1x16xf32> to vector<16xf32>
        %parallel_loop3A_263 = vector.shape_cast %parallel_loop3A_258 : vector<16xf32> to vector<1x16xf32>
        tpu.vector_store %arg9[%parallel_loop3A_259, %parallel_loop3A_260], %parallel_loop3A_263 {strides = array<i32>} : memref<200x128xf32, #tpu.memory_space<vmem>>, vector<1x16xf32>,
        %parallel_loop3A_264 = arith.index_cast %parallel_loop3A_185 : i32 to index
        %parallel_loop3A_265 = arith.constant 96 : index
        %parallel_loop3A_266 = tpu.vector_load %arg9[%parallel_loop3A_264, %parallel_loop3A_265] {strides = array<i32>} : memref<200x128xf32, #tpu.memory_space<vmem>>, vector<1x16xf32>,
        %parallel_loop3A_267 = vector.shape_cast %parallel_loop3A_266 : vector<1x16xf32> to vector<16xf32>
        %parallel_loop3A_268 = arith.constant 0.00999999977 : f32
        %parallel_loop3A_269 = vector.broadcast %parallel_loop3A_268 : f32 to vector<16xf32>
        %parallel_loop3A_270 = arith.mulf %parallel_loop3A_267, %parallel_loop3A_269 : vector<16xf32>
        %parallel_loop3A_271 = arith.maximumf %parallel_loop3A_267, %parallel_loop3A_270 : vector<16xf32>
        %parallel_loop3A_272 = arith.index_cast %parallel_loop3A_185 : i32 to index
        %parallel_loop3A_273 = arith.constant 96 : index
        %parallel_loop3A_274 = tpu.vector_load %arg9[%parallel_loop3A_272, %parallel_loop3A_273] {strides = array<i32>} : memref<200x128xf32, #tpu.memory_space<vmem>>, vector<1x16xf32>,
        %parallel_loop3A_275 = vector.shape_cast %parallel_loop3A_274 : vector<1x16xf32> to vector<16xf32>
        %parallel_loop3A_276 = vector.shape_cast %parallel_loop3A_271 : vector<16xf32> to vector<1x16xf32>
        tpu.vector_store %arg9[%parallel_loop3A_272, %parallel_loop3A_273], %parallel_loop3A_276 {strides = array<i32>} : memref<200x128xf32, #tpu.memory_space<vmem>>, vector<1x16xf32>,
        %parallel_loop3A_277 = arith.index_cast %parallel_loop3A_185 : i32 to index
        %parallel_loop3A_278 = arith.constant 112 : index
        %parallel_loop3A_279 = tpu.vector_load %arg9[%parallel_loop3A_277, %parallel_loop3A_278] {strides = array<i32>} : memref<200x128xf32, #tpu.memory_space<vmem>>, vector<1x16xf32>,
        %parallel_loop3A_280 = vector.shape_cast %parallel_loop3A_279 : vector<1x16xf32> to vector<16xf32>
        %parallel_loop3A_281 = arith.constant 0.00999999977 : f32
        %parallel_loop3A_282 = vector.broadcast %parallel_loop3A_281 : f32 to vector<16xf32>
        %parallel_loop3A_283 = arith.mulf %parallel_loop3A_280, %parallel_loop3A_282 : vector<16xf32>
        %parallel_loop3A_284 = arith.maximumf %parallel_loop3A_280, %parallel_loop3A_283 : vector<16xf32>
        %parallel_loop3A_285 = arith.index_cast %parallel_loop3A_185 : i32 to index
        %parallel_loop3A_286 = arith.constant 112 : index
        %parallel_loop3A_287 = tpu.vector_load %arg9[%parallel_loop3A_285, %parallel_loop3A_286] {strides = array<i32>} : memref<200x128xf32, #tpu.memory_space<vmem>>, vector<1x16xf32>,
        %parallel_loop3A_288 = vector.shape_cast %parallel_loop3A_287 : vector<1x16xf32> to vector<16xf32>
        %parallel_loop3A_289 = vector.shape_cast %parallel_loop3A_284 : vector<16xf32> to vector<1x16xf32>
        tpu.vector_store %arg9[%parallel_loop3A_285, %parallel_loop3A_286], %parallel_loop3A_289 {strides = array<i32>} : memref<200x128xf32, #tpu.memory_space<vmem>>, vector<1x16xf32>,
      } {sc.loop_unroll_factor = 2 : i64, sc.parallel_access}
      %add3A_99 = arith.constant 2 : i32
      %add3A_100 = arith.addi %mul3A_83, %add3A_99 : i32
      %lt3A_101 = arith.constant 50 : i32
      %lt3A_102 = arith.cmpi slt, %add3A_100, %lt3A_101 : i32
      %convert_element_type3A_103 = arith.extui %lt3A_102 : i1 to i32
      %cond3A_104 = arith.constant 0 : i32
      %cond3A_105 = arith.cmpi ne, %convert_element_type3A_103, %cond3A_104 : i32
      scf.if %cond3A_105 {
        %ge3A = arith.constant 1 : i32
        %ge3A_185 = arith.cmpi sge, %mul3A_83, %ge3A : i32
        %convert_element_type3A_186 = arith.extui %ge3A_185 : i1 to i32
        %cond3A_187 = arith.constant 0 : i32
        %cond3A_188 = arith.cmpi ne, %convert_element_type3A_186, %cond3A_187 : i32
        scf.if %cond3A_188 {
          %dma_wait3A_197 = arith.constant 0 : i32
          %dma_wait3A_198 = tpu.memref_slice %arg6[%mul3A_2, %dma_wait3A_197] : memref<320000x128xf32, #tpu.memory_space<hbm>> -> memref<200x128xf32, #tpu.memory_space<hbm>>
          %dma_wait3A_199 = arith.constant 0 : i32
          %dma_wait3A_200 = tpu.memref_slice %arg6[%mul3A_2, %dma_wait3A_199] : memref<320000x128xf32, #tpu.memory_space<hbm>> -> memref<200x128xf32, #tpu.memory_space<hbm>>
          tpu.wait_dma2 semaphore(%arg20 : memref<!tpu.dma_semaphore, #tpu.memory_space<semaphore_mem>>) src(%arg11 : memref<200x128xf32, #tpu.memory_space<vmem>>) dst(%dma_wait3A_200 : memref<200x128xf32, #tpu.memory_space<hbm>>)
        } else {
        }
        %add3A_189 = arith.constant 2 : i32
        %add3A_190 = arith.addi %mul3A_83, %add3A_189 : i32
        %mul3A_191 = arith.constant 200 : i32
        %mul3A_192 = arith.muli %add3A_190, %mul3A_191 : i32
        %dma_start3A_193 = tpu.memref_slice %arg7[%mul3A_192] : memref<10000xi32, #tpu.memory_space<vmem>> -> memref<200xi32, #tpu.memory_space<vmem>>
        %dma_start3A_194 = arith.constant 0 : i32
        %dma_start3A_195 = arith.constant 0 : i32
        %dma_start3A_196 = tpu.memref_slice %arg2[%dma_start3A_194, %dma_start3A_195] : memref<10000x128xf32, #tpu.memory_space<hbm>> -> memref<10000x128xf32, #tpu.memory_space<hbm>>
        tpu.enqueue_indirect_dma source(%dma_start3A_196 : memref<10000x128xf32, #tpu.memory_space<hbm>>) target(%arg11 : memref<200x128xf32, #tpu.memory_space<vmem>>) offsets(%dma_start3A_193 : memref<200xi32, #tpu.memory_space<vmem>>) semaphore(%arg18 : memref<!tpu.dma_semaphore, #tpu.memory_space<semaphore_mem>>)
      } else {
      }
      %mul3A_106 = arith.constant 200 : i32
      %mul3A_107 = arith.muli %mul3A_83, %mul3A_106 : i32
      %add3A_108 = arith.addi %mul3A_2, %mul3A_107 : i32
      %dma_start3A_109 = arith.constant 0 : i32
      %dma_start3A_110 = tpu.memref_slice %arg6[%add3A_108, %dma_start3A_109] : memref<320000x128xf32, #tpu.memory_space<hbm>> -> memref<200x128xf32, #tpu.memory_space<hbm>>
      %dma_start3A_111 = arith.constant 0 : i32
      %dma_start3A_112 = tpu.memref_slice %arg6[%add3A_108, %dma_start3A_111] : memref<320000x128xf32, #tpu.memory_space<hbm>> -> memref<200x128xf32, #tpu.memory_space<hbm>>
      tpu.enqueue_dma source(%arg9 : memref<200x128xf32, #tpu.memory_space<vmem>>) target(%dma_start3A_112 : memref<200x128xf32, #tpu.memory_space<hbm>>) target_semaphore(%arg14 : memref<!tpu.dma_semaphore, #tpu.memory_space<semaphore_mem>>)
      %mul3A_113 = arith.constant 3 : i32
      %mul3A_114 = arith.muli %mul3A_113, %scan3A_81 : i32
      %add3A_115 = arith.constant 1 : i32
      %add3A_116 = arith.addi %mul3A_114, %add3A_115 : i32
      %dma_wait3A_117 = arith.constant 0 : i32
      %dma_wait3A_118 = tpu.memref_slice %arg8[%dma_wait3A_117] : memref<10000xi32, #tpu.memory_space<vmem>> -> memref<200xi32, #tpu.memory_space<vmem>>
      %dma_wait3A_119 = arith.constant 0 : i32
      %dma_wait3A_120 = arith.constant 0 : i32
      %dma_wait3A_121 = tpu.memref_slice %arg3[%dma_wait3A_119, %dma_wait3A_120] : memref<10000x128xf32, #tpu.memory_space<hbm>> -> memref<10000x128xf32, #tpu.memory_space<hbm>>
      tpu.wait_indirect_dma semaphore(%arg16 : memref<!tpu.dma_semaphore, #tpu.memory_space<semaphore_mem>>) src(%dma_wait3A_121 : memref<10000x128xf32, #tpu.memory_space<hbm>>) dst(%arg10 : memref<200x128xf32, #tpu.memory_space<vmem>>)
      %parallel_loop3A_122 = arith.constant 0 : i32
      %parallel_loop3A_123 = arith.constant 100 : i32
      %parallel_loop3A_124 = arith.constant 1 : i32
      scf.for %parallel_loop3A_185 = %parallel_loop3A_122 to %parallel_loop3A_123 step %parallel_loop3A_124  : i32 {
        %parallel_loop3A_186 = arith.index_cast %parallel_loop3A_185 : i32 to index
        %parallel_loop3A_187 = arith.constant 0 : index
        %parallel_loop3A_188 = tpu.vector_load %arg10[%parallel_loop3A_186, %parallel_loop3A_187] {strides = array<i32>} : memref<200x128xf32, #tpu.memory_space<vmem>>, vector<1x16xf32>,
        %parallel_loop3A_189 = vector.shape_cast %parallel_loop3A_188 : vector<1x16xf32> to vector<16xf32>
        %parallel_loop3A_190 = arith.constant 0.00999999977 : f32
        %parallel_loop3A_191 = vector.broadcast %parallel_loop3A_190 : f32 to vector<16xf32>
        %parallel_loop3A_192 = arith.mulf %parallel_loop3A_189, %parallel_loop3A_191 : vector<16xf32>
        %parallel_loop3A_193 = arith.maximumf %parallel_loop3A_189, %parallel_loop3A_192 : vector<16xf32>
        %parallel_loop3A_194 = arith.index_cast %parallel_loop3A_185 : i32 to index
        %parallel_loop3A_195 = arith.constant 0 : index
        %parallel_loop3A_196 = tpu.vector_load %arg10[%parallel_loop3A_194, %parallel_loop3A_195] {strides = array<i32>} : memref<200x128xf32, #tpu.memory_space<vmem>>, vector<1x16xf32>,
        %parallel_loop3A_197 = vector.shape_cast %parallel_loop3A_196 : vector<1x16xf32> to vector<16xf32>
        %parallel_loop3A_198 = vector.shape_cast %parallel_loop3A_193 : vector<16xf32> to vector<1x16xf32>
        tpu.vector_store %arg10[%parallel_loop3A_194, %parallel_loop3A_195], %parallel_loop3A_198 {strides = array<i32>} : memref<200x128xf32, #tpu.memory_space<vmem>>, vector<1x16xf32>,
        %parallel_loop3A_199 = arith.index_cast %parallel_loop3A_185 : i32 to index
        %parallel_loop3A_200 = arith.constant 16 : index
        %parallel_loop3A_201 = tpu.vector_load %arg10[%parallel_loop3A_199, %parallel_loop3A_200] {strides = array<i32>} : memref<200x128xf32, #tpu.memory_space<vmem>>, vector<1x16xf32>,
        %parallel_loop3A_202 = vector.shape_cast %parallel_loop3A_201 : vector<1x16xf32> to vector<16xf32>
        %parallel_loop3A_203 = arith.constant 0.00999999977 : f32
        %parallel_loop3A_204 = vector.broadcast %parallel_loop3A_203 : f32 to vector<16xf32>
        %parallel_loop3A_205 = arith.mulf %parallel_loop3A_202, %parallel_loop3A_204 : vector<16xf32>
        %parallel_loop3A_206 = arith.maximumf %parallel_loop3A_202, %parallel_loop3A_205 : vector<16xf32>
        %parallel_loop3A_207 = arith.index_cast %parallel_loop3A_185 : i32 to index
        %parallel_loop3A_208 = arith.constant 16 : index
        %parallel_loop3A_209 = tpu.vector_load %arg10[%parallel_loop3A_207, %parallel_loop3A_208] {strides = array<i32>} : memref<200x128xf32, #tpu.memory_space<vmem>>, vector<1x16xf32>,
        %parallel_loop3A_210 = vector.shape_cast %parallel_loop3A_209 : vector<1x16xf32> to vector<16xf32>
        %parallel_loop3A_211 = vector.shape_cast %parallel_loop3A_206 : vector<16xf32> to vector<1x16xf32>
        tpu.vector_store %arg10[%parallel_loop3A_207, %parallel_loop3A_208], %parallel_loop3A_211 {strides = array<i32>} : memref<200x128xf32, #tpu.memory_space<vmem>>, vector<1x16xf32>,
        %parallel_loop3A_212 = arith.index_cast %parallel_loop3A_185 : i32 to index
        %parallel_loop3A_213 = arith.constant 32 : index
        %parallel_loop3A_214 = tpu.vector_load %arg10[%parallel_loop3A_212, %parallel_loop3A_213] {strides = array<i32>} : memref<200x128xf32, #tpu.memory_space<vmem>>, vector<1x16xf32>,
        %parallel_loop3A_215 = vector.shape_cast %parallel_loop3A_214 : vector<1x16xf32> to vector<16xf32>
        %parallel_loop3A_216 = arith.constant 0.00999999977 : f32
        %parallel_loop3A_217 = vector.broadcast %parallel_loop3A_216 : f32 to vector<16xf32>
        %parallel_loop3A_218 = arith.mulf %parallel_loop3A_215, %parallel_loop3A_217 : vector<16xf32>
        %parallel_loop3A_219 = arith.maximumf %parallel_loop3A_215, %parallel_loop3A_218 : vector<16xf32>
        %parallel_loop3A_220 = arith.index_cast %parallel_loop3A_185 : i32 to index
        %parallel_loop3A_221 = arith.constant 32 : index
        %parallel_loop3A_222 = tpu.vector_load %arg10[%parallel_loop3A_220, %parallel_loop3A_221] {strides = array<i32>} : memref<200x128xf32, #tpu.memory_space<vmem>>, vector<1x16xf32>,
        %parallel_loop3A_223 = vector.shape_cast %parallel_loop3A_222 : vector<1x16xf32> to vector<16xf32>
        %parallel_loop3A_224 = vector.shape_cast %parallel_loop3A_219 : vector<16xf32> to vector<1x16xf32>
        tpu.vector_store %arg10[%parallel_loop3A_220, %parallel_loop3A_221], %parallel_loop3A_224 {strides = array<i32>} : memref<200x128xf32, #tpu.memory_space<vmem>>, vector<1x16xf32>,
        %parallel_loop3A_225 = arith.index_cast %parallel_loop3A_185 : i32 to index
        %parallel_loop3A_226 = arith.constant 48 : index
        %parallel_loop3A_227 = tpu.vector_load %arg10[%parallel_loop3A_225, %parallel_loop3A_226] {strides = array<i32>} : memref<200x128xf32, #tpu.memory_space<vmem>>, vector<1x16xf32>,
        %parallel_loop3A_228 = vector.shape_cast %parallel_loop3A_227 : vector<1x16xf32> to vector<16xf32>
        %parallel_loop3A_229 = arith.constant 0.00999999977 : f32
        %parallel_loop3A_230 = vector.broadcast %parallel_loop3A_229 : f32 to vector<16xf32>
        %parallel_loop3A_231 = arith.mulf %parallel_loop3A_228, %parallel_loop3A_230 : vector<16xf32>
        %parallel_loop3A_232 = arith.maximumf %parallel_loop3A_228, %parallel_loop3A_231 : vector<16xf32>
        %parallel_loop3A_233 = arith.index_cast %parallel_loop3A_185 : i32 to index
        %parallel_loop3A_234 = arith.constant 48 : index
        %parallel_loop3A_235 = tpu.vector_load %arg10[%parallel_loop3A_233, %parallel_loop3A_234] {strides = array<i32>} : memref<200x128xf32, #tpu.memory_space<vmem>>, vector<1x16xf32>,
        %parallel_loop3A_236 = vector.shape_cast %parallel_loop3A_235 : vector<1x16xf32> to vector<16xf32>
        %parallel_loop3A_237 = vector.shape_cast %parallel_loop3A_232 : vector<16xf32> to vector<1x16xf32>
        tpu.vector_store %arg10[%parallel_loop3A_233, %parallel_loop3A_234], %parallel_loop3A_237 {strides = array<i32>} : memref<200x128xf32, #tpu.memory_space<vmem>>, vector<1x16xf32>,
        %parallel_loop3A_238 = arith.index_cast %parallel_loop3A_185 : i32 to index
        %parallel_loop3A_239 = arith.constant 64 : index
        %parallel_loop3A_240 = tpu.vector_load %arg10[%parallel_loop3A_238, %parallel_loop3A_239] {strides = array<i32>} : memref<200x128xf32, #tpu.memory_space<vmem>>, vector<1x16xf32>,
        %parallel_loop3A_241 = vector.shape_cast %parallel_loop3A_240 : vector<1x16xf32> to vector<16xf32>
        %parallel_loop3A_242 = arith.constant 0.00999999977 : f32
        %parallel_loop3A_243 = vector.broadcast %parallel_loop3A_242 : f32 to vector<16xf32>
        %parallel_loop3A_244 = arith.mulf %parallel_loop3A_241, %parallel_loop3A_243 : vector<16xf32>
        %parallel_loop3A_245 = arith.maximumf %parallel_loop3A_241, %parallel_loop3A_244 : vector<16xf32>
        %parallel_loop3A_246 = arith.index_cast %parallel_loop3A_185 : i32 to index
        %parallel_loop3A_247 = arith.constant 64 : index
        %parallel_loop3A_248 = tpu.vector_load %arg10[%parallel_loop3A_246, %parallel_loop3A_247] {strides = array<i32>} : memref<200x128xf32, #tpu.memory_space<vmem>>, vector<1x16xf32>,
        %parallel_loop3A_249 = vector.shape_cast %parallel_loop3A_248 : vector<1x16xf32> to vector<16xf32>
        %parallel_loop3A_250 = vector.shape_cast %parallel_loop3A_245 : vector<16xf32> to vector<1x16xf32>
        tpu.vector_store %arg10[%parallel_loop3A_246, %parallel_loop3A_247], %parallel_loop3A_250 {strides = array<i32>} : memref<200x128xf32, #tpu.memory_space<vmem>>, vector<1x16xf32>,
        %parallel_loop3A_251 = arith.index_cast %parallel_loop3A_185 : i32 to index
        %parallel_loop3A_252 = arith.constant 80 : index
        %parallel_loop3A_253 = tpu.vector_load %arg10[%parallel_loop3A_251, %parallel_loop3A_252] {strides = array<i32>} : memref<200x128xf32, #tpu.memory_space<vmem>>, vector<1x16xf32>,
        %parallel_loop3A_254 = vector.shape_cast %parallel_loop3A_253 : vector<1x16xf32> to vector<16xf32>
        %parallel_loop3A_255 = arith.constant 0.00999999977 : f32
        %parallel_loop3A_256 = vector.broadcast %parallel_loop3A_255 : f32 to vector<16xf32>
        %parallel_loop3A_257 = arith.mulf %parallel_loop3A_254, %parallel_loop3A_256 : vector<16xf32>
        %parallel_loop3A_258 = arith.maximumf %parallel_loop3A_254, %parallel_loop3A_257 : vector<16xf32>
        %parallel_loop3A_259 = arith.index_cast %parallel_loop3A_185 : i32 to index
        %parallel_loop3A_260 = arith.constant 80 : index
        %parallel_loop3A_261 = tpu.vector_load %arg10[%parallel_loop3A_259, %parallel_loop3A_260] {strides = array<i32>} : memref<200x128xf32, #tpu.memory_space<vmem>>, vector<1x16xf32>,
        %parallel_loop3A_262 = vector.shape_cast %parallel_loop3A_261 : vector<1x16xf32> to vector<16xf32>
        %parallel_loop3A_263 = vector.shape_cast %parallel_loop3A_258 : vector<16xf32> to vector<1x16xf32>
        tpu.vector_store %arg10[%parallel_loop3A_259, %parallel_loop3A_260], %parallel_loop3A_263 {strides = array<i32>} : memref<200x128xf32, #tpu.memory_space<vmem>>, vector<1x16xf32>,
        %parallel_loop3A_264 = arith.index_cast %parallel_loop3A_185 : i32 to index
        %parallel_loop3A_265 = arith.constant 96 : index
        %parallel_loop3A_266 = tpu.vector_load %arg10[%parallel_loop3A_264, %parallel_loop3A_265] {strides = array<i32>} : memref<200x128xf32, #tpu.memory_space<vmem>>, vector<1x16xf32>,
        %parallel_loop3A_267 = vector.shape_cast %parallel_loop3A_266 : vector<1x16xf32> to vector<16xf32>
        %parallel_loop3A_268 = arith.constant 0.00999999977 : f32
        %parallel_loop3A_269 = vector.broadcast %parallel_loop3A_268 : f32 to vector<16xf32>
        %parallel_loop3A_270 = arith.mulf %parallel_loop3A_267, %parallel_loop3A_269 : vector<16xf32>
        %parallel_loop3A_271 = arith.maximumf %parallel_loop3A_267, %parallel_loop3A_270 : vector<16xf32>
        %parallel_loop3A_272 = arith.index_cast %parallel_loop3A_185 : i32 to index
        %parallel_loop3A_273 = arith.constant 96 : index
        %parallel_loop3A_274 = tpu.vector_load %arg10[%parallel_loop3A_272, %parallel_loop3A_273] {strides = array<i32>} : memref<200x128xf32, #tpu.memory_space<vmem>>, vector<1x16xf32>,
        %parallel_loop3A_275 = vector.shape_cast %parallel_loop3A_274 : vector<1x16xf32> to vector<16xf32>
        %parallel_loop3A_276 = vector.shape_cast %parallel_loop3A_271 : vector<16xf32> to vector<1x16xf32>
        tpu.vector_store %arg10[%parallel_loop3A_272, %parallel_loop3A_273], %parallel_loop3A_276 {strides = array<i32>} : memref<200x128xf32, #tpu.memory_space<vmem>>, vector<1x16xf32>,
        %parallel_loop3A_277 = arith.index_cast %parallel_loop3A_185 : i32 to index
        %parallel_loop3A_278 = arith.constant 112 : index
        %parallel_loop3A_279 = tpu.vector_load %arg10[%parallel_loop3A_277, %parallel_loop3A_278] {strides = array<i32>} : memref<200x128xf32, #tpu.memory_space<vmem>>, vector<1x16xf32>,
        %parallel_loop3A_280 = vector.shape_cast %parallel_loop3A_279 : vector<1x16xf32> to vector<16xf32>
        %parallel_loop3A_281 = arith.constant 0.00999999977 : f32
        %parallel_loop3A_282 = vector.broadcast %parallel_loop3A_281 : f32 to vector<16xf32>
        %parallel_loop3A_283 = arith.mulf %parallel_loop3A_280, %parallel_loop3A_282 : vector<16xf32>
        %parallel_loop3A_284 = arith.maximumf %parallel_loop3A_280, %parallel_loop3A_283 : vector<16xf32>
        %parallel_loop3A_285 = arith.index_cast %parallel_loop3A_185 : i32 to index
        %parallel_loop3A_286 = arith.constant 112 : index
        %parallel_loop3A_287 = tpu.vector_load %arg10[%parallel_loop3A_285, %parallel_loop3A_286] {strides = array<i32>} : memref<200x128xf32, #tpu.memory_space<vmem>>, vector<1x16xf32>,
        %parallel_loop3A_288 = vector.shape_cast %parallel_loop3A_287 : vector<1x16xf32> to vector<16xf32>
        %parallel_loop3A_289 = vector.shape_cast %parallel_loop3A_284 : vector<16xf32> to vector<1x16xf32>
        tpu.vector_store %arg10[%parallel_loop3A_285, %parallel_loop3A_286], %parallel_loop3A_289 {strides = array<i32>} : memref<200x128xf32, #tpu.memory_space<vmem>>, vector<1x16xf32>,
      } {sc.loop_unroll_factor = 2 : i64, sc.parallel_access}
      %add3A_125 = arith.constant 1 : i32
      %add3A_126 = arith.addi %add3A_116, %add3A_125 : i32
      %lt3A_127 = arith.constant 50 : i32
      %lt3A_128 = arith.cmpi slt, %add3A_126, %lt3A_127 : i32
      %convert_element_type3A_129 = arith.extui %lt3A_128 : i1 to i32
      %cond3A_130 = arith.constant 0 : i32
      %cond3A_131 = arith.cmpi ne, %convert_element_type3A_129, %cond3A_130 : i32
      scf.if %cond3A_131 {
        %dma_wait3A_185 = arith.constant 0 : i32
        %dma_wait3A_186 = tpu.memref_slice %arg7[%dma_wait3A_185] : memref<10000xi32, #tpu.memory_space<vmem>> -> memref<200xi32, #tpu.memory_space<vmem>>
        %dma_wait3A_187 = arith.constant 0 : i32
        %dma_wait3A_188 = arith.constant 0 : i32
        %dma_wait3A_189 = tpu.memref_slice %arg2[%dma_wait3A_187, %dma_wait3A_188] : memref<10000x128xf32, #tpu.memory_space<hbm>> -> memref<10000x128xf32, #tpu.memory_space<hbm>>
        tpu.wait_indirect_dma semaphore(%arg18 : memref<!tpu.dma_semaphore, #tpu.memory_space<semaphore_mem>>) src(%dma_wait3A_189 : memref<10000x128xf32, #tpu.memory_space<hbm>>) dst(%arg11 : memref<200x128xf32, #tpu.memory_space<vmem>>)
        %add3A_190 = arith.constant 1 : i32
        %add3A_191 = arith.addi %add3A_116, %add3A_190 : i32
        %mul3A_192 = arith.constant 200 : i32
        %mul3A_193 = arith.muli %add3A_191, %mul3A_192 : i32
        %dma_start3A_194 = tpu.memref_slice %arg8[%mul3A_193] : memref<10000xi32, #tpu.memory_space<vmem>> -> memref<200xi32, #tpu.memory_space<vmem>>
        %dma_start3A_195 = arith.constant 0 : i32
        %dma_start3A_196 = arith.constant 0 : i32
        %dma_start3A_197 = tpu.memref_slice %arg3[%dma_start3A_195, %dma_start3A_196] : memref<10000x128xf32, #tpu.memory_space<hbm>> -> memref<10000x128xf32, #tpu.memory_space<hbm>>
        tpu.enqueue_indirect_dma source(%dma_start3A_197 : memref<10000x128xf32, #tpu.memory_space<hbm>>) target(%arg11 : memref<200x128xf32, #tpu.memory_space<vmem>>) offsets(%dma_start3A_194 : memref<200xi32, #tpu.memory_space<vmem>>) semaphore(%arg19 : memref<!tpu.dma_semaphore, #tpu.memory_space<semaphore_mem>>) {add = true}
      } else {
      }
      %parallel_loop3A_132 = arith.constant 100 : i32
      %parallel_loop3A_133 = arith.constant 200 : i32
      %parallel_loop3A_134 = arith.constant 1 : i32
      scf.for %parallel_loop3A_185 = %parallel_loop3A_132 to %parallel_loop3A_133 step %parallel_loop3A_134  : i32 {
        %parallel_loop3A_186 = arith.index_cast %parallel_loop3A_185 : i32 to index
        %parallel_loop3A_187 = arith.constant 0 : index
        %parallel_loop3A_188 = tpu.vector_load %arg10[%parallel_loop3A_186, %parallel_loop3A_187] {strides = array<i32>} : memref<200x128xf32, #tpu.memory_space<vmem>>, vector<1x16xf32>,
        %parallel_loop3A_189 = vector.shape_cast %parallel_loop3A_188 : vector<1x16xf32> to vector<16xf32>
        %parallel_loop3A_190 = arith.constant 0.00999999977 : f32
        %parallel_loop3A_191 = vector.broadcast %parallel_loop3A_190 : f32 to vector<16xf32>
        %parallel_loop3A_192 = arith.mulf %parallel_loop3A_189, %parallel_loop3A_191 : vector<16xf32>
        %parallel_loop3A_193 = arith.maximumf %parallel_loop3A_189, %parallel_loop3A_192 : vector<16xf32>
        %parallel_loop3A_194 = arith.index_cast %parallel_loop3A_185 : i32 to index
        %parallel_loop3A_195 = arith.constant 0 : index
        %parallel_loop3A_196 = tpu.vector_load %arg10[%parallel_loop3A_194, %parallel_loop3A_195] {strides = array<i32>} : memref<200x128xf32, #tpu.memory_space<vmem>>, vector<1x16xf32>,
        %parallel_loop3A_197 = vector.shape_cast %parallel_loop3A_196 : vector<1x16xf32> to vector<16xf32>
        %parallel_loop3A_198 = vector.shape_cast %parallel_loop3A_193 : vector<16xf32> to vector<1x16xf32>
        tpu.vector_store %arg10[%parallel_loop3A_194, %parallel_loop3A_195], %parallel_loop3A_198 {strides = array<i32>} : memref<200x128xf32, #tpu.memory_space<vmem>>, vector<1x16xf32>,
        %parallel_loop3A_199 = arith.index_cast %parallel_loop3A_185 : i32 to index
        %parallel_loop3A_200 = arith.constant 16 : index
        %parallel_loop3A_201 = tpu.vector_load %arg10[%parallel_loop3A_199, %parallel_loop3A_200] {strides = array<i32>} : memref<200x128xf32, #tpu.memory_space<vmem>>, vector<1x16xf32>,
        %parallel_loop3A_202 = vector.shape_cast %parallel_loop3A_201 : vector<1x16xf32> to vector<16xf32>
        %parallel_loop3A_203 = arith.constant 0.00999999977 : f32
        %parallel_loop3A_204 = vector.broadcast %parallel_loop3A_203 : f32 to vector<16xf32>
        %parallel_loop3A_205 = arith.mulf %parallel_loop3A_202, %parallel_loop3A_204 : vector<16xf32>
        %parallel_loop3A_206 = arith.maximumf %parallel_loop3A_202, %parallel_loop3A_205 : vector<16xf32>
        %parallel_loop3A_207 = arith.index_cast %parallel_loop3A_185 : i32 to index
        %parallel_loop3A_208 = arith.constant 16 : index
        %parallel_loop3A_209 = tpu.vector_load %arg10[%parallel_loop3A_207, %parallel_loop3A_208] {strides = array<i32>} : memref<200x128xf32, #tpu.memory_space<vmem>>, vector<1x16xf32>,
        %parallel_loop3A_210 = vector.shape_cast %parallel_loop3A_209 : vector<1x16xf32> to vector<16xf32>
        %parallel_loop3A_211 = vector.shape_cast %parallel_loop3A_206 : vector<16xf32> to vector<1x16xf32>
        tpu.vector_store %arg10[%parallel_loop3A_207, %parallel_loop3A_208], %parallel_loop3A_211 {strides = array<i32>} : memref<200x128xf32, #tpu.memory_space<vmem>>, vector<1x16xf32>,
        %parallel_loop3A_212 = arith.index_cast %parallel_loop3A_185 : i32 to index
        %parallel_loop3A_213 = arith.constant 32 : index
        %parallel_loop3A_214 = tpu.vector_load %arg10[%parallel_loop3A_212, %parallel_loop3A_213] {strides = array<i32>} : memref<200x128xf32, #tpu.memory_space<vmem>>, vector<1x16xf32>,
        %parallel_loop3A_215 = vector.shape_cast %parallel_loop3A_214 : vector<1x16xf32> to vector<16xf32>
        %parallel_loop3A_216 = arith.constant 0.00999999977 : f32
        %parallel_loop3A_217 = vector.broadcast %parallel_loop3A_216 : f32 to vector<16xf32>
        %parallel_loop3A_218 = arith.mulf %parallel_loop3A_215, %parallel_loop3A_217 : vector<16xf32>
        %parallel_loop3A_219 = arith.maximumf %parallel_loop3A_215, %parallel_loop3A_218 : vector<16xf32>
        %parallel_loop3A_220 = arith.index_cast %parallel_loop3A_185 : i32 to index
        %parallel_loop3A_221 = arith.constant 32 : index
        %parallel_loop3A_222 = tpu.vector_load %arg10[%parallel_loop3A_220, %parallel_loop3A_221] {strides = array<i32>} : memref<200x128xf32, #tpu.memory_space<vmem>>, vector<1x16xf32>,
        %parallel_loop3A_223 = vector.shape_cast %parallel_loop3A_222 : vector<1x16xf32> to vector<16xf32>
        %parallel_loop3A_224 = vector.shape_cast %parallel_loop3A_219 : vector<16xf32> to vector<1x16xf32>
        tpu.vector_store %arg10[%parallel_loop3A_220, %parallel_loop3A_221], %parallel_loop3A_224 {strides = array<i32>} : memref<200x128xf32, #tpu.memory_space<vmem>>, vector<1x16xf32>,
        %parallel_loop3A_225 = arith.index_cast %parallel_loop3A_185 : i32 to index
        %parallel_loop3A_226 = arith.constant 48 : index
        %parallel_loop3A_227 = tpu.vector_load %arg10[%parallel_loop3A_225, %parallel_loop3A_226] {strides = array<i32>} : memref<200x128xf32, #tpu.memory_space<vmem>>, vector<1x16xf32>,
        %parallel_loop3A_228 = vector.shape_cast %parallel_loop3A_227 : vector<1x16xf32> to vector<16xf32>
        %parallel_loop3A_229 = arith.constant 0.00999999977 : f32
        %parallel_loop3A_230 = vector.broadcast %parallel_loop3A_229 : f32 to vector<16xf32>
        %parallel_loop3A_231 = arith.mulf %parallel_loop3A_228, %parallel_loop3A_230 : vector<16xf32>
        %parallel_loop3A_232 = arith.maximumf %parallel_loop3A_228, %parallel_loop3A_231 : vector<16xf32>
        %parallel_loop3A_233 = arith.index_cast %parallel_loop3A_185 : i32 to index
        %parallel_loop3A_234 = arith.constant 48 : index
        %parallel_loop3A_235 = tpu.vector_load %arg10[%parallel_loop3A_233, %parallel_loop3A_234] {strides = array<i32>} : memref<200x128xf32, #tpu.memory_space<vmem>>, vector<1x16xf32>,
        %parallel_loop3A_236 = vector.shape_cast %parallel_loop3A_235 : vector<1x16xf32> to vector<16xf32>
        %parallel_loop3A_237 = vector.shape_cast %parallel_loop3A_232 : vector<16xf32> to vector<1x16xf32>
        tpu.vector_store %arg10[%parallel_loop3A_233, %parallel_loop3A_234], %parallel_loop3A_237 {strides = array<i32>} : memref<200x128xf32, #tpu.memory_space<vmem>>, vector<1x16xf32>,
        %parallel_loop3A_238 = arith.index_cast %parallel_loop3A_185 : i32 to index
        %parallel_loop3A_239 = arith.constant 64 : index
        %parallel_loop3A_240 = tpu.vector_load %arg10[%parallel_loop3A_238, %parallel_loop3A_239] {strides = array<i32>} : memref<200x128xf32, #tpu.memory_space<vmem>>, vector<1x16xf32>,
        %parallel_loop3A_241 = vector.shape_cast %parallel_loop3A_240 : vector<1x16xf32> to vector<16xf32>
        %parallel_loop3A_242 = arith.constant 0.00999999977 : f32
        %parallel_loop3A_243 = vector.broadcast %parallel_loop3A_242 : f32 to vector<16xf32>
        %parallel_loop3A_244 = arith.mulf %parallel_loop3A_241, %parallel_loop3A_243 : vector<16xf32>
        %parallel_loop3A_245 = arith.maximumf %parallel_loop3A_241, %parallel_loop3A_244 : vector<16xf32>
        %parallel_loop3A_246 = arith.index_cast %parallel_loop3A_185 : i32 to index
        %parallel_loop3A_247 = arith.constant 64 : index
        %parallel_loop3A_248 = tpu.vector_load %arg10[%parallel_loop3A_246, %parallel_loop3A_247] {strides = array<i32>} : memref<200x128xf32, #tpu.memory_space<vmem>>, vector<1x16xf32>,
        %parallel_loop3A_249 = vector.shape_cast %parallel_loop3A_248 : vector<1x16xf32> to vector<16xf32>
        %parallel_loop3A_250 = vector.shape_cast %parallel_loop3A_245 : vector<16xf32> to vector<1x16xf32>
        tpu.vector_store %arg10[%parallel_loop3A_246, %parallel_loop3A_247], %parallel_loop3A_250 {strides = array<i32>} : memref<200x128xf32, #tpu.memory_space<vmem>>, vector<1x16xf32>,
        %parallel_loop3A_251 = arith.index_cast %parallel_loop3A_185 : i32 to index
        %parallel_loop3A_252 = arith.constant 80 : index
        %parallel_loop3A_253 = tpu.vector_load %arg10[%parallel_loop3A_251, %parallel_loop3A_252] {strides = array<i32>} : memref<200x128xf32, #tpu.memory_space<vmem>>, vector<1x16xf32>,
        %parallel_loop3A_254 = vector.shape_cast %parallel_loop3A_253 : vector<1x16xf32> to vector<16xf32>
        %parallel_loop3A_255 = arith.constant 0.00999999977 : f32
        %parallel_loop3A_256 = vector.broadcast %parallel_loop3A_255 : f32 to vector<16xf32>
        %parallel_loop3A_257 = arith.mulf %parallel_loop3A_254, %parallel_loop3A_256 : vector<16xf32>
        %parallel_loop3A_258 = arith.maximumf %parallel_loop3A_254, %parallel_loop3A_257 : vector<16xf32>
        %parallel_loop3A_259 = arith.index_cast %parallel_loop3A_185 : i32 to index
        %parallel_loop3A_260 = arith.constant 80 : index
        %parallel_loop3A_261 = tpu.vector_load %arg10[%parallel_loop3A_259, %parallel_loop3A_260] {strides = array<i32>} : memref<200x128xf32, #tpu.memory_space<vmem>>, vector<1x16xf32>,
        %parallel_loop3A_262 = vector.shape_cast %parallel_loop3A_261 : vector<1x16xf32> to vector<16xf32>
        %parallel_loop3A_263 = vector.shape_cast %parallel_loop3A_258 : vector<16xf32> to vector<1x16xf32>
        tpu.vector_store %arg10[%parallel_loop3A_259, %parallel_loop3A_260], %parallel_loop3A_263 {strides = array<i32>} : memref<200x128xf32, #tpu.memory_space<vmem>>, vector<1x16xf32>,
        %parallel_loop3A_264 = arith.index_cast %parallel_loop3A_185 : i32 to index
        %parallel_loop3A_265 = arith.constant 96 : index
        %parallel_loop3A_266 = tpu.vector_load %arg10[%parallel_loop3A_264, %parallel_loop3A_265] {strides = array<i32>} : memref<200x128xf32, #tpu.memory_space<vmem>>, vector<1x16xf32>,
        %parallel_loop3A_267 = vector.shape_cast %parallel_loop3A_266 : vector<1x16xf32> to vector<16xf32>
        %parallel_loop3A_268 = arith.constant 0.00999999977 : f32
        %parallel_loop3A_269 = vector.broadcast %parallel_loop3A_268 : f32 to vector<16xf32>
        %parallel_loop3A_270 = arith.mulf %parallel_loop3A_267, %parallel_loop3A_269 : vector<16xf32>
        %parallel_loop3A_271 = arith.maximumf %parallel_loop3A_267, %parallel_loop3A_270 : vector<16xf32>
        %parallel_loop3A_272 = arith.index_cast %parallel_loop3A_185 : i32 to index
        %parallel_loop3A_273 = arith.constant 96 : index
        %parallel_loop3A_274 = tpu.vector_load %arg10[%parallel_loop3A_272, %parallel_loop3A_273] {strides = array<i32>} : memref<200x128xf32, #tpu.memory_space<vmem>>, vector<1x16xf32>,
        %parallel_loop3A_275 = vector.shape_cast %parallel_loop3A_274 : vector<1x16xf32> to vector<16xf32>
        %parallel_loop3A_276 = vector.shape_cast %parallel_loop3A_271 : vector<16xf32> to vector<1x16xf32>
        tpu.vector_store %arg10[%parallel_loop3A_272, %parallel_loop3A_273], %parallel_loop3A_276 {strides = array<i32>} : memref<200x128xf32, #tpu.memory_space<vmem>>, vector<1x16xf32>,
        %parallel_loop3A_277 = arith.index_cast %parallel_loop3A_185 : i32 to index
        %parallel_loop3A_278 = arith.constant 112 : index
        %parallel_loop3A_279 = tpu.vector_load %arg10[%parallel_loop3A_277, %parallel_loop3A_278] {strides = array<i32>} : memref<200x128xf32, #tpu.memory_space<vmem>>, vector<1x16xf32>,
        %parallel_loop3A_280 = vector.shape_cast %parallel_loop3A_279 : vector<1x16xf32> to vector<16xf32>
        %parallel_loop3A_281 = arith.constant 0.00999999977 : f32
        %parallel_loop3A_282 = vector.broadcast %parallel_loop3A_281 : f32 to vector<16xf32>
        %parallel_loop3A_283 = arith.mulf %parallel_loop3A_280, %parallel_loop3A_282 : vector<16xf32>
        %parallel_loop3A_284 = arith.maximumf %parallel_loop3A_280, %parallel_loop3A_283 : vector<16xf32>
        %parallel_loop3A_285 = arith.index_cast %parallel_loop3A_185 : i32 to index
        %parallel_loop3A_286 = arith.constant 112 : index
        %parallel_loop3A_287 = tpu.vector_load %arg10[%parallel_loop3A_285, %parallel_loop3A_286] {strides = array<i32>} : memref<200x128xf32, #tpu.memory_space<vmem>>, vector<1x16xf32>,
        %parallel_loop3A_288 = vector.shape_cast %parallel_loop3A_287 : vector<1x16xf32> to vector<16xf32>
        %parallel_loop3A_289 = vector.shape_cast %parallel_loop3A_284 : vector<16xf32> to vector<1x16xf32>
        tpu.vector_store %arg10[%parallel_loop3A_285, %parallel_loop3A_286], %parallel_loop3A_289 {strides = array<i32>} : memref<200x128xf32, #tpu.memory_space<vmem>>, vector<1x16xf32>,
      } {sc.loop_unroll_factor = 2 : i64, sc.parallel_access}
      %add3A_135 = arith.constant 2 : i32
      %add3A_136 = arith.addi %add3A_116, %add3A_135 : i32
      %lt3A_137 = arith.constant 50 : i32
      %lt3A_138 = arith.cmpi slt, %add3A_136, %lt3A_137 : i32
      %convert_element_type3A_139 = arith.extui %lt3A_138 : i1 to i32
      %cond3A_140 = arith.constant 0 : i32
      %cond3A_141 = arith.cmpi ne, %convert_element_type3A_139, %cond3A_140 : i32
      scf.if %cond3A_141 {
        %ge3A = arith.constant 1 : i32
        %ge3A_185 = arith.cmpi sge, %add3A_116, %ge3A : i32
        %convert_element_type3A_186 = arith.extui %ge3A_185 : i1 to i32
        %cond3A_187 = arith.constant 0 : i32
        %cond3A_188 = arith.cmpi ne, %convert_element_type3A_186, %cond3A_187 : i32
        scf.if %cond3A_188 {
          %dma_wait3A_197 = arith.constant 0 : i32
          %dma_wait3A_198 = tpu.memref_slice %arg6[%mul3A_2, %dma_wait3A_197] : memref<320000x128xf32, #tpu.memory_space<hbm>> -> memref<200x128xf32, #tpu.memory_space<hbm>>
          %dma_wait3A_199 = arith.constant 0 : i32
          %dma_wait3A_200 = tpu.memref_slice %arg6[%mul3A_2, %dma_wait3A_199] : memref<320000x128xf32, #tpu.memory_space<hbm>> -> memref<200x128xf32, #tpu.memory_space<hbm>>
          tpu.wait_dma2 semaphore(%arg14 : memref<!tpu.dma_semaphore, #tpu.memory_space<semaphore_mem>>) src(%arg9 : memref<200x128xf32, #tpu.memory_space<vmem>>) dst(%dma_wait3A_200 : memref<200x128xf32, #tpu.memory_space<hbm>>)
        } else {
        }
        %add3A_189 = arith.constant 2 : i32
        %add3A_190 = arith.addi %add3A_116, %add3A_189 : i32
        %mul3A_191 = arith.constant 200 : i32
        %mul3A_192 = arith.muli %add3A_190, %mul3A_191 : i32
        %dma_start3A_193 = tpu.memref_slice %arg7[%mul3A_192] : memref<10000xi32, #tpu.memory_space<vmem>> -> memref<200xi32, #tpu.memory_space<vmem>>
        %dma_start3A_194 = arith.constant 0 : i32
        %dma_start3A_195 = arith.constant 0 : i32
        %dma_start3A_196 = tpu.memref_slice %arg2[%dma_start3A_194, %dma_start3A_195] : memref<10000x128xf32, #tpu.memory_space<hbm>> -> memref<10000x128xf32, #tpu.memory_space<hbm>>
        tpu.enqueue_indirect_dma source(%dma_start3A_196 : memref<10000x128xf32, #tpu.memory_space<hbm>>) target(%arg9 : memref<200x128xf32, #tpu.memory_space<vmem>>) offsets(%dma_start3A_193 : memref<200xi32, #tpu.memory_space<vmem>>) semaphore(%arg12 : memref<!tpu.dma_semaphore, #tpu.memory_space<semaphore_mem>>)
      } else {
      }
      %mul3A_142 = arith.constant 200 : i32
      %mul3A_143 = arith.muli %add3A_116, %mul3A_142 : i32
      %add3A_144 = arith.addi %mul3A_2, %mul3A_143 : i32
      %dma_start3A_145 = arith.constant 0 : i32
      %dma_start3A_146 = tpu.memref_slice %arg6[%add3A_144, %dma_start3A_145] : memref<320000x128xf32, #tpu.memory_space<hbm>> -> memref<200x128xf32, #tpu.memory_space<hbm>>
      %dma_start3A_147 = arith.constant 0 : i32
      %dma_start3A_148 = tpu.memref_slice %arg6[%add3A_144, %dma_start3A_147] : memref<320000x128xf32, #tpu.memory_space<hbm>> -> memref<200x128xf32, #tpu.memory_space<hbm>>
      tpu.enqueue_dma source(%arg10 : memref<200x128xf32, #tpu.memory_space<vmem>>) target(%dma_start3A_148 : memref<200x128xf32, #tpu.memory_space<hbm>>) target_semaphore(%arg17 : memref<!tpu.dma_semaphore, #tpu.memory_space<semaphore_mem>>)
      %mul3A_149 = arith.constant 3 : i32
      %mul3A_150 = arith.muli %mul3A_149, %scan3A_81 : i32
      %add3A_151 = arith.constant 2 : i32
      %add3A_152 = arith.addi %mul3A_150, %add3A_151 : i32
      %dma_wait3A_153 = arith.constant 0 : i32
      %dma_wait3A_154 = tpu.memref_slice %arg8[%dma_wait3A_153] : memref<10000xi32, #tpu.memory_space<vmem>> -> memref<200xi32, #tpu.memory_space<vmem>>
      %dma_wait3A_155 = arith.constant 0 : i32
      %dma_wait3A_156 = arith.constant 0 : i32
      %dma_wait3A_157 = tpu.memref_slice %arg3[%dma_wait3A_155, %dma_wait3A_156] : memref<10000x128xf32, #tpu.memory_space<hbm>> -> memref<10000x128xf32, #tpu.memory_space<hbm>>
      tpu.wait_indirect_dma semaphore(%arg19 : memref<!tpu.dma_semaphore, #tpu.memory_space<semaphore_mem>>) src(%dma_wait3A_157 : memref<10000x128xf32, #tpu.memory_space<hbm>>) dst(%arg11 : memref<200x128xf32, #tpu.memory_space<vmem>>)
      %parallel_loop3A_158 = arith.constant 0 : i32
      %parallel_loop3A_159 = arith.constant 100 : i32
      %parallel_loop3A_160 = arith.constant 1 : i32
      scf.for %parallel_loop3A_185 = %parallel_loop3A_158 to %parallel_loop3A_159 step %parallel_loop3A_160  : i32 {
        %parallel_loop3A_186 = arith.index_cast %parallel_loop3A_185 : i32 to index
        %parallel_loop3A_187 = arith.constant 0 : index
        %parallel_loop3A_188 = tpu.vector_load %arg11[%parallel_loop3A_186, %parallel_loop3A_187] {strides = array<i32>} : memref<200x128xf32, #tpu.memory_space<vmem>>, vector<1x16xf32>,
        %parallel_loop3A_189 = vector.shape_cast %parallel_loop3A_188 : vector<1x16xf32> to vector<16xf32>
        %parallel_loop3A_190 = arith.constant 0.00999999977 : f32
        %parallel_loop3A_191 = vector.broadcast %parallel_loop3A_190 : f32 to vector<16xf32>
        %parallel_loop3A_192 = arith.mulf %parallel_loop3A_189, %parallel_loop3A_191 : vector<16xf32>
        %parallel_loop3A_193 = arith.maximumf %parallel_loop3A_189, %parallel_loop3A_192 : vector<16xf32>
        %parallel_loop3A_194 = arith.index_cast %parallel_loop3A_185 : i32 to index
        %parallel_loop3A_195 = arith.constant 0 : index
        %parallel_loop3A_196 = tpu.vector_load %arg11[%parallel_loop3A_194, %parallel_loop3A_195] {strides = array<i32>} : memref<200x128xf32, #tpu.memory_space<vmem>>, vector<1x16xf32>,
        %parallel_loop3A_197 = vector.shape_cast %parallel_loop3A_196 : vector<1x16xf32> to vector<16xf32>
        %parallel_loop3A_198 = vector.shape_cast %parallel_loop3A_193 : vector<16xf32> to vector<1x16xf32>
        tpu.vector_store %arg11[%parallel_loop3A_194, %parallel_loop3A_195], %parallel_loop3A_198 {strides = array<i32>} : memref<200x128xf32, #tpu.memory_space<vmem>>, vector<1x16xf32>,
        %parallel_loop3A_199 = arith.index_cast %parallel_loop3A_185 : i32 to index
        %parallel_loop3A_200 = arith.constant 16 : index
        %parallel_loop3A_201 = tpu.vector_load %arg11[%parallel_loop3A_199, %parallel_loop3A_200] {strides = array<i32>} : memref<200x128xf32, #tpu.memory_space<vmem>>, vector<1x16xf32>,
        %parallel_loop3A_202 = vector.shape_cast %parallel_loop3A_201 : vector<1x16xf32> to vector<16xf32>
        %parallel_loop3A_203 = arith.constant 0.00999999977 : f32
        %parallel_loop3A_204 = vector.broadcast %parallel_loop3A_203 : f32 to vector<16xf32>
        %parallel_loop3A_205 = arith.mulf %parallel_loop3A_202, %parallel_loop3A_204 : vector<16xf32>
        %parallel_loop3A_206 = arith.maximumf %parallel_loop3A_202, %parallel_loop3A_205 : vector<16xf32>
        %parallel_loop3A_207 = arith.index_cast %parallel_loop3A_185 : i32 to index
        %parallel_loop3A_208 = arith.constant 16 : index
        %parallel_loop3A_209 = tpu.vector_load %arg11[%parallel_loop3A_207, %parallel_loop3A_208] {strides = array<i32>} : memref<200x128xf32, #tpu.memory_space<vmem>>, vector<1x16xf32>,
        %parallel_loop3A_210 = vector.shape_cast %parallel_loop3A_209 : vector<1x16xf32> to vector<16xf32>
        %parallel_loop3A_211 = vector.shape_cast %parallel_loop3A_206 : vector<16xf32> to vector<1x16xf32>
        tpu.vector_store %arg11[%parallel_loop3A_207, %parallel_loop3A_208], %parallel_loop3A_211 {strides = array<i32>} : memref<200x128xf32, #tpu.memory_space<vmem>>, vector<1x16xf32>,
        %parallel_loop3A_212 = arith.index_cast %parallel_loop3A_185 : i32 to index
        %parallel_loop3A_213 = arith.constant 32 : index
        %parallel_loop3A_214 = tpu.vector_load %arg11[%parallel_loop3A_212, %parallel_loop3A_213] {strides = array<i32>} : memref<200x128xf32, #tpu.memory_space<vmem>>, vector<1x16xf32>,
        %parallel_loop3A_215 = vector.shape_cast %parallel_loop3A_214 : vector<1x16xf32> to vector<16xf32>
        %parallel_loop3A_216 = arith.constant 0.00999999977 : f32
        %parallel_loop3A_217 = vector.broadcast %parallel_loop3A_216 : f32 to vector<16xf32>
        %parallel_loop3A_218 = arith.mulf %parallel_loop3A_215, %parallel_loop3A_217 : vector<16xf32>
        %parallel_loop3A_219 = arith.maximumf %parallel_loop3A_215, %parallel_loop3A_218 : vector<16xf32>
        %parallel_loop3A_220 = arith.index_cast %parallel_loop3A_185 : i32 to index
        %parallel_loop3A_221 = arith.constant 32 : index
        %parallel_loop3A_222 = tpu.vector_load %arg11[%parallel_loop3A_220, %parallel_loop3A_221] {strides = array<i32>} : memref<200x128xf32, #tpu.memory_space<vmem>>, vector<1x16xf32>,
        %parallel_loop3A_223 = vector.shape_cast %parallel_loop3A_222 : vector<1x16xf32> to vector<16xf32>
        %parallel_loop3A_224 = vector.shape_cast %parallel_loop3A_219 : vector<16xf32> to vector<1x16xf32>
        tpu.vector_store %arg11[%parallel_loop3A_220, %parallel_loop3A_221], %parallel_loop3A_224 {strides = array<i32>} : memref<200x128xf32, #tpu.memory_space<vmem>>, vector<1x16xf32>,
        %parallel_loop3A_225 = arith.index_cast %parallel_loop3A_185 : i32 to index
        %parallel_loop3A_226 = arith.constant 48 : index
        %parallel_loop3A_227 = tpu.vector_load %arg11[%parallel_loop3A_225, %parallel_loop3A_226] {strides = array<i32>} : memref<200x128xf32, #tpu.memory_space<vmem>>, vector<1x16xf32>,
        %parallel_loop3A_228 = vector.shape_cast %parallel_loop3A_227 : vector<1x16xf32> to vector<16xf32>
        %parallel_loop3A_229 = arith.constant 0.00999999977 : f32
        %parallel_loop3A_230 = vector.broadcast %parallel_loop3A_229 : f32 to vector<16xf32>
        %parallel_loop3A_231 = arith.mulf %parallel_loop3A_228, %parallel_loop3A_230 : vector<16xf32>
        %parallel_loop3A_232 = arith.maximumf %parallel_loop3A_228, %parallel_loop3A_231 : vector<16xf32>
        %parallel_loop3A_233 = arith.index_cast %parallel_loop3A_185 : i32 to index
        %parallel_loop3A_234 = arith.constant 48 : index
        %parallel_loop3A_235 = tpu.vector_load %arg11[%parallel_loop3A_233, %parallel_loop3A_234] {strides = array<i32>} : memref<200x128xf32, #tpu.memory_space<vmem>>, vector<1x16xf32>,
        %parallel_loop3A_236 = vector.shape_cast %parallel_loop3A_235 : vector<1x16xf32> to vector<16xf32>
        %parallel_loop3A_237 = vector.shape_cast %parallel_loop3A_232 : vector<16xf32> to vector<1x16xf32>
        tpu.vector_store %arg11[%parallel_loop3A_233, %parallel_loop3A_234], %parallel_loop3A_237 {strides = array<i32>} : memref<200x128xf32, #tpu.memory_space<vmem>>, vector<1x16xf32>,
        %parallel_loop3A_238 = arith.index_cast %parallel_loop3A_185 : i32 to index
        %parallel_loop3A_239 = arith.constant 64 : index
        %parallel_loop3A_240 = tpu.vector_load %arg11[%parallel_loop3A_238, %parallel_loop3A_239] {strides = array<i32>} : memref<200x128xf32, #tpu.memory_space<vmem>>, vector<1x16xf32>,
        %parallel_loop3A_241 = vector.shape_cast %parallel_loop3A_240 : vector<1x16xf32> to vector<16xf32>
        %parallel_loop3A_242 = arith.constant 0.00999999977 : f32
        %parallel_loop3A_243 = vector.broadcast %parallel_loop3A_242 : f32 to vector<16xf32>
        %parallel_loop3A_244 = arith.mulf %parallel_loop3A_241, %parallel_loop3A_243 : vector<16xf32>
        %parallel_loop3A_245 = arith.maximumf %parallel_loop3A_241, %parallel_loop3A_244 : vector<16xf32>
        %parallel_loop3A_246 = arith.index_cast %parallel_loop3A_185 : i32 to index
        %parallel_loop3A_247 = arith.constant 64 : index
        %parallel_loop3A_248 = tpu.vector_load %arg11[%parallel_loop3A_246, %parallel_loop3A_247] {strides = array<i32>} : memref<200x128xf32, #tpu.memory_space<vmem>>, vector<1x16xf32>,
        %parallel_loop3A_249 = vector.shape_cast %parallel_loop3A_248 : vector<1x16xf32> to vector<16xf32>
        %parallel_loop3A_250 = vector.shape_cast %parallel_loop3A_245 : vector<16xf32> to vector<1x16xf32>
        tpu.vector_store %arg11[%parallel_loop3A_246, %parallel_loop3A_247], %parallel_loop3A_250 {strides = array<i32>} : memref<200x128xf32, #tpu.memory_space<vmem>>, vector<1x16xf32>,
        %parallel_loop3A_251 = arith.index_cast %parallel_loop3A_185 : i32 to index
        %parallel_loop3A_252 = arith.constant 80 : index
        %parallel_loop3A_253 = tpu.vector_load %arg11[%parallel_loop3A_251, %parallel_loop3A_252] {strides = array<i32>} : memref<200x128xf32, #tpu.memory_space<vmem>>, vector<1x16xf32>,
        %parallel_loop3A_254 = vector.shape_cast %parallel_loop3A_253 : vector<1x16xf32> to vector<16xf32>
        %parallel_loop3A_255 = arith.constant 0.00999999977 : f32
        %parallel_loop3A_256 = vector.broadcast %parallel_loop3A_255 : f32 to vector<16xf32>
        %parallel_loop3A_257 = arith.mulf %parallel_loop3A_254, %parallel_loop3A_256 : vector<16xf32>
        %parallel_loop3A_258 = arith.maximumf %parallel_loop3A_254, %parallel_loop3A_257 : vector<16xf32>
        %parallel_loop3A_259 = arith.index_cast %parallel_loop3A_185 : i32 to index
        %parallel_loop3A_260 = arith.constant 80 : index
        %parallel_loop3A_261 = tpu.vector_load %arg11[%parallel_loop3A_259, %parallel_loop3A_260] {strides = array<i32>} : memref<200x128xf32, #tpu.memory_space<vmem>>, vector<1x16xf32>,
        %parallel_loop3A_262 = vector.shape_cast %parallel_loop3A_261 : vector<1x16xf32> to vector<16xf32>
        %parallel_loop3A_263 = vector.shape_cast %parallel_loop3A_258 : vector<16xf32> to vector<1x16xf32>
        tpu.vector_store %arg11[%parallel_loop3A_259, %parallel_loop3A_260], %parallel_loop3A_263 {strides = array<i32>} : memref<200x128xf32, #tpu.memory_space<vmem>>, vector<1x16xf32>,
        %parallel_loop3A_264 = arith.index_cast %parallel_loop3A_185 : i32 to index
        %parallel_loop3A_265 = arith.constant 96 : index
        %parallel_loop3A_266 = tpu.vector_load %arg11[%parallel_loop3A_264, %parallel_loop3A_265] {strides = array<i32>} : memref<200x128xf32, #tpu.memory_space<vmem>>, vector<1x16xf32>,
        %parallel_loop3A_267 = vector.shape_cast %parallel_loop3A_266 : vector<1x16xf32> to vector<16xf32>
        %parallel_loop3A_268 = arith.constant 0.00999999977 : f32
        %parallel_loop3A_269 = vector.broadcast %parallel_loop3A_268 : f32 to vector<16xf32>
        %parallel_loop3A_270 = arith.mulf %parallel_loop3A_267, %parallel_loop3A_269 : vector<16xf32>
        %parallel_loop3A_271 = arith.maximumf %parallel_loop3A_267, %parallel_loop3A_270 : vector<16xf32>
        %parallel_loop3A_272 = arith.index_cast %parallel_loop3A_185 : i32 to index
        %parallel_loop3A_273 = arith.constant 96 : index
        %parallel_loop3A_274 = tpu.vector_load %arg11[%parallel_loop3A_272, %parallel_loop3A_273] {strides = array<i32>} : memref<200x128xf32, #tpu.memory_space<vmem>>, vector<1x16xf32>,
        %parallel_loop3A_275 = vector.shape_cast %parallel_loop3A_274 : vector<1x16xf32> to vector<16xf32>
        %parallel_loop3A_276 = vector.shape_cast %parallel_loop3A_271 : vector<16xf32> to vector<1x16xf32>
        tpu.vector_store %arg11[%parallel_loop3A_272, %parallel_loop3A_273], %parallel_loop3A_276 {strides = array<i32>} : memref<200x128xf32, #tpu.memory_space<vmem>>, vector<1x16xf32>,
        %parallel_loop3A_277 = arith.index_cast %parallel_loop3A_185 : i32 to index
        %parallel_loop3A_278 = arith.constant 112 : index
        %parallel_loop3A_279 = tpu.vector_load %arg11[%parallel_loop3A_277, %parallel_loop3A_278] {strides = array<i32>} : memref<200x128xf32, #tpu.memory_space<vmem>>, vector<1x16xf32>,
        %parallel_loop3A_280 = vector.shape_cast %parallel_loop3A_279 : vector<1x16xf32> to vector<16xf32>
        %parallel_loop3A_281 = arith.constant 0.00999999977 : f32
        %parallel_loop3A_282 = vector.broadcast %parallel_loop3A_281 : f32 to vector<16xf32>
        %parallel_loop3A_283 = arith.mulf %parallel_loop3A_280, %parallel_loop3A_282 : vector<16xf32>
        %parallel_loop3A_284 = arith.maximumf %parallel_loop3A_280, %parallel_loop3A_283 : vector<16xf32>
        %parallel_loop3A_285 = arith.index_cast %parallel_loop3A_185 : i32 to index
        %parallel_loop3A_286 = arith.constant 112 : index
        %parallel_loop3A_287 = tpu.vector_load %arg11[%parallel_loop3A_285, %parallel_loop3A_286] {strides = array<i32>} : memref<200x128xf32, #tpu.memory_space<vmem>>, vector<1x16xf32>,
        %parallel_loop3A_288 = vector.shape_cast %parallel_loop3A_287 : vector<1x16xf32> to vector<16xf32>
        %parallel_loop3A_289 = vector.shape_cast %parallel_loop3A_284 : vector<16xf32> to vector<1x16xf32>
        tpu.vector_store %arg11[%parallel_loop3A_285, %parallel_loop3A_286], %parallel_loop3A_289 {strides = array<i32>} : memref<200x128xf32, #tpu.memory_space<vmem>>, vector<1x16xf32>,
      } {sc.loop_unroll_factor = 2 : i64, sc.parallel_access}
      %add3A_161 = arith.constant 1 : i32
      %add3A_162 = arith.addi %add3A_152, %add3A_161 : i32
      %lt3A_163 = arith.constant 50 : i32
      %lt3A_164 = arith.cmpi slt, %add3A_162, %lt3A_163 : i32
      %convert_element_type3A_165 = arith.extui %lt3A_164 : i1 to i32
      %cond3A_166 = arith.constant 0 : i32
      %cond3A_167 = arith.cmpi ne, %convert_element_type3A_165, %cond3A_166 : i32
      scf.if %cond3A_167 {
        %dma_wait3A_185 = arith.constant 0 : i32
        %dma_wait3A_186 = tpu.memref_slice %arg7[%dma_wait3A_185] : memref<10000xi32, #tpu.memory_space<vmem>> -> memref<200xi32, #tpu.memory_space<vmem>>
        %dma_wait3A_187 = arith.constant 0 : i32
        %dma_wait3A_188 = arith.constant 0 : i32
        %dma_wait3A_189 = tpu.memref_slice %arg2[%dma_wait3A_187, %dma_wait3A_188] : memref<10000x128xf32, #tpu.memory_space<hbm>> -> memref<10000x128xf32, #tpu.memory_space<hbm>>
        tpu.wait_indirect_dma semaphore(%arg12 : memref<!tpu.dma_semaphore, #tpu.memory_space<semaphore_mem>>) src(%dma_wait3A_189 : memref<10000x128xf32, #tpu.memory_space<hbm>>) dst(%arg9 : memref<200x128xf32, #tpu.memory_space<vmem>>)
        %add3A_190 = arith.constant 1 : i32
        %add3A_191 = arith.addi %add3A_152, %add3A_190 : i32
        %mul3A_192 = arith.constant 200 : i32
        %mul3A_193 = arith.muli %add3A_191, %mul3A_192 : i32
        %dma_start3A_194 = tpu.memref_slice %arg8[%mul3A_193] : memref<10000xi32, #tpu.memory_space<vmem>> -> memref<200xi32, #tpu.memory_space<vmem>>
        %dma_start3A_195 = arith.constant 0 : i32
        %dma_start3A_196 = arith.constant 0 : i32
        %dma_start3A_197 = tpu.memref_slice %arg3[%dma_start3A_195, %dma_start3A_196] : memref<10000x128xf32, #tpu.memory_space<hbm>> -> memref<10000x128xf32, #tpu.memory_space<hbm>>
        tpu.enqueue_indirect_dma source(%dma_start3A_197 : memref<10000x128xf32, #tpu.memory_space<hbm>>) target(%arg9 : memref<200x128xf32, #tpu.memory_space<vmem>>) offsets(%dma_start3A_194 : memref<200xi32, #tpu.memory_space<vmem>>) semaphore(%arg13 : memref<!tpu.dma_semaphore, #tpu.memory_space<semaphore_mem>>) {add = true}
      } else {
      }
      %parallel_loop3A_168 = arith.constant 100 : i32
      %parallel_loop3A_169 = arith.constant 200 : i32
      %parallel_loop3A_170 = arith.constant 1 : i32
      scf.for %parallel_loop3A_185 = %parallel_loop3A_168 to %parallel_loop3A_169 step %parallel_loop3A_170  : i32 {
        %parallel_loop3A_186 = arith.index_cast %parallel_loop3A_185 : i32 to index
        %parallel_loop3A_187 = arith.constant 0 : index
        %parallel_loop3A_188 = tpu.vector_load %arg11[%parallel_loop3A_186, %parallel_loop3A_187] {strides = array<i32>} : memref<200x128xf32, #tpu.memory_space<vmem>>, vector<1x16xf32>,
        %parallel_loop3A_189 = vector.shape_cast %parallel_loop3A_188 : vector<1x16xf32> to vector<16xf32>
        %parallel_loop3A_190 = arith.constant 0.00999999977 : f32
        %parallel_loop3A_191 = vector.broadcast %parallel_loop3A_190 : f32 to vector<16xf32>
        %parallel_loop3A_192 = arith.mulf %parallel_loop3A_189, %parallel_loop3A_191 : vector<16xf32>
        %parallel_loop3A_193 = arith.maximumf %parallel_loop3A_189, %parallel_loop3A_192 : vector<16xf32>
        %parallel_loop3A_194 = arith.index_cast %parallel_loop3A_185 : i32 to index
        %parallel_loop3A_195 = arith.constant 0 : index
        %parallel_loop3A_196 = tpu.vector_load %arg11[%parallel_loop3A_194, %parallel_loop3A_195] {strides = array<i32>} : memref<200x128xf32, #tpu.memory_space<vmem>>, vector<1x16xf32>,
        %parallel_loop3A_197 = vector.shape_cast %parallel_loop3A_196 : vector<1x16xf32> to vector<16xf32>
        %parallel_loop3A_198 = vector.shape_cast %parallel_loop3A_193 : vector<16xf32> to vector<1x16xf32>
        tpu.vector_store %arg11[%parallel_loop3A_194, %parallel_loop3A_195], %parallel_loop3A_198 {strides = array<i32>} : memref<200x128xf32, #tpu.memory_space<vmem>>, vector<1x16xf32>,
        %parallel_loop3A_199 = arith.index_cast %parallel_loop3A_185 : i32 to index
        %parallel_loop3A_200 = arith.constant 16 : index
        %parallel_loop3A_201 = tpu.vector_load %arg11[%parallel_loop3A_199, %parallel_loop3A_200] {strides = array<i32>} : memref<200x128xf32, #tpu.memory_space<vmem>>, vector<1x16xf32>,
        %parallel_loop3A_202 = vector.shape_cast %parallel_loop3A_201 : vector<1x16xf32> to vector<16xf32>
        %parallel_loop3A_203 = arith.constant 0.00999999977 : f32
        %parallel_loop3A_204 = vector.broadcast %parallel_loop3A_203 : f32 to vector<16xf32>
        %parallel_loop3A_205 = arith.mulf %parallel_loop3A_202, %parallel_loop3A_204 : vector<16xf32>
        %parallel_loop3A_206 = arith.maximumf %parallel_loop3A_202, %parallel_loop3A_205 : vector<16xf32>
        %parallel_loop3A_207 = arith.index_cast %parallel_loop3A_185 : i32 to index
        %parallel_loop3A_208 = arith.constant 16 : index
        %parallel_loop3A_209 = tpu.vector_load %arg11[%parallel_loop3A_207, %parallel_loop3A_208] {strides = array<i32>} : memref<200x128xf32, #tpu.memory_space<vmem>>, vector<1x16xf32>,
        %parallel_loop3A_210 = vector.shape_cast %parallel_loop3A_209 : vector<1x16xf32> to vector<16xf32>
        %parallel_loop3A_211 = vector.shape_cast %parallel_loop3A_206 : vector<16xf32> to vector<1x16xf32>
        tpu.vector_store %arg11[%parallel_loop3A_207, %parallel_loop3A_208], %parallel_loop3A_211 {strides = array<i32>} : memref<200x128xf32, #tpu.memory_space<vmem>>, vector<1x16xf32>,
        %parallel_loop3A_212 = arith.index_cast %parallel_loop3A_185 : i32 to index
        %parallel_loop3A_213 = arith.constant 32 : index
        %parallel_loop3A_214 = tpu.vector_load %arg11[%parallel_loop3A_212, %parallel_loop3A_213] {strides = array<i32>} : memref<200x128xf32, #tpu.memory_space<vmem>>, vector<1x16xf32>,
        %parallel_loop3A_215 = vector.shape_cast %parallel_loop3A_214 : vector<1x16xf32> to vector<16xf32>
        %parallel_loop3A_216 = arith.constant 0.00999999977 : f32
        %parallel_loop3A_217 = vector.broadcast %parallel_loop3A_216 : f32 to vector<16xf32>
        %parallel_loop3A_218 = arith.mulf %parallel_loop3A_215, %parallel_loop3A_217 : vector<16xf32>
        %parallel_loop3A_219 = arith.maximumf %parallel_loop3A_215, %parallel_loop3A_218 : vector<16xf32>
        %parallel_loop3A_220 = arith.index_cast %parallel_loop3A_185 : i32 to index
        %parallel_loop3A_221 = arith.constant 32 : index
        %parallel_loop3A_222 = tpu.vector_load %arg11[%parallel_loop3A_220, %parallel_loop3A_221] {strides = array<i32>} : memref<200x128xf32, #tpu.memory_space<vmem>>, vector<1x16xf32>,
        %parallel_loop3A_223 = vector.shape_cast %parallel_loop3A_222 : vector<1x16xf32> to vector<16xf32>
        %parallel_loop3A_224 = vector.shape_cast %parallel_loop3A_219 : vector<16xf32> to vector<1x16xf32>
        tpu.vector_store %arg11[%parallel_loop3A_220, %parallel_loop3A_221], %parallel_loop3A_224 {strides = array<i32>} : memref<200x128xf32, #tpu.memory_space<vmem>>, vector<1x16xf32>,
        %parallel_loop3A_225 = arith.index_cast %parallel_loop3A_185 : i32 to index
        %parallel_loop3A_226 = arith.constant 48 : index
        %parallel_loop3A_227 = tpu.vector_load %arg11[%parallel_loop3A_225, %parallel_loop3A_226] {strides = array<i32>} : memref<200x128xf32, #tpu.memory_space<vmem>>, vector<1x16xf32>,
        %parallel_loop3A_228 = vector.shape_cast %parallel_loop3A_227 : vector<1x16xf32> to vector<16xf32>
        %parallel_loop3A_229 = arith.constant 0.00999999977 : f32
        %parallel_loop3A_230 = vector.broadcast %parallel_loop3A_229 : f32 to vector<16xf32>
        %parallel_loop3A_231 = arith.mulf %parallel_loop3A_228, %parallel_loop3A_230 : vector<16xf32>
        %parallel_loop3A_232 = arith.maximumf %parallel_loop3A_228, %parallel_loop3A_231 : vector<16xf32>
        %parallel_loop3A_233 = arith.index_cast %parallel_loop3A_185 : i32 to index
        %parallel_loop3A_234 = arith.constant 48 : index
        %parallel_loop3A_235 = tpu.vector_load %arg11[%parallel_loop3A_233, %parallel_loop3A_234] {strides = array<i32>} : memref<200x128xf32, #tpu.memory_space<vmem>>, vector<1x16xf32>,
        %parallel_loop3A_236 = vector.shape_cast %parallel_loop3A_235 : vector<1x16xf32> to vector<16xf32>
        %parallel_loop3A_237 = vector.shape_cast %parallel_loop3A_232 : vector<16xf32> to vector<1x16xf32>
        tpu.vector_store %arg11[%parallel_loop3A_233, %parallel_loop3A_234], %parallel_loop3A_237 {strides = array<i32>} : memref<200x128xf32, #tpu.memory_space<vmem>>, vector<1x16xf32>,
        %parallel_loop3A_238 = arith.index_cast %parallel_loop3A_185 : i32 to index
        %parallel_loop3A_239 = arith.constant 64 : index
        %parallel_loop3A_240 = tpu.vector_load %arg11[%parallel_loop3A_238, %parallel_loop3A_239] {strides = array<i32>} : memref<200x128xf32, #tpu.memory_space<vmem>>, vector<1x16xf32>,
        %parallel_loop3A_241 = vector.shape_cast %parallel_loop3A_240 : vector<1x16xf32> to vector<16xf32>
        %parallel_loop3A_242 = arith.constant 0.00999999977 : f32
        %parallel_loop3A_243 = vector.broadcast %parallel_loop3A_242 : f32 to vector<16xf32>
        %parallel_loop3A_244 = arith.mulf %parallel_loop3A_241, %parallel_loop3A_243 : vector<16xf32>
        %parallel_loop3A_245 = arith.maximumf %parallel_loop3A_241, %parallel_loop3A_244 : vector<16xf32>
        %parallel_loop3A_246 = arith.index_cast %parallel_loop3A_185 : i32 to index
        %parallel_loop3A_247 = arith.constant 64 : index
        %parallel_loop3A_248 = tpu.vector_load %arg11[%parallel_loop3A_246, %parallel_loop3A_247] {strides = array<i32>} : memref<200x128xf32, #tpu.memory_space<vmem>>, vector<1x16xf32>,
        %parallel_loop3A_249 = vector.shape_cast %parallel_loop3A_248 : vector<1x16xf32> to vector<16xf32>
        %parallel_loop3A_250 = vector.shape_cast %parallel_loop3A_245 : vector<16xf32> to vector<1x16xf32>
        tpu.vector_store %arg11[%parallel_loop3A_246, %parallel_loop3A_247], %parallel_loop3A_250 {strides = array<i32>} : memref<200x128xf32, #tpu.memory_space<vmem>>, vector<1x16xf32>,
        %parallel_loop3A_251 = arith.index_cast %parallel_loop3A_185 : i32 to index
        %parallel_loop3A_252 = arith.constant 80 : index
        %parallel_loop3A_253 = tpu.vector_load %arg11[%parallel_loop3A_251, %parallel_loop3A_252] {strides = array<i32>} : memref<200x128xf32, #tpu.memory_space<vmem>>, vector<1x16xf32>,
        %parallel_loop3A_254 = vector.shape_cast %parallel_loop3A_253 : vector<1x16xf32> to vector<16xf32>
        %parallel_loop3A_255 = arith.constant 0.00999999977 : f32
        %parallel_loop3A_256 = vector.broadcast %parallel_loop3A_255 : f32 to vector<16xf32>
        %parallel_loop3A_257 = arith.mulf %parallel_loop3A_254, %parallel_loop3A_256 : vector<16xf32>
        %parallel_loop3A_258 = arith.maximumf %parallel_loop3A_254, %parallel_loop3A_257 : vector<16xf32>
        %parallel_loop3A_259 = arith.index_cast %parallel_loop3A_185 : i32 to index
        %parallel_loop3A_260 = arith.constant 80 : index
        %parallel_loop3A_261 = tpu.vector_load %arg11[%parallel_loop3A_259, %parallel_loop3A_260] {strides = array<i32>} : memref<200x128xf32, #tpu.memory_space<vmem>>, vector<1x16xf32>,
        %parallel_loop3A_262 = vector.shape_cast %parallel_loop3A_261 : vector<1x16xf32> to vector<16xf32>
        %parallel_loop3A_263 = vector.shape_cast %parallel_loop3A_258 : vector<16xf32> to vector<1x16xf32>
        tpu.vector_store %arg11[%parallel_loop3A_259, %parallel_loop3A_260], %parallel_loop3A_263 {strides = array<i32>} : memref<200x128xf32, #tpu.memory_space<vmem>>, vector<1x16xf32>,
        %parallel_loop3A_264 = arith.index_cast %parallel_loop3A_185 : i32 to index
        %parallel_loop3A_265 = arith.constant 96 : index
        %parallel_loop3A_266 = tpu.vector_load %arg11[%parallel_loop3A_264, %parallel_loop3A_265] {strides = array<i32>} : memref<200x128xf32, #tpu.memory_space<vmem>>, vector<1x16xf32>,
        %parallel_loop3A_267 = vector.shape_cast %parallel_loop3A_266 : vector<1x16xf32> to vector<16xf32>
        %parallel_loop3A_268 = arith.constant 0.00999999977 : f32
        %parallel_loop3A_269 = vector.broadcast %parallel_loop3A_268 : f32 to vector<16xf32>
        %parallel_loop3A_270 = arith.mulf %parallel_loop3A_267, %parallel_loop3A_269 : vector<16xf32>
        %parallel_loop3A_271 = arith.maximumf %parallel_loop3A_267, %parallel_loop3A_270 : vector<16xf32>
        %parallel_loop3A_272 = arith.index_cast %parallel_loop3A_185 : i32 to index
        %parallel_loop3A_273 = arith.constant 96 : index
        %parallel_loop3A_274 = tpu.vector_load %arg11[%parallel_loop3A_272, %parallel_loop3A_273] {strides = array<i32>} : memref<200x128xf32, #tpu.memory_space<vmem>>, vector<1x16xf32>,
        %parallel_loop3A_275 = vector.shape_cast %parallel_loop3A_274 : vector<1x16xf32> to vector<16xf32>
        %parallel_loop3A_276 = vector.shape_cast %parallel_loop3A_271 : vector<16xf32> to vector<1x16xf32>
        tpu.vector_store %arg11[%parallel_loop3A_272, %parallel_loop3A_273], %parallel_loop3A_276 {strides = array<i32>} : memref<200x128xf32, #tpu.memory_space<vmem>>, vector<1x16xf32>,
        %parallel_loop3A_277 = arith.index_cast %parallel_loop3A_185 : i32 to index
        %parallel_loop3A_278 = arith.constant 112 : index
        %parallel_loop3A_279 = tpu.vector_load %arg11[%parallel_loop3A_277, %parallel_loop3A_278] {strides = array<i32>} : memref<200x128xf32, #tpu.memory_space<vmem>>, vector<1x16xf32>,
        %parallel_loop3A_280 = vector.shape_cast %parallel_loop3A_279 : vector<1x16xf32> to vector<16xf32>
        %parallel_loop3A_281 = arith.constant 0.00999999977 : f32
        %parallel_loop3A_282 = vector.broadcast %parallel_loop3A_281 : f32 to vector<16xf32>
        %parallel_loop3A_283 = arith.mulf %parallel_loop3A_280, %parallel_loop3A_282 : vector<16xf32>
        %parallel_loop3A_284 = arith.maximumf %parallel_loop3A_280, %parallel_loop3A_283 : vector<16xf32>
        %parallel_loop3A_285 = arith.index_cast %parallel_loop3A_185 : i32 to index
        %parallel_loop3A_286 = arith.constant 112 : index
        %parallel_loop3A_287 = tpu.vector_load %arg11[%parallel_loop3A_285, %parallel_loop3A_286] {strides = array<i32>} : memref<200x128xf32, #tpu.memory_space<vmem>>, vector<1x16xf32>,
        %parallel_loop3A_288 = vector.shape_cast %parallel_loop3A_287 : vector<1x16xf32> to vector<16xf32>
        %parallel_loop3A_289 = vector.shape_cast %parallel_loop3A_284 : vector<16xf32> to vector<1x16xf32>
        tpu.vector_store %arg11[%parallel_loop3A_285, %parallel_loop3A_286], %parallel_loop3A_289 {strides = array<i32>} : memref<200x128xf32, #tpu.memory_space<vmem>>, vector<1x16xf32>,
      } {sc.loop_unroll_factor = 2 : i64, sc.parallel_access}
      %add3A_171 = arith.constant 2 : i32
      %add3A_172 = arith.addi %add3A_152, %add3A_171 : i32
      %lt3A_173 = arith.constant 50 : i32
      %lt3A_174 = arith.cmpi slt, %add3A_172, %lt3A_173 : i32
      %convert_element_type3A_175 = arith.extui %lt3A_174 : i1 to i32
      %cond3A_176 = arith.constant 0 : i32
      %cond3A_177 = arith.cmpi ne, %convert_element_type3A_175, %cond3A_176 : i32
      scf.if %cond3A_177 {
        %ge3A = arith.constant 1 : i32
        %ge3A_185 = arith.cmpi sge, %add3A_152, %ge3A : i32
        %convert_element_type3A_186 = arith.extui %ge3A_185 : i1 to i32
        %cond3A_187 = arith.constant 0 : i32
        %cond3A_188 = arith.cmpi ne, %convert_element_type3A_186, %cond3A_187 : i32
        scf.if %cond3A_188 {
          %dma_wait3A_197 = arith.constant 0 : i32
          %dma_wait3A_198 = tpu.memref_slice %arg6[%mul3A_2, %dma_wait3A_197] : memref<320000x128xf32, #tpu.memory_space<hbm>> -> memref<200x128xf32, #tpu.memory_space<hbm>>
          %dma_wait3A_199 = arith.constant 0 : i32
          %dma_wait3A_200 = tpu.memref_slice %arg6[%mul3A_2, %dma_wait3A_199] : memref<320000x128xf32, #tpu.memory_space<hbm>> -> memref<200x128xf32, #tpu.memory_space<hbm>>
          tpu.wait_dma2 semaphore(%arg17 : memref<!tpu.dma_semaphore, #tpu.memory_space<semaphore_mem>>) src(%arg10 : memref<200x128xf32, #tpu.memory_space<vmem>>) dst(%dma_wait3A_200 : memref<200x128xf32, #tpu.memory_space<hbm>>)
        } else {
        }
        %add3A_189 = arith.constant 2 : i32
        %add3A_190 = arith.addi %add3A_152, %add3A_189 : i32
        %mul3A_191 = arith.constant 200 : i32
        %mul3A_192 = arith.muli %add3A_190, %mul3A_191 : i32
        %dma_start3A_193 = tpu.memref_slice %arg7[%mul3A_192] : memref<10000xi32, #tpu.memory_space<vmem>> -> memref<200xi32, #tpu.memory_space<vmem>>
        %dma_start3A_194 = arith.constant 0 : i32
        %dma_start3A_195 = arith.constant 0 : i32
        %dma_start3A_196 = tpu.memref_slice %arg2[%dma_start3A_194, %dma_start3A_195] : memref<10000x128xf32, #tpu.memory_space<hbm>> -> memref<10000x128xf32, #tpu.memory_space<hbm>>
        tpu.enqueue_indirect_dma source(%dma_start3A_196 : memref<10000x128xf32, #tpu.memory_space<hbm>>) target(%arg10 : memref<200x128xf32, #tpu.memory_space<vmem>>) offsets(%dma_start3A_193 : memref<200xi32, #tpu.memory_space<vmem>>) semaphore(%arg15 : memref<!tpu.dma_semaphore, #tpu.memory_space<semaphore_mem>>)
      } else {
      }
      %mul3A_178 = arith.constant 200 : i32
      %mul3A_179 = arith.muli %add3A_152, %mul3A_178 : i32
      %add3A_180 = arith.addi %mul3A_2, %mul3A_179 : i32
      %dma_start3A_181 = arith.constant 0 : i32
      %dma_start3A_182 = tpu.memref_slice %arg6[%add3A_180, %dma_start3A_181] : memref<320000x128xf32, #tpu.memory_space<hbm>> -> memref<200x128xf32, #tpu.memory_space<hbm>>
      %dma_start3A_183 = arith.constant 0 : i32
      %dma_start3A_184 = tpu.memref_slice %arg6[%add3A_180, %dma_start3A_183] : memref<320000x128xf32, #tpu.memory_space<hbm>> -> memref<200x128xf32, #tpu.memory_space<hbm>>
      tpu.enqueue_dma source(%arg11 : memref<200x128xf32, #tpu.memory_space<vmem>>) target(%dma_start3A_184 : memref<200x128xf32, #tpu.memory_space<hbm>>) target_semaphore(%arg20 : memref<!tpu.dma_semaphore, #tpu.memory_space<semaphore_mem>>)
    }
    %scan3A_25 = arith.constant 16 : i32
    %dma_wait3A_26 = arith.constant 0 : i32
    %dma_wait3A_27 = tpu.memref_slice %arg8[%dma_wait3A_26] : memref<10000xi32, #tpu.memory_space<vmem>> -> memref<200xi32, #tpu.memory_space<vmem>>
    %dma_wait3A_28 = arith.constant 0 : i32
    %dma_wait3A_29 = arith.constant 0 : i32
    %dma_wait3A_30 = tpu.memref_slice %arg3[%dma_wait3A_28, %dma_wait3A_29] : memref<10000x128xf32, #tpu.memory_space<hbm>> -> memref<10000x128xf32, #tpu.memory_space<hbm>>
    tpu.wait_indirect_dma semaphore(%arg13 : memref<!tpu.dma_semaphore, #tpu.memory_space<semaphore_mem>>) src(%dma_wait3A_30 : memref<10000x128xf32, #tpu.memory_space<hbm>>) dst(%arg9 : memref<200x128xf32, #tpu.memory_space<vmem>>)
    %parallel_loop3A = arith.constant 0 : i32
    %parallel_loop3A_31 = arith.constant 100 : i32
    %parallel_loop3A_32 = arith.constant 1 : i32
    scf.for %parallel_loop3A_81 = %parallel_loop3A to %parallel_loop3A_31 step %parallel_loop3A_32  : i32 {
      %parallel_loop3A_82 = arith.index_cast %parallel_loop3A_81 : i32 to index
      %parallel_loop3A_83 = arith.constant 0 : index
      %parallel_loop3A_84 = tpu.vector_load %arg9[%parallel_loop3A_82, %parallel_loop3A_83] {strides = array<i32>} : memref<200x128xf32, #tpu.memory_space<vmem>>, vector<1x16xf32>,
      %parallel_loop3A_85 = vector.shape_cast %parallel_loop3A_84 : vector<1x16xf32> to vector<16xf32>
      %parallel_loop3A_86 = arith.constant 0.00999999977 : f32
      %parallel_loop3A_87 = vector.broadcast %parallel_loop3A_86 : f32 to vector<16xf32>
      %parallel_loop3A_88 = arith.mulf %parallel_loop3A_85, %parallel_loop3A_87 : vector<16xf32>
      %parallel_loop3A_89 = arith.maximumf %parallel_loop3A_85, %parallel_loop3A_88 : vector<16xf32>
      %parallel_loop3A_90 = arith.index_cast %parallel_loop3A_81 : i32 to index
      %parallel_loop3A_91 = arith.constant 0 : index
      %parallel_loop3A_92 = tpu.vector_load %arg9[%parallel_loop3A_90, %parallel_loop3A_91] {strides = array<i32>} : memref<200x128xf32, #tpu.memory_space<vmem>>, vector<1x16xf32>,
      %parallel_loop3A_93 = vector.shape_cast %parallel_loop3A_92 : vector<1x16xf32> to vector<16xf32>
      %parallel_loop3A_94 = vector.shape_cast %parallel_loop3A_89 : vector<16xf32> to vector<1x16xf32>
      tpu.vector_store %arg9[%parallel_loop3A_90, %parallel_loop3A_91], %parallel_loop3A_94 {strides = array<i32>} : memref<200x128xf32, #tpu.memory_space<vmem>>, vector<1x16xf32>,
      %parallel_loop3A_95 = arith.index_cast %parallel_loop3A_81 : i32 to index
      %parallel_loop3A_96 = arith.constant 16 : index
      %parallel_loop3A_97 = tpu.vector_load %arg9[%parallel_loop3A_95, %parallel_loop3A_96] {strides = array<i32>} : memref<200x128xf32, #tpu.memory_space<vmem>>, vector<1x16xf32>,
      %parallel_loop3A_98 = vector.shape_cast %parallel_loop3A_97 : vector<1x16xf32> to vector<16xf32>
      %parallel_loop3A_99 = arith.constant 0.00999999977 : f32
      %parallel_loop3A_100 = vector.broadcast %parallel_loop3A_99 : f32 to vector<16xf32>
      %parallel_loop3A_101 = arith.mulf %parallel_loop3A_98, %parallel_loop3A_100 : vector<16xf32>
      %parallel_loop3A_102 = arith.maximumf %parallel_loop3A_98, %parallel_loop3A_101 : vector<16xf32>
      %parallel_loop3A_103 = arith.index_cast %parallel_loop3A_81 : i32 to index
      %parallel_loop3A_104 = arith.constant 16 : index
      %parallel_loop3A_105 = tpu.vector_load %arg9[%parallel_loop3A_103, %parallel_loop3A_104] {strides = array<i32>} : memref<200x128xf32, #tpu.memory_space<vmem>>, vector<1x16xf32>,
      %parallel_loop3A_106 = vector.shape_cast %parallel_loop3A_105 : vector<1x16xf32> to vector<16xf32>
      %parallel_loop3A_107 = vector.shape_cast %parallel_loop3A_102 : vector<16xf32> to vector<1x16xf32>
      tpu.vector_store %arg9[%parallel_loop3A_103, %parallel_loop3A_104], %parallel_loop3A_107 {strides = array<i32>} : memref<200x128xf32, #tpu.memory_space<vmem>>, vector<1x16xf32>,
      %parallel_loop3A_108 = arith.index_cast %parallel_loop3A_81 : i32 to index
      %parallel_loop3A_109 = arith.constant 32 : index
      %parallel_loop3A_110 = tpu.vector_load %arg9[%parallel_loop3A_108, %parallel_loop3A_109] {strides = array<i32>} : memref<200x128xf32, #tpu.memory_space<vmem>>, vector<1x16xf32>,
      %parallel_loop3A_111 = vector.shape_cast %parallel_loop3A_110 : vector<1x16xf32> to vector<16xf32>
      %parallel_loop3A_112 = arith.constant 0.00999999977 : f32
      %parallel_loop3A_113 = vector.broadcast %parallel_loop3A_112 : f32 to vector<16xf32>
      %parallel_loop3A_114 = arith.mulf %parallel_loop3A_111, %parallel_loop3A_113 : vector<16xf32>
      %parallel_loop3A_115 = arith.maximumf %parallel_loop3A_111, %parallel_loop3A_114 : vector<16xf32>
      %parallel_loop3A_116 = arith.index_cast %parallel_loop3A_81 : i32 to index
      %parallel_loop3A_117 = arith.constant 32 : index
      %parallel_loop3A_118 = tpu.vector_load %arg9[%parallel_loop3A_116, %parallel_loop3A_117] {strides = array<i32>} : memref<200x128xf32, #tpu.memory_space<vmem>>, vector<1x16xf32>,
      %parallel_loop3A_119 = vector.shape_cast %parallel_loop3A_118 : vector<1x16xf32> to vector<16xf32>
      %parallel_loop3A_120 = vector.shape_cast %parallel_loop3A_115 : vector<16xf32> to vector<1x16xf32>
      tpu.vector_store %arg9[%parallel_loop3A_116, %parallel_loop3A_117], %parallel_loop3A_120 {strides = array<i32>} : memref<200x128xf32, #tpu.memory_space<vmem>>, vector<1x16xf32>,
      %parallel_loop3A_121 = arith.index_cast %parallel_loop3A_81 : i32 to index
      %parallel_loop3A_122 = arith.constant 48 : index
      %parallel_loop3A_123 = tpu.vector_load %arg9[%parallel_loop3A_121, %parallel_loop3A_122] {strides = array<i32>} : memref<200x128xf32, #tpu.memory_space<vmem>>, vector<1x16xf32>,
      %parallel_loop3A_124 = vector.shape_cast %parallel_loop3A_123 : vector<1x16xf32> to vector<16xf32>
      %parallel_loop3A_125 = arith.constant 0.00999999977 : f32
      %parallel_loop3A_126 = vector.broadcast %parallel_loop3A_125 : f32 to vector<16xf32>
      %parallel_loop3A_127 = arith.mulf %parallel_loop3A_124, %parallel_loop3A_126 : vector<16xf32>
      %parallel_loop3A_128 = arith.maximumf %parallel_loop3A_124, %parallel_loop3A_127 : vector<16xf32>
      %parallel_loop3A_129 = arith.index_cast %parallel_loop3A_81 : i32 to index
      %parallel_loop3A_130 = arith.constant 48 : index
      %parallel_loop3A_131 = tpu.vector_load %arg9[%parallel_loop3A_129, %parallel_loop3A_130] {strides = array<i32>} : memref<200x128xf32, #tpu.memory_space<vmem>>, vector<1x16xf32>,
      %parallel_loop3A_132 = vector.shape_cast %parallel_loop3A_131 : vector<1x16xf32> to vector<16xf32>
      %parallel_loop3A_133 = vector.shape_cast %parallel_loop3A_128 : vector<16xf32> to vector<1x16xf32>
      tpu.vector_store %arg9[%parallel_loop3A_129, %parallel_loop3A_130], %parallel_loop3A_133 {strides = array<i32>} : memref<200x128xf32, #tpu.memory_space<vmem>>, vector<1x16xf32>,
      %parallel_loop3A_134 = arith.index_cast %parallel_loop3A_81 : i32 to index
      %parallel_loop3A_135 = arith.constant 64 : index
      %parallel_loop3A_136 = tpu.vector_load %arg9[%parallel_loop3A_134, %parallel_loop3A_135] {strides = array<i32>} : memref<200x128xf32, #tpu.memory_space<vmem>>, vector<1x16xf32>,
      %parallel_loop3A_137 = vector.shape_cast %parallel_loop3A_136 : vector<1x16xf32> to vector<16xf32>
      %parallel_loop3A_138 = arith.constant 0.00999999977 : f32
      %parallel_loop3A_139 = vector.broadcast %parallel_loop3A_138 : f32 to vector<16xf32>
      %parallel_loop3A_140 = arith.mulf %parallel_loop3A_137, %parallel_loop3A_139 : vector<16xf32>
      %parallel_loop3A_141 = arith.maximumf %parallel_loop3A_137, %parallel_loop3A_140 : vector<16xf32>
      %parallel_loop3A_142 = arith.index_cast %parallel_loop3A_81 : i32 to index
      %parallel_loop3A_143 = arith.constant 64 : index
      %parallel_loop3A_144 = tpu.vector_load %arg9[%parallel_loop3A_142, %parallel_loop3A_143] {strides = array<i32>} : memref<200x128xf32, #tpu.memory_space<vmem>>, vector<1x16xf32>,
      %parallel_loop3A_145 = vector.shape_cast %parallel_loop3A_144 : vector<1x16xf32> to vector<16xf32>
      %parallel_loop3A_146 = vector.shape_cast %parallel_loop3A_141 : vector<16xf32> to vector<1x16xf32>
      tpu.vector_store %arg9[%parallel_loop3A_142, %parallel_loop3A_143], %parallel_loop3A_146 {strides = array<i32>} : memref<200x128xf32, #tpu.memory_space<vmem>>, vector<1x16xf32>,
      %parallel_loop3A_147 = arith.index_cast %parallel_loop3A_81 : i32 to index
      %parallel_loop3A_148 = arith.constant 80 : index
      %parallel_loop3A_149 = tpu.vector_load %arg9[%parallel_loop3A_147, %parallel_loop3A_148] {strides = array<i32>} : memref<200x128xf32, #tpu.memory_space<vmem>>, vector<1x16xf32>,
      %parallel_loop3A_150 = vector.shape_cast %parallel_loop3A_149 : vector<1x16xf32> to vector<16xf32>
      %parallel_loop3A_151 = arith.constant 0.00999999977 : f32
      %parallel_loop3A_152 = vector.broadcast %parallel_loop3A_151 : f32 to vector<16xf32>
      %parallel_loop3A_153 = arith.mulf %parallel_loop3A_150, %parallel_loop3A_152 : vector<16xf32>
      %parallel_loop3A_154 = arith.maximumf %parallel_loop3A_150, %parallel_loop3A_153 : vector<16xf32>
      %parallel_loop3A_155 = arith.index_cast %parallel_loop3A_81 : i32 to index
      %parallel_loop3A_156 = arith.constant 80 : index
      %parallel_loop3A_157 = tpu.vector_load %arg9[%parallel_loop3A_155, %parallel_loop3A_156] {strides = array<i32>} : memref<200x128xf32, #tpu.memory_space<vmem>>, vector<1x16xf32>,
      %parallel_loop3A_158 = vector.shape_cast %parallel_loop3A_157 : vector<1x16xf32> to vector<16xf32>
      %parallel_loop3A_159 = vector.shape_cast %parallel_loop3A_154 : vector<16xf32> to vector<1x16xf32>
      tpu.vector_store %arg9[%parallel_loop3A_155, %parallel_loop3A_156], %parallel_loop3A_159 {strides = array<i32>} : memref<200x128xf32, #tpu.memory_space<vmem>>, vector<1x16xf32>,
      %parallel_loop3A_160 = arith.index_cast %parallel_loop3A_81 : i32 to index
      %parallel_loop3A_161 = arith.constant 96 : index
      %parallel_loop3A_162 = tpu.vector_load %arg9[%parallel_loop3A_160, %parallel_loop3A_161] {strides = array<i32>} : memref<200x128xf32, #tpu.memory_space<vmem>>, vector<1x16xf32>,
      %parallel_loop3A_163 = vector.shape_cast %parallel_loop3A_162 : vector<1x16xf32> to vector<16xf32>
      %parallel_loop3A_164 = arith.constant 0.00999999977 : f32
      %parallel_loop3A_165 = vector.broadcast %parallel_loop3A_164 : f32 to vector<16xf32>
      %parallel_loop3A_166 = arith.mulf %parallel_loop3A_163, %parallel_loop3A_165 : vector<16xf32>
      %parallel_loop3A_167 = arith.maximumf %parallel_loop3A_163, %parallel_loop3A_166 : vector<16xf32>
      %parallel_loop3A_168 = arith.index_cast %parallel_loop3A_81 : i32 to index
      %parallel_loop3A_169 = arith.constant 96 : index
      %parallel_loop3A_170 = tpu.vector_load %arg9[%parallel_loop3A_168, %parallel_loop3A_169] {strides = array<i32>} : memref<200x128xf32, #tpu.memory_space<vmem>>, vector<1x16xf32>,
      %parallel_loop3A_171 = vector.shape_cast %parallel_loop3A_170 : vector<1x16xf32> to vector<16xf32>
      %parallel_loop3A_172 = vector.shape_cast %parallel_loop3A_167 : vector<16xf32> to vector<1x16xf32>
      tpu.vector_store %arg9[%parallel_loop3A_168, %parallel_loop3A_169], %parallel_loop3A_172 {strides = array<i32>} : memref<200x128xf32, #tpu.memory_space<vmem>>, vector<1x16xf32>,
      %parallel_loop3A_173 = arith.index_cast %parallel_loop3A_81 : i32 to index
      %parallel_loop3A_174 = arith.constant 112 : index
      %parallel_loop3A_175 = tpu.vector_load %arg9[%parallel_loop3A_173, %parallel_loop3A_174] {strides = array<i32>} : memref<200x128xf32, #tpu.memory_space<vmem>>, vector<1x16xf32>,
      %parallel_loop3A_176 = vector.shape_cast %parallel_loop3A_175 : vector<1x16xf32> to vector<16xf32>
      %parallel_loop3A_177 = arith.constant 0.00999999977 : f32
      %parallel_loop3A_178 = vector.broadcast %parallel_loop3A_177 : f32 to vector<16xf32>
      %parallel_loop3A_179 = arith.mulf %parallel_loop3A_176, %parallel_loop3A_178 : vector<16xf32>
      %parallel_loop3A_180 = arith.maximumf %parallel_loop3A_176, %parallel_loop3A_179 : vector<16xf32>
      %parallel_loop3A_181 = arith.index_cast %parallel_loop3A_81 : i32 to index
      %parallel_loop3A_182 = arith.constant 112 : index
      %parallel_loop3A_183 = tpu.vector_load %arg9[%parallel_loop3A_181, %parallel_loop3A_182] {strides = array<i32>} : memref<200x128xf32, #tpu.memory_space<vmem>>, vector<1x16xf32>,
      %parallel_loop3A_184 = vector.shape_cast %parallel_loop3A_183 : vector<1x16xf32> to vector<16xf32>
      %parallel_loop3A_185 = vector.shape_cast %parallel_loop3A_180 : vector<16xf32> to vector<1x16xf32>
      tpu.vector_store %arg9[%parallel_loop3A_181, %parallel_loop3A_182], %parallel_loop3A_185 {strides = array<i32>} : memref<200x128xf32, #tpu.memory_space<vmem>>, vector<1x16xf32>,
    } {sc.loop_unroll_factor = 2 : i64, sc.parallel_access}
    %dma_wait3A_33 = arith.constant 0 : i32
    %dma_wait3A_34 = tpu.memref_slice %arg7[%dma_wait3A_33] : memref<10000xi32, #tpu.memory_space<vmem>> -> memref<200xi32, #tpu.memory_space<vmem>>
    %dma_wait3A_35 = arith.constant 0 : i32
    %dma_wait3A_36 = arith.constant 0 : i32
    %dma_wait3A_37 = tpu.memref_slice %arg2[%dma_wait3A_35, %dma_wait3A_36] : memref<10000x128xf32, #tpu.memory_space<hbm>> -> memref<10000x128xf32, #tpu.memory_space<hbm>>
    tpu.wait_indirect_dma semaphore(%arg15 : memref<!tpu.dma_semaphore, #tpu.memory_space<semaphore_mem>>) src(%dma_wait3A_37 : memref<10000x128xf32, #tpu.memory_space<hbm>>) dst(%arg10 : memref<200x128xf32, #tpu.memory_space<vmem>>)
    %dma_start3A_38 = arith.constant 9800 : i32
    %dma_start3A_39 = tpu.memref_slice %arg8[%dma_start3A_38] : memref<10000xi32, #tpu.memory_space<vmem>> -> memref<200xi32, #tpu.memory_space<vmem>>
    %dma_start3A_40 = arith.constant 0 : i32
    %dma_start3A_41 = arith.constant 0 : i32
    %dma_start3A_42 = tpu.memref_slice %arg3[%dma_start3A_40, %dma_start3A_41] : memref<10000x128xf32, #tpu.memory_space<hbm>> -> memref<10000x128xf32, #tpu.memory_space<hbm>>
    tpu.enqueue_indirect_dma source(%dma_start3A_42 : memref<10000x128xf32, #tpu.memory_space<hbm>>) target(%arg10 : memref<200x128xf32, #tpu.memory_space<vmem>>) offsets(%dma_start3A_39 : memref<200xi32, #tpu.memory_space<vmem>>) semaphore(%arg16 : memref<!tpu.dma_semaphore, #tpu.memory_space<semaphore_mem>>) {add = true}
    %parallel_loop3A_43 = arith.constant 100 : i32
    %parallel_loop3A_44 = arith.constant 200 : i32
    %parallel_loop3A_45 = arith.constant 1 : i32
    scf.for %parallel_loop3A_81 = %parallel_loop3A_43 to %parallel_loop3A_44 step %parallel_loop3A_45  : i32 {
      %parallel_loop3A_82 = arith.index_cast %parallel_loop3A_81 : i32 to index
      %parallel_loop3A_83 = arith.constant 0 : index
      %parallel_loop3A_84 = tpu.vector_load %arg9[%parallel_loop3A_82, %parallel_loop3A_83] {strides = array<i32>} : memref<200x128xf32, #tpu.memory_space<vmem>>, vector<1x16xf32>,
      %parallel_loop3A_85 = vector.shape_cast %parallel_loop3A_84 : vector<1x16xf32> to vector<16xf32>
      %parallel_loop3A_86 = arith.constant 0.00999999977 : f32
      %parallel_loop3A_87 = vector.broadcast %parallel_loop3A_86 : f32 to vector<16xf32>
      %parallel_loop3A_88 = arith.mulf %parallel_loop3A_85, %parallel_loop3A_87 : vector<16xf32>
      %parallel_loop3A_89 = arith.maximumf %parallel_loop3A_85, %parallel_loop3A_88 : vector<16xf32>
      %parallel_loop3A_90 = arith.index_cast %parallel_loop3A_81 : i32 to index
      %parallel_loop3A_91 = arith.constant 0 : index
      %parallel_loop3A_92 = tpu.vector_load %arg9[%parallel_loop3A_90, %parallel_loop3A_91] {strides = array<i32>} : memref<200x128xf32, #tpu.memory_space<vmem>>, vector<1x16xf32>,
      %parallel_loop3A_93 = vector.shape_cast %parallel_loop3A_92 : vector<1x16xf32> to vector<16xf32>
      %parallel_loop3A_94 = vector.shape_cast %parallel_loop3A_89 : vector<16xf32> to vector<1x16xf32>
      tpu.vector_store %arg9[%parallel_loop3A_90, %parallel_loop3A_91], %parallel_loop3A_94 {strides = array<i32>} : memref<200x128xf32, #tpu.memory_space<vmem>>, vector<1x16xf32>,
      %parallel_loop3A_95 = arith.index_cast %parallel_loop3A_81 : i32 to index
      %parallel_loop3A_96 = arith.constant 16 : index
      %parallel_loop3A_97 = tpu.vector_load %arg9[%parallel_loop3A_95, %parallel_loop3A_96] {strides = array<i32>} : memref<200x128xf32, #tpu.memory_space<vmem>>, vector<1x16xf32>,
      %parallel_loop3A_98 = vector.shape_cast %parallel_loop3A_97 : vector<1x16xf32> to vector<16xf32>
      %parallel_loop3A_99 = arith.constant 0.00999999977 : f32
      %parallel_loop3A_100 = vector.broadcast %parallel_loop3A_99 : f32 to vector<16xf32>
      %parallel_loop3A_101 = arith.mulf %parallel_loop3A_98, %parallel_loop3A_100 : vector<16xf32>
      %parallel_loop3A_102 = arith.maximumf %parallel_loop3A_98, %parallel_loop3A_101 : vector<16xf32>
      %parallel_loop3A_103 = arith.index_cast %parallel_loop3A_81 : i32 to index
      %parallel_loop3A_104 = arith.constant 16 : index
      %parallel_loop3A_105 = tpu.vector_load %arg9[%parallel_loop3A_103, %parallel_loop3A_104] {strides = array<i32>} : memref<200x128xf32, #tpu.memory_space<vmem>>, vector<1x16xf32>,
      %parallel_loop3A_106 = vector.shape_cast %parallel_loop3A_105 : vector<1x16xf32> to vector<16xf32>
      %parallel_loop3A_107 = vector.shape_cast %parallel_loop3A_102 : vector<16xf32> to vector<1x16xf32>
      tpu.vector_store %arg9[%parallel_loop3A_103, %parallel_loop3A_104], %parallel_loop3A_107 {strides = array<i32>} : memref<200x128xf32, #tpu.memory_space<vmem>>, vector<1x16xf32>,
      %parallel_loop3A_108 = arith.index_cast %parallel_loop3A_81 : i32 to index
      %parallel_loop3A_109 = arith.constant 32 : index
      %parallel_loop3A_110 = tpu.vector_load %arg9[%parallel_loop3A_108, %parallel_loop3A_109] {strides = array<i32>} : memref<200x128xf32, #tpu.memory_space<vmem>>, vector<1x16xf32>,
      %parallel_loop3A_111 = vector.shape_cast %parallel_loop3A_110 : vector<1x16xf32> to vector<16xf32>
      %parallel_loop3A_112 = arith.constant 0.00999999977 : f32
      %parallel_loop3A_113 = vector.broadcast %parallel_loop3A_112 : f32 to vector<16xf32>
      %parallel_loop3A_114 = arith.mulf %parallel_loop3A_111, %parallel_loop3A_113 : vector<16xf32>
      %parallel_loop3A_115 = arith.maximumf %parallel_loop3A_111, %parallel_loop3A_114 : vector<16xf32>
      %parallel_loop3A_116 = arith.index_cast %parallel_loop3A_81 : i32 to index
      %parallel_loop3A_117 = arith.constant 32 : index
      %parallel_loop3A_118 = tpu.vector_load %arg9[%parallel_loop3A_116, %parallel_loop3A_117] {strides = array<i32>} : memref<200x128xf32, #tpu.memory_space<vmem>>, vector<1x16xf32>,
      %parallel_loop3A_119 = vector.shape_cast %parallel_loop3A_118 : vector<1x16xf32> to vector<16xf32>
      %parallel_loop3A_120 = vector.shape_cast %parallel_loop3A_115 : vector<16xf32> to vector<1x16xf32>
      tpu.vector_store %arg9[%parallel_loop3A_116, %parallel_loop3A_117], %parallel_loop3A_120 {strides = array<i32>} : memref<200x128xf32, #tpu.memory_space<vmem>>, vector<1x16xf32>,
      %parallel_loop3A_121 = arith.index_cast %parallel_loop3A_81 : i32 to index
      %parallel_loop3A_122 = arith.constant 48 : index
      %parallel_loop3A_123 = tpu.vector_load %arg9[%parallel_loop3A_121, %parallel_loop3A_122] {strides = array<i32>} : memref<200x128xf32, #tpu.memory_space<vmem>>, vector<1x16xf32>,
      %parallel_loop3A_124 = vector.shape_cast %parallel_loop3A_123 : vector<1x16xf32> to vector<16xf32>
      %parallel_loop3A_125 = arith.constant 0.00999999977 : f32
      %parallel_loop3A_126 = vector.broadcast %parallel_loop3A_125 : f32 to vector<16xf32>
      %parallel_loop3A_127 = arith.mulf %parallel_loop3A_124, %parallel_loop3A_126 : vector<16xf32>
      %parallel_loop3A_128 = arith.maximumf %parallel_loop3A_124, %parallel_loop3A_127 : vector<16xf32>
      %parallel_loop3A_129 = arith.index_cast %parallel_loop3A_81 : i32 to index
      %parallel_loop3A_130 = arith.constant 48 : index
      %parallel_loop3A_131 = tpu.vector_load %arg9[%parallel_loop3A_129, %parallel_loop3A_130] {strides = array<i32>} : memref<200x128xf32, #tpu.memory_space<vmem>>, vector<1x16xf32>,
      %parallel_loop3A_132 = vector.shape_cast %parallel_loop3A_131 : vector<1x16xf32> to vector<16xf32>
      %parallel_loop3A_133 = vector.shape_cast %parallel_loop3A_128 : vector<16xf32> to vector<1x16xf32>
      tpu.vector_store %arg9[%parallel_loop3A_129, %parallel_loop3A_130], %parallel_loop3A_133 {strides = array<i32>} : memref<200x128xf32, #tpu.memory_space<vmem>>, vector<1x16xf32>,
      %parallel_loop3A_134 = arith.index_cast %parallel_loop3A_81 : i32 to index
      %parallel_loop3A_135 = arith.constant 64 : index
      %parallel_loop3A_136 = tpu.vector_load %arg9[%parallel_loop3A_134, %parallel_loop3A_135] {strides = array<i32>} : memref<200x128xf32, #tpu.memory_space<vmem>>, vector<1x16xf32>,
      %parallel_loop3A_137 = vector.shape_cast %parallel_loop3A_136 : vector<1x16xf32> to vector<16xf32>
      %parallel_loop3A_138 = arith.constant 0.00999999977 : f32
      %parallel_loop3A_139 = vector.broadcast %parallel_loop3A_138 : f32 to vector<16xf32>
      %parallel_loop3A_140 = arith.mulf %parallel_loop3A_137, %parallel_loop3A_139 : vector<16xf32>
      %parallel_loop3A_141 = arith.maximumf %parallel_loop3A_137, %parallel_loop3A_140 : vector<16xf32>
      %parallel_loop3A_142 = arith.index_cast %parallel_loop3A_81 : i32 to index
      %parallel_loop3A_143 = arith.constant 64 : index
      %parallel_loop3A_144 = tpu.vector_load %arg9[%parallel_loop3A_142, %parallel_loop3A_143] {strides = array<i32>} : memref<200x128xf32, #tpu.memory_space<vmem>>, vector<1x16xf32>,
      %parallel_loop3A_145 = vector.shape_cast %parallel_loop3A_144 : vector<1x16xf32> to vector<16xf32>
      %parallel_loop3A_146 = vector.shape_cast %parallel_loop3A_141 : vector<16xf32> to vector<1x16xf32>
      tpu.vector_store %arg9[%parallel_loop3A_142, %parallel_loop3A_143], %parallel_loop3A_146 {strides = array<i32>} : memref<200x128xf32, #tpu.memory_space<vmem>>, vector<1x16xf32>,
      %parallel_loop3A_147 = arith.index_cast %parallel_loop3A_81 : i32 to index
      %parallel_loop3A_148 = arith.constant 80 : index
      %parallel_loop3A_149 = tpu.vector_load %arg9[%parallel_loop3A_147, %parallel_loop3A_148] {strides = array<i32>} : memref<200x128xf32, #tpu.memory_space<vmem>>, vector<1x16xf32>,
      %parallel_loop3A_150 = vector.shape_cast %parallel_loop3A_149 : vector<1x16xf32> to vector<16xf32>
      %parallel_loop3A_151 = arith.constant 0.00999999977 : f32
      %parallel_loop3A_152 = vector.broadcast %parallel_loop3A_151 : f32 to vector<16xf32>
      %parallel_loop3A_153 = arith.mulf %parallel_loop3A_150, %parallel_loop3A_152 : vector<16xf32>
      %parallel_loop3A_154 = arith.maximumf %parallel_loop3A_150, %parallel_loop3A_153 : vector<16xf32>
      %parallel_loop3A_155 = arith.index_cast %parallel_loop3A_81 : i32 to index
      %parallel_loop3A_156 = arith.constant 80 : index
      %parallel_loop3A_157 = tpu.vector_load %arg9[%parallel_loop3A_155, %parallel_loop3A_156] {strides = array<i32>} : memref<200x128xf32, #tpu.memory_space<vmem>>, vector<1x16xf32>,
      %parallel_loop3A_158 = vector.shape_cast %parallel_loop3A_157 : vector<1x16xf32> to vector<16xf32>
      %parallel_loop3A_159 = vector.shape_cast %parallel_loop3A_154 : vector<16xf32> to vector<1x16xf32>
      tpu.vector_store %arg9[%parallel_loop3A_155, %parallel_loop3A_156], %parallel_loop3A_159 {strides = array<i32>} : memref<200x128xf32, #tpu.memory_space<vmem>>, vector<1x16xf32>,
      %parallel_loop3A_160 = arith.index_cast %parallel_loop3A_81 : i32 to index
      %parallel_loop3A_161 = arith.constant 96 : index
      %parallel_loop3A_162 = tpu.vector_load %arg9[%parallel_loop3A_160, %parallel_loop3A_161] {strides = array<i32>} : memref<200x128xf32, #tpu.memory_space<vmem>>, vector<1x16xf32>,
      %parallel_loop3A_163 = vector.shape_cast %parallel_loop3A_162 : vector<1x16xf32> to vector<16xf32>
      %parallel_loop3A_164 = arith.constant 0.00999999977 : f32
      %parallel_loop3A_165 = vector.broadcast %parallel_loop3A_164 : f32 to vector<16xf32>
      %parallel_loop3A_166 = arith.mulf %parallel_loop3A_163, %parallel_loop3A_165 : vector<16xf32>
      %parallel_loop3A_167 = arith.maximumf %parallel_loop3A_163, %parallel_loop3A_166 : vector<16xf32>
      %parallel_loop3A_168 = arith.index_cast %parallel_loop3A_81 : i32 to index
      %parallel_loop3A_169 = arith.constant 96 : index
      %parallel_loop3A_170 = tpu.vector_load %arg9[%parallel_loop3A_168, %parallel_loop3A_169] {strides = array<i32>} : memref<200x128xf32, #tpu.memory_space<vmem>>, vector<1x16xf32>,
      %parallel_loop3A_171 = vector.shape_cast %parallel_loop3A_170 : vector<1x16xf32> to vector<16xf32>
      %parallel_loop3A_172 = vector.shape_cast %parallel_loop3A_167 : vector<16xf32> to vector<1x16xf32>
      tpu.vector_store %arg9[%parallel_loop3A_168, %parallel_loop3A_169], %parallel_loop3A_172 {strides = array<i32>} : memref<200x128xf32, #tpu.memory_space<vmem>>, vector<1x16xf32>,
      %parallel_loop3A_173 = arith.index_cast %parallel_loop3A_81 : i32 to index
      %parallel_loop3A_174 = arith.constant 112 : index
      %parallel_loop3A_175 = tpu.vector_load %arg9[%parallel_loop3A_173, %parallel_loop3A_174] {strides = array<i32>} : memref<200x128xf32, #tpu.memory_space<vmem>>, vector<1x16xf32>,
      %parallel_loop3A_176 = vector.shape_cast %parallel_loop3A_175 : vector<1x16xf32> to vector<16xf32>
      %parallel_loop3A_177 = arith.constant 0.00999999977 : f32
      %parallel_loop3A_178 = vector.broadcast %parallel_loop3A_177 : f32 to vector<16xf32>
      %parallel_loop3A_179 = arith.mulf %parallel_loop3A_176, %parallel_loop3A_178 : vector<16xf32>
      %parallel_loop3A_180 = arith.maximumf %parallel_loop3A_176, %parallel_loop3A_179 : vector<16xf32>
      %parallel_loop3A_181 = arith.index_cast %parallel_loop3A_81 : i32 to index
      %parallel_loop3A_182 = arith.constant 112 : index
      %parallel_loop3A_183 = tpu.vector_load %arg9[%parallel_loop3A_181, %parallel_loop3A_182] {strides = array<i32>} : memref<200x128xf32, #tpu.memory_space<vmem>>, vector<1x16xf32>,
      %parallel_loop3A_184 = vector.shape_cast %parallel_loop3A_183 : vector<1x16xf32> to vector<16xf32>
      %parallel_loop3A_185 = vector.shape_cast %parallel_loop3A_180 : vector<16xf32> to vector<1x16xf32>
      tpu.vector_store %arg9[%parallel_loop3A_181, %parallel_loop3A_182], %parallel_loop3A_185 {strides = array<i32>} : memref<200x128xf32, #tpu.memory_space<vmem>>, vector<1x16xf32>,
    } {sc.loop_unroll_factor = 2 : i64, sc.parallel_access}
    %add3A_46 = arith.constant 9600 : i32
    %add3A_47 = arith.addi %mul3A_2, %add3A_46 : i32
    %dma_start3A_48 = arith.constant 0 : i32
    %dma_start3A_49 = tpu.memref_slice %arg6[%add3A_47, %dma_start3A_48] : memref<320000x128xf32, #tpu.memory_space<hbm>> -> memref<200x128xf32, #tpu.memory_space<hbm>>
    %dma_start3A_50 = arith.constant 0 : i32
    %dma_start3A_51 = tpu.memref_slice %arg6[%add3A_47, %dma_start3A_50] : memref<320000x128xf32, #tpu.memory_space<hbm>> -> memref<200x128xf32, #tpu.memory_space<hbm>>
    tpu.enqueue_dma source(%arg9 : memref<200x128xf32, #tpu.memory_space<vmem>>) target(%dma_start3A_51 : memref<200x128xf32, #tpu.memory_space<hbm>>) target_semaphore(%arg14 : memref<!tpu.dma_semaphore, #tpu.memory_space<semaphore_mem>>)
    %dma_wait3A_52 = arith.constant 0 : i32
    %dma_wait3A_53 = tpu.memref_slice %arg8[%dma_wait3A_52] : memref<10000xi32, #tpu.memory_space<vmem>> -> memref<200xi32, #tpu.memory_space<vmem>>
    %dma_wait3A_54 = arith.constant 0 : i32
    %dma_wait3A_55 = arith.constant 0 : i32
    %dma_wait3A_56 = tpu.memref_slice %arg3[%dma_wait3A_54, %dma_wait3A_55] : memref<10000x128xf32, #tpu.memory_space<hbm>> -> memref<10000x128xf32, #tpu.memory_space<hbm>>
    tpu.wait_indirect_dma semaphore(%arg16 : memref<!tpu.dma_semaphore, #tpu.memory_space<semaphore_mem>>) src(%dma_wait3A_56 : memref<10000x128xf32, #tpu.memory_space<hbm>>) dst(%arg10 : memref<200x128xf32, #tpu.memory_space<vmem>>)
    %parallel_loop3A_57 = arith.constant 0 : i32
    %parallel_loop3A_58 = arith.constant 100 : i32
    %parallel_loop3A_59 = arith.constant 1 : i32
    scf.for %parallel_loop3A_81 = %parallel_loop3A_57 to %parallel_loop3A_58 step %parallel_loop3A_59  : i32 {
      %parallel_loop3A_82 = arith.index_cast %parallel_loop3A_81 : i32 to index
      %parallel_loop3A_83 = arith.constant 0 : index
      %parallel_loop3A_84 = tpu.vector_load %arg10[%parallel_loop3A_82, %parallel_loop3A_83] {strides = array<i32>} : memref<200x128xf32, #tpu.memory_space<vmem>>, vector<1x16xf32>,
      %parallel_loop3A_85 = vector.shape_cast %parallel_loop3A_84 : vector<1x16xf32> to vector<16xf32>
      %parallel_loop3A_86 = arith.constant 0.00999999977 : f32
      %parallel_loop3A_87 = vector.broadcast %parallel_loop3A_86 : f32 to vector<16xf32>
      %parallel_loop3A_88 = arith.mulf %parallel_loop3A_85, %parallel_loop3A_87 : vector<16xf32>
      %parallel_loop3A_89 = arith.maximumf %parallel_loop3A_85, %parallel_loop3A_88 : vector<16xf32>
      %parallel_loop3A_90 = arith.index_cast %parallel_loop3A_81 : i32 to index
      %parallel_loop3A_91 = arith.constant 0 : index
      %parallel_loop3A_92 = tpu.vector_load %arg10[%parallel_loop3A_90, %parallel_loop3A_91] {strides = array<i32>} : memref<200x128xf32, #tpu.memory_space<vmem>>, vector<1x16xf32>,
      %parallel_loop3A_93 = vector.shape_cast %parallel_loop3A_92 : vector<1x16xf32> to vector<16xf32>
      %parallel_loop3A_94 = vector.shape_cast %parallel_loop3A_89 : vector<16xf32> to vector<1x16xf32>
      tpu.vector_store %arg10[%parallel_loop3A_90, %parallel_loop3A_91], %parallel_loop3A_94 {strides = array<i32>} : memref<200x128xf32, #tpu.memory_space<vmem>>, vector<1x16xf32>,
      %parallel_loop3A_95 = arith.index_cast %parallel_loop3A_81 : i32 to index
      %parallel_loop3A_96 = arith.constant 16 : index
      %parallel_loop3A_97 = tpu.vector_load %arg10[%parallel_loop3A_95, %parallel_loop3A_96] {strides = array<i32>} : memref<200x128xf32, #tpu.memory_space<vmem>>, vector<1x16xf32>,
      %parallel_loop3A_98 = vector.shape_cast %parallel_loop3A_97 : vector<1x16xf32> to vector<16xf32>
      %parallel_loop3A_99 = arith.constant 0.00999999977 : f32
      %parallel_loop3A_100 = vector.broadcast %parallel_loop3A_99 : f32 to vector<16xf32>
      %parallel_loop3A_101 = arith.mulf %parallel_loop3A_98, %parallel_loop3A_100 : vector<16xf32>
      %parallel_loop3A_102 = arith.maximumf %parallel_loop3A_98, %parallel_loop3A_101 : vector<16xf32>
      %parallel_loop3A_103 = arith.index_cast %parallel_loop3A_81 : i32 to index
      %parallel_loop3A_104 = arith.constant 16 : index
      %parallel_loop3A_105 = tpu.vector_load %arg10[%parallel_loop3A_103, %parallel_loop3A_104] {strides = array<i32>} : memref<200x128xf32, #tpu.memory_space<vmem>>, vector<1x16xf32>,
      %parallel_loop3A_106 = vector.shape_cast %parallel_loop3A_105 : vector<1x16xf32> to vector<16xf32>
      %parallel_loop3A_107 = vector.shape_cast %parallel_loop3A_102 : vector<16xf32> to vector<1x16xf32>
      tpu.vector_store %arg10[%parallel_loop3A_103, %parallel_loop3A_104], %parallel_loop3A_107 {strides = array<i32>} : memref<200x128xf32, #tpu.memory_space<vmem>>, vector<1x16xf32>,
      %parallel_loop3A_108 = arith.index_cast %parallel_loop3A_81 : i32 to index
      %parallel_loop3A_109 = arith.constant 32 : index
      %parallel_loop3A_110 = tpu.vector_load %arg10[%parallel_loop3A_108, %parallel_loop3A_109] {strides = array<i32>} : memref<200x128xf32, #tpu.memory_space<vmem>>, vector<1x16xf32>,
      %parallel_loop3A_111 = vector.shape_cast %parallel_loop3A_110 : vector<1x16xf32> to vector<16xf32>
      %parallel_loop3A_112 = arith.constant 0.00999999977 : f32
      %parallel_loop3A_113 = vector.broadcast %parallel_loop3A_112 : f32 to vector<16xf32>
      %parallel_loop3A_114 = arith.mulf %parallel_loop3A_111, %parallel_loop3A_113 : vector<16xf32>
      %parallel_loop3A_115 = arith.maximumf %parallel_loop3A_111, %parallel_loop3A_114 : vector<16xf32>
      %parallel_loop3A_116 = arith.index_cast %parallel_loop3A_81 : i32 to index
      %parallel_loop3A_117 = arith.constant 32 : index
      %parallel_loop3A_118 = tpu.vector_load %arg10[%parallel_loop3A_116, %parallel_loop3A_117] {strides = array<i32>} : memref<200x128xf32, #tpu.memory_space<vmem>>, vector<1x16xf32>,
      %parallel_loop3A_119 = vector.shape_cast %parallel_loop3A_118 : vector<1x16xf32> to vector<16xf32>
      %parallel_loop3A_120 = vector.shape_cast %parallel_loop3A_115 : vector<16xf32> to vector<1x16xf32>
      tpu.vector_store %arg10[%parallel_loop3A_116, %parallel_loop3A_117], %parallel_loop3A_120 {strides = array<i32>} : memref<200x128xf32, #tpu.memory_space<vmem>>, vector<1x16xf32>,
      %parallel_loop3A_121 = arith.index_cast %parallel_loop3A_81 : i32 to index
      %parallel_loop3A_122 = arith.constant 48 : index
      %parallel_loop3A_123 = tpu.vector_load %arg10[%parallel_loop3A_121, %parallel_loop3A_122] {strides = array<i32>} : memref<200x128xf32, #tpu.memory_space<vmem>>, vector<1x16xf32>,
      %parallel_loop3A_124 = vector.shape_cast %parallel_loop3A_123 : vector<1x16xf32> to vector<16xf32>
      %parallel_loop3A_125 = arith.constant 0.00999999977 : f32
      %parallel_loop3A_126 = vector.broadcast %parallel_loop3A_125 : f32 to vector<16xf32>
      %parallel_loop3A_127 = arith.mulf %parallel_loop3A_124, %parallel_loop3A_126 : vector<16xf32>
      %parallel_loop3A_128 = arith.maximumf %parallel_loop3A_124, %parallel_loop3A_127 : vector<16xf32>
      %parallel_loop3A_129 = arith.index_cast %parallel_loop3A_81 : i32 to index
      %parallel_loop3A_130 = arith.constant 48 : index
      %parallel_loop3A_131 = tpu.vector_load %arg10[%parallel_loop3A_129, %parallel_loop3A_130] {strides = array<i32>} : memref<200x128xf32, #tpu.memory_space<vmem>>, vector<1x16xf32>,
      %parallel_loop3A_132 = vector.shape_cast %parallel_loop3A_131 : vector<1x16xf32> to vector<16xf32>
      %parallel_loop3A_133 = vector.shape_cast %parallel_loop3A_128 : vector<16xf32> to vector<1x16xf32>
      tpu.vector_store %arg10[%parallel_loop3A_129, %parallel_loop3A_130], %parallel_loop3A_133 {strides = array<i32>} : memref<200x128xf32, #tpu.memory_space<vmem>>, vector<1x16xf32>,
      %parallel_loop3A_134 = arith.index_cast %parallel_loop3A_81 : i32 to index
      %parallel_loop3A_135 = arith.constant 64 : index
      %parallel_loop3A_136 = tpu.vector_load %arg10[%parallel_loop3A_134, %parallel_loop3A_135] {strides = array<i32>} : memref<200x128xf32, #tpu.memory_space<vmem>>, vector<1x16xf32>,
      %parallel_loop3A_137 = vector.shape_cast %parallel_loop3A_136 : vector<1x16xf32> to vector<16xf32>
      %parallel_loop3A_138 = arith.constant 0.00999999977 : f32
      %parallel_loop3A_139 = vector.broadcast %parallel_loop3A_138 : f32 to vector<16xf32>
      %parallel_loop3A_140 = arith.mulf %parallel_loop3A_137, %parallel_loop3A_139 : vector<16xf32>
      %parallel_loop3A_141 = arith.maximumf %parallel_loop3A_137, %parallel_loop3A_140 : vector<16xf32>
      %parallel_loop3A_142 = arith.index_cast %parallel_loop3A_81 : i32 to index
      %parallel_loop3A_143 = arith.constant 64 : index
      %parallel_loop3A_144 = tpu.vector_load %arg10[%parallel_loop3A_142, %parallel_loop3A_143] {strides = array<i32>} : memref<200x128xf32, #tpu.memory_space<vmem>>, vector<1x16xf32>,
      %parallel_loop3A_145 = vector.shape_cast %parallel_loop3A_144 : vector<1x16xf32> to vector<16xf32>
      %parallel_loop3A_146 = vector.shape_cast %parallel_loop3A_141 : vector<16xf32> to vector<1x16xf32>
      tpu.vector_store %arg10[%parallel_loop3A_142, %parallel_loop3A_143], %parallel_loop3A_146 {strides = array<i32>} : memref<200x128xf32, #tpu.memory_space<vmem>>, vector<1x16xf32>,
      %parallel_loop3A_147 = arith.index_cast %parallel_loop3A_81 : i32 to index
      %parallel_loop3A_148 = arith.constant 80 : index
      %parallel_loop3A_149 = tpu.vector_load %arg10[%parallel_loop3A_147, %parallel_loop3A_148] {strides = array<i32>} : memref<200x128xf32, #tpu.memory_space<vmem>>, vector<1x16xf32>,
      %parallel_loop3A_150 = vector.shape_cast %parallel_loop3A_149 : vector<1x16xf32> to vector<16xf32>
      %parallel_loop3A_151 = arith.constant 0.00999999977 : f32
      %parallel_loop3A_152 = vector.broadcast %parallel_loop3A_151 : f32 to vector<16xf32>
      %parallel_loop3A_153 = arith.mulf %parallel_loop3A_150, %parallel_loop3A_152 : vector<16xf32>
      %parallel_loop3A_154 = arith.maximumf %parallel_loop3A_150, %parallel_loop3A_153 : vector<16xf32>
      %parallel_loop3A_155 = arith.index_cast %parallel_loop3A_81 : i32 to index
      %parallel_loop3A_156 = arith.constant 80 : index
      %parallel_loop3A_157 = tpu.vector_load %arg10[%parallel_loop3A_155, %parallel_loop3A_156] {strides = array<i32>} : memref<200x128xf32, #tpu.memory_space<vmem>>, vector<1x16xf32>,
      %parallel_loop3A_158 = vector.shape_cast %parallel_loop3A_157 : vector<1x16xf32> to vector<16xf32>
      %parallel_loop3A_159 = vector.shape_cast %parallel_loop3A_154 : vector<16xf32> to vector<1x16xf32>
      tpu.vector_store %arg10[%parallel_loop3A_155, %parallel_loop3A_156], %parallel_loop3A_159 {strides = array<i32>} : memref<200x128xf32, #tpu.memory_space<vmem>>, vector<1x16xf32>,
      %parallel_loop3A_160 = arith.index_cast %parallel_loop3A_81 : i32 to index
      %parallel_loop3A_161 = arith.constant 96 : index
      %parallel_loop3A_162 = tpu.vector_load %arg10[%parallel_loop3A_160, %parallel_loop3A_161] {strides = array<i32>} : memref<200x128xf32, #tpu.memory_space<vmem>>, vector<1x16xf32>,
      %parallel_loop3A_163 = vector.shape_cast %parallel_loop3A_162 : vector<1x16xf32> to vector<16xf32>
      %parallel_loop3A_164 = arith.constant 0.00999999977 : f32
      %parallel_loop3A_165 = vector.broadcast %parallel_loop3A_164 : f32 to vector<16xf32>
      %parallel_loop3A_166 = arith.mulf %parallel_loop3A_163, %parallel_loop3A_165 : vector<16xf32>
      %parallel_loop3A_167 = arith.maximumf %parallel_loop3A_163, %parallel_loop3A_166 : vector<16xf32>
      %parallel_loop3A_168 = arith.index_cast %parallel_loop3A_81 : i32 to index
      %parallel_loop3A_169 = arith.constant 96 : index
      %parallel_loop3A_170 = tpu.vector_load %arg10[%parallel_loop3A_168, %parallel_loop3A_169] {strides = array<i32>} : memref<200x128xf32, #tpu.memory_space<vmem>>, vector<1x16xf32>,
      %parallel_loop3A_171 = vector.shape_cast %parallel_loop3A_170 : vector<1x16xf32> to vector<16xf32>
      %parallel_loop3A_172 = vector.shape_cast %parallel_loop3A_167 : vector<16xf32> to vector<1x16xf32>
      tpu.vector_store %arg10[%parallel_loop3A_168, %parallel_loop3A_169], %parallel_loop3A_172 {strides = array<i32>} : memref<200x128xf32, #tpu.memory_space<vmem>>, vector<1x16xf32>,
      %parallel_loop3A_173 = arith.index_cast %parallel_loop3A_81 : i32 to index
      %parallel_loop3A_174 = arith.constant 112 : index
      %parallel_loop3A_175 = tpu.vector_load %arg10[%parallel_loop3A_173, %parallel_loop3A_174] {strides = array<i32>} : memref<200x128xf32, #tpu.memory_space<vmem>>, vector<1x16xf32>,
      %parallel_loop3A_176 = vector.shape_cast %parallel_loop3A_175 : vector<1x16xf32> to vector<16xf32>
      %parallel_loop3A_177 = arith.constant 0.00999999977 : f32
      %parallel_loop3A_178 = vector.broadcast %parallel_loop3A_177 : f32 to vector<16xf32>
      %parallel_loop3A_179 = arith.mulf %parallel_loop3A_176, %parallel_loop3A_178 : vector<16xf32>
      %parallel_loop3A_180 = arith.maximumf %parallel_loop3A_176, %parallel_loop3A_179 : vector<16xf32>
      %parallel_loop3A_181 = arith.index_cast %parallel_loop3A_81 : i32 to index
      %parallel_loop3A_182 = arith.constant 112 : index
      %parallel_loop3A_183 = tpu.vector_load %arg10[%parallel_loop3A_181, %parallel_loop3A_182] {strides = array<i32>} : memref<200x128xf32, #tpu.memory_space<vmem>>, vector<1x16xf32>,
      %parallel_loop3A_184 = vector.shape_cast %parallel_loop3A_183 : vector<1x16xf32> to vector<16xf32>
      %parallel_loop3A_185 = vector.shape_cast %parallel_loop3A_180 : vector<16xf32> to vector<1x16xf32>
      tpu.vector_store %arg10[%parallel_loop3A_181, %parallel_loop3A_182], %parallel_loop3A_185 {strides = array<i32>} : memref<200x128xf32, #tpu.memory_space<vmem>>, vector<1x16xf32>,
    } {sc.loop_unroll_factor = 2 : i64, sc.parallel_access}
    %parallel_loop3A_60 = arith.constant 100 : i32
    %parallel_loop3A_61 = arith.constant 200 : i32
    %parallel_loop3A_62 = arith.constant 1 : i32
    scf.for %parallel_loop3A_81 = %parallel_loop3A_60 to %parallel_loop3A_61 step %parallel_loop3A_62  : i32 {
      %parallel_loop3A_82 = arith.index_cast %parallel_loop3A_81 : i32 to index
      %parallel_loop3A_83 = arith.constant 0 : index
      %parallel_loop3A_84 = tpu.vector_load %arg10[%parallel_loop3A_82, %parallel_loop3A_83] {strides = array<i32>} : memref<200x128xf32, #tpu.memory_space<vmem>>, vector<1x16xf32>,
      %parallel_loop3A_85 = vector.shape_cast %parallel_loop3A_84 : vector<1x16xf32> to vector<16xf32>
      %parallel_loop3A_86 = arith.constant 0.00999999977 : f32
      %parallel_loop3A_87 = vector.broadcast %parallel_loop3A_86 : f32 to vector<16xf32>
      %parallel_loop3A_88 = arith.mulf %parallel_loop3A_85, %parallel_loop3A_87 : vector<16xf32>
      %parallel_loop3A_89 = arith.maximumf %parallel_loop3A_85, %parallel_loop3A_88 : vector<16xf32>
      %parallel_loop3A_90 = arith.index_cast %parallel_loop3A_81 : i32 to index
      %parallel_loop3A_91 = arith.constant 0 : index
      %parallel_loop3A_92 = tpu.vector_load %arg10[%parallel_loop3A_90, %parallel_loop3A_91] {strides = array<i32>} : memref<200x128xf32, #tpu.memory_space<vmem>>, vector<1x16xf32>,
      %parallel_loop3A_93 = vector.shape_cast %parallel_loop3A_92 : vector<1x16xf32> to vector<16xf32>
      %parallel_loop3A_94 = vector.shape_cast %parallel_loop3A_89 : vector<16xf32> to vector<1x16xf32>
      tpu.vector_store %arg10[%parallel_loop3A_90, %parallel_loop3A_91], %parallel_loop3A_94 {strides = array<i32>} : memref<200x128xf32, #tpu.memory_space<vmem>>, vector<1x16xf32>,
      %parallel_loop3A_95 = arith.index_cast %parallel_loop3A_81 : i32 to index
      %parallel_loop3A_96 = arith.constant 16 : index
      %parallel_loop3A_97 = tpu.vector_load %arg10[%parallel_loop3A_95, %parallel_loop3A_96] {strides = array<i32>} : memref<200x128xf32, #tpu.memory_space<vmem>>, vector<1x16xf32>,
      %parallel_loop3A_98 = vector.shape_cast %parallel_loop3A_97 : vector<1x16xf32> to vector<16xf32>
      %parallel_loop3A_99 = arith.constant 0.00999999977 : f32
      %parallel_loop3A_100 = vector.broadcast %parallel_loop3A_99 : f32 to vector<16xf32>
      %parallel_loop3A_101 = arith.mulf %parallel_loop3A_98, %parallel_loop3A_100 : vector<16xf32>
      %parallel_loop3A_102 = arith.maximumf %parallel_loop3A_98, %parallel_loop3A_101 : vector<16xf32>
      %parallel_loop3A_103 = arith.index_cast %parallel_loop3A_81 : i32 to index
      %parallel_loop3A_104 = arith.constant 16 : index
      %parallel_loop3A_105 = tpu.vector_load %arg10[%parallel_loop3A_103, %parallel_loop3A_104] {strides = array<i32>} : memref<200x128xf32, #tpu.memory_space<vmem>>, vector<1x16xf32>,
      %parallel_loop3A_106 = vector.shape_cast %parallel_loop3A_105 : vector<1x16xf32> to vector<16xf32>
      %parallel_loop3A_107 = vector.shape_cast %parallel_loop3A_102 : vector<16xf32> to vector<1x16xf32>
      tpu.vector_store %arg10[%parallel_loop3A_103, %parallel_loop3A_104], %parallel_loop3A_107 {strides = array<i32>} : memref<200x128xf32, #tpu.memory_space<vmem>>, vector<1x16xf32>,
      %parallel_loop3A_108 = arith.index_cast %parallel_loop3A_81 : i32 to index
      %parallel_loop3A_109 = arith.constant 32 : index
      %parallel_loop3A_110 = tpu.vector_load %arg10[%parallel_loop3A_108, %parallel_loop3A_109] {strides = array<i32>} : memref<200x128xf32, #tpu.memory_space<vmem>>, vector<1x16xf32>,
      %parallel_loop3A_111 = vector.shape_cast %parallel_loop3A_110 : vector<1x16xf32> to vector<16xf32>
      %parallel_loop3A_112 = arith.constant 0.00999999977 : f32
      %parallel_loop3A_113 = vector.broadcast %parallel_loop3A_112 : f32 to vector<16xf32>
      %parallel_loop3A_114 = arith.mulf %parallel_loop3A_111, %parallel_loop3A_113 : vector<16xf32>
      %parallel_loop3A_115 = arith.maximumf %parallel_loop3A_111, %parallel_loop3A_114 : vector<16xf32>
      %parallel_loop3A_116 = arith.index_cast %parallel_loop3A_81 : i32 to index
      %parallel_loop3A_117 = arith.constant 32 : index
      %parallel_loop3A_118 = tpu.vector_load %arg10[%parallel_loop3A_116, %parallel_loop3A_117] {strides = array<i32>} : memref<200x128xf32, #tpu.memory_space<vmem>>, vector<1x16xf32>,
      %parallel_loop3A_119 = vector.shape_cast %parallel_loop3A_118 : vector<1x16xf32> to vector<16xf32>
      %parallel_loop3A_120 = vector.shape_cast %parallel_loop3A_115 : vector<16xf32> to vector<1x16xf32>
      tpu.vector_store %arg10[%parallel_loop3A_116, %parallel_loop3A_117], %parallel_loop3A_120 {strides = array<i32>} : memref<200x128xf32, #tpu.memory_space<vmem>>, vector<1x16xf32>,
      %parallel_loop3A_121 = arith.index_cast %parallel_loop3A_81 : i32 to index
      %parallel_loop3A_122 = arith.constant 48 : index
      %parallel_loop3A_123 = tpu.vector_load %arg10[%parallel_loop3A_121, %parallel_loop3A_122] {strides = array<i32>} : memref<200x128xf32, #tpu.memory_space<vmem>>, vector<1x16xf32>,
      %parallel_loop3A_124 = vector.shape_cast %parallel_loop3A_123 : vector<1x16xf32> to vector<16xf32>
      %parallel_loop3A_125 = arith.constant 0.00999999977 : f32
      %parallel_loop3A_126 = vector.broadcast %parallel_loop3A_125 : f32 to vector<16xf32>
      %parallel_loop3A_127 = arith.mulf %parallel_loop3A_124, %parallel_loop3A_126 : vector<16xf32>
      %parallel_loop3A_128 = arith.maximumf %parallel_loop3A_124, %parallel_loop3A_127 : vector<16xf32>
      %parallel_loop3A_129 = arith.index_cast %parallel_loop3A_81 : i32 to index
      %parallel_loop3A_130 = arith.constant 48 : index
      %parallel_loop3A_131 = tpu.vector_load %arg10[%parallel_loop3A_129, %parallel_loop3A_130] {strides = array<i32>} : memref<200x128xf32, #tpu.memory_space<vmem>>, vector<1x16xf32>,
      %parallel_loop3A_132 = vector.shape_cast %parallel_loop3A_131 : vector<1x16xf32> to vector<16xf32>
      %parallel_loop3A_133 = vector.shape_cast %parallel_loop3A_128 : vector<16xf32> to vector<1x16xf32>
      tpu.vector_store %arg10[%parallel_loop3A_129, %parallel_loop3A_130], %parallel_loop3A_133 {strides = array<i32>} : memref<200x128xf32, #tpu.memory_space<vmem>>, vector<1x16xf32>,
      %parallel_loop3A_134 = arith.index_cast %parallel_loop3A_81 : i32 to index
      %parallel_loop3A_135 = arith.constant 64 : index
      %parallel_loop3A_136 = tpu.vector_load %arg10[%parallel_loop3A_134, %parallel_loop3A_135] {strides = array<i32>} : memref<200x128xf32, #tpu.memory_space<vmem>>, vector<1x16xf32>,
      %parallel_loop3A_137 = vector.shape_cast %parallel_loop3A_136 : vector<1x16xf32> to vector<16xf32>
      %parallel_loop3A_138 = arith.constant 0.00999999977 : f32
      %parallel_loop3A_139 = vector.broadcast %parallel_loop3A_138 : f32 to vector<16xf32>
      %parallel_loop3A_140 = arith.mulf %parallel_loop3A_137, %parallel_loop3A_139 : vector<16xf32>
      %parallel_loop3A_141 = arith.maximumf %parallel_loop3A_137, %parallel_loop3A_140 : vector<16xf32>
      %parallel_loop3A_142 = arith.index_cast %parallel_loop3A_81 : i32 to index
      %parallel_loop3A_143 = arith.constant 64 : index
      %parallel_loop3A_144 = tpu.vector_load %arg10[%parallel_loop3A_142, %parallel_loop3A_143] {strides = array<i32>} : memref<200x128xf32, #tpu.memory_space<vmem>>, vector<1x16xf32>,
      %parallel_loop3A_145 = vector.shape_cast %parallel_loop3A_144 : vector<1x16xf32> to vector<16xf32>
      %parallel_loop3A_146 = vector.shape_cast %parallel_loop3A_141 : vector<16xf32> to vector<1x16xf32>
      tpu.vector_store %arg10[%parallel_loop3A_142, %parallel_loop3A_143], %parallel_loop3A_146 {strides = array<i32>} : memref<200x128xf32, #tpu.memory_space<vmem>>, vector<1x16xf32>,
      %parallel_loop3A_147 = arith.index_cast %parallel_loop3A_81 : i32 to index
      %parallel_loop3A_148 = arith.constant 80 : index
      %parallel_loop3A_149 = tpu.vector_load %arg10[%parallel_loop3A_147, %parallel_loop3A_148] {strides = array<i32>} : memref<200x128xf32, #tpu.memory_space<vmem>>, vector<1x16xf32>,
      %parallel_loop3A_150 = vector.shape_cast %parallel_loop3A_149 : vector<1x16xf32> to vector<16xf32>
      %parallel_loop3A_151 = arith.constant 0.00999999977 : f32
      %parallel_loop3A_152 = vector.broadcast %parallel_loop3A_151 : f32 to vector<16xf32>
      %parallel_loop3A_153 = arith.mulf %parallel_loop3A_150, %parallel_loop3A_152 : vector<16xf32>
      %parallel_loop3A_154 = arith.maximumf %parallel_loop3A_150, %parallel_loop3A_153 : vector<16xf32>
      %parallel_loop3A_155 = arith.index_cast %parallel_loop3A_81 : i32 to index
      %parallel_loop3A_156 = arith.constant 80 : index
      %parallel_loop3A_157 = tpu.vector_load %arg10[%parallel_loop3A_155, %parallel_loop3A_156] {strides = array<i32>} : memref<200x128xf32, #tpu.memory_space<vmem>>, vector<1x16xf32>,
      %parallel_loop3A_158 = vector.shape_cast %parallel_loop3A_157 : vector<1x16xf32> to vector<16xf32>
      %parallel_loop3A_159 = vector.shape_cast %parallel_loop3A_154 : vector<16xf32> to vector<1x16xf32>
      tpu.vector_store %arg10[%parallel_loop3A_155, %parallel_loop3A_156], %parallel_loop3A_159 {strides = array<i32>} : memref<200x128xf32, #tpu.memory_space<vmem>>, vector<1x16xf32>,
      %parallel_loop3A_160 = arith.index_cast %parallel_loop3A_81 : i32 to index
      %parallel_loop3A_161 = arith.constant 96 : index
      %parallel_loop3A_162 = tpu.vector_load %arg10[%parallel_loop3A_160, %parallel_loop3A_161] {strides = array<i32>} : memref<200x128xf32, #tpu.memory_space<vmem>>, vector<1x16xf32>,
      %parallel_loop3A_163 = vector.shape_cast %parallel_loop3A_162 : vector<1x16xf32> to vector<16xf32>
      %parallel_loop3A_164 = arith.constant 0.00999999977 : f32
      %parallel_loop3A_165 = vector.broadcast %parallel_loop3A_164 : f32 to vector<16xf32>
      %parallel_loop3A_166 = arith.mulf %parallel_loop3A_163, %parallel_loop3A_165 : vector<16xf32>
      %parallel_loop3A_167 = arith.maximumf %parallel_loop3A_163, %parallel_loop3A_166 : vector<16xf32>
      %parallel_loop3A_168 = arith.index_cast %parallel_loop3A_81 : i32 to index
      %parallel_loop3A_169 = arith.constant 96 : index
      %parallel_loop3A_170 = tpu.vector_load %arg10[%parallel_loop3A_168, %parallel_loop3A_169] {strides = array<i32>} : memref<200x128xf32, #tpu.memory_space<vmem>>, vector<1x16xf32>,
      %parallel_loop3A_171 = vector.shape_cast %parallel_loop3A_170 : vector<1x16xf32> to vector<16xf32>
      %parallel_loop3A_172 = vector.shape_cast %parallel_loop3A_167 : vector<16xf32> to vector<1x16xf32>
      tpu.vector_store %arg10[%parallel_loop3A_168, %parallel_loop3A_169], %parallel_loop3A_172 {strides = array<i32>} : memref<200x128xf32, #tpu.memory_space<vmem>>, vector<1x16xf32>,
      %parallel_loop3A_173 = arith.index_cast %parallel_loop3A_81 : i32 to index
      %parallel_loop3A_174 = arith.constant 112 : index
      %parallel_loop3A_175 = tpu.vector_load %arg10[%parallel_loop3A_173, %parallel_loop3A_174] {strides = array<i32>} : memref<200x128xf32, #tpu.memory_space<vmem>>, vector<1x16xf32>,
      %parallel_loop3A_176 = vector.shape_cast %parallel_loop3A_175 : vector<1x16xf32> to vector<16xf32>
      %parallel_loop3A_177 = arith.constant 0.00999999977 : f32
      %parallel_loop3A_178 = vector.broadcast %parallel_loop3A_177 : f32 to vector<16xf32>
      %parallel_loop3A_179 = arith.mulf %parallel_loop3A_176, %parallel_loop3A_178 : vector<16xf32>
      %parallel_loop3A_180 = arith.maximumf %parallel_loop3A_176, %parallel_loop3A_179 : vector<16xf32>
      %parallel_loop3A_181 = arith.index_cast %parallel_loop3A_81 : i32 to index
      %parallel_loop3A_182 = arith.constant 112 : index
      %parallel_loop3A_183 = tpu.vector_load %arg10[%parallel_loop3A_181, %parallel_loop3A_182] {strides = array<i32>} : memref<200x128xf32, #tpu.memory_space<vmem>>, vector<1x16xf32>,
      %parallel_loop3A_184 = vector.shape_cast %parallel_loop3A_183 : vector<1x16xf32> to vector<16xf32>
      %parallel_loop3A_185 = vector.shape_cast %parallel_loop3A_180 : vector<16xf32> to vector<1x16xf32>
      tpu.vector_store %arg10[%parallel_loop3A_181, %parallel_loop3A_182], %parallel_loop3A_185 {strides = array<i32>} : memref<200x128xf32, #tpu.memory_space<vmem>>, vector<1x16xf32>,
    } {sc.loop_unroll_factor = 2 : i64, sc.parallel_access}
    %add3A_63 = arith.constant 9800 : i32
    %add3A_64 = arith.addi %mul3A_2, %add3A_63 : i32
    %dma_start3A_65 = arith.constant 0 : i32
    %dma_start3A_66 = tpu.memref_slice %arg6[%add3A_64, %dma_start3A_65] : memref<320000x128xf32, #tpu.memory_space<hbm>> -> memref<200x128xf32, #tpu.memory_space<hbm>>
    %dma_start3A_67 = arith.constant 0 : i32
    %dma_start3A_68 = tpu.memref_slice %arg6[%add3A_64, %dma_start3A_67] : memref<320000x128xf32, #tpu.memory_space<hbm>> -> memref<200x128xf32, #tpu.memory_space<hbm>>
    tpu.enqueue_dma source(%arg10 : memref<200x128xf32, #tpu.memory_space<vmem>>) target(%dma_start3A_68 : memref<200x128xf32, #tpu.memory_space<hbm>>) target_semaphore(%arg17 : memref<!tpu.dma_semaphore, #tpu.memory_space<semaphore_mem>>)
    %dma_wait3A_69 = arith.constant 0 : i32
    %dma_wait3A_70 = tpu.memref_slice %arg6[%mul3A_2, %dma_wait3A_69] : memref<320000x128xf32, #tpu.memory_space<hbm>> -> memref<200x128xf32, #tpu.memory_space<hbm>>
    %dma_wait3A_71 = arith.constant 0 : i32
    %dma_wait3A_72 = tpu.memref_slice %arg6[%mul3A_2, %dma_wait3A_71] : memref<320000x128xf32, #tpu.memory_space<hbm>> -> memref<200x128xf32, #tpu.memory_space<hbm>>
    tpu.wait_dma2 semaphore(%arg20 : memref<!tpu.dma_semaphore, #tpu.memory_space<semaphore_mem>>) src(%arg11 : memref<200x128xf32, #tpu.memory_space<vmem>>) dst(%dma_wait3A_72 : memref<200x128xf32, #tpu.memory_space<hbm>>)
    %dma_wait3A_73 = arith.constant 0 : i32
    %dma_wait3A_74 = tpu.memref_slice %arg6[%mul3A_2, %dma_wait3A_73] : memref<320000x128xf32, #tpu.memory_space<hbm>> -> memref<200x128xf32, #tpu.memory_space<hbm>>
    %dma_wait3A_75 = arith.constant 0 : i32
    %dma_wait3A_76 = tpu.memref_slice %arg6[%mul3A_2, %dma_wait3A_75] : memref<320000x128xf32, #tpu.memory_space<hbm>> -> memref<200x128xf32, #tpu.memory_space<hbm>>
    tpu.wait_dma2 semaphore(%arg14 : memref<!tpu.dma_semaphore, #tpu.memory_space<semaphore_mem>>) src(%arg9 : memref<200x128xf32, #tpu.memory_space<vmem>>) dst(%dma_wait3A_76 : memref<200x128xf32, #tpu.memory_space<hbm>>)
    %dma_wait3A_77 = arith.constant 0 : i32
    %dma_wait3A_78 = tpu.memref_slice %arg6[%mul3A_2, %dma_wait3A_77] : memref<320000x128xf32, #tpu.memory_space<hbm>> -> memref<200x128xf32, #tpu.memory_space<hbm>>
    %dma_wait3A_79 = arith.constant 0 : i32
    %dma_wait3A_80 = tpu.memref_slice %arg6[%mul3A_2, %dma_wait3A_79] : memref<320000x128xf32, #tpu.memory_space<hbm>> -> memref<200x128xf32, #tpu.memory_space<hbm>>
    tpu.wait_dma2 semaphore(%arg17 : memref<!tpu.dma_semaphore, #tpu.memory_space<semaphore_mem>>) src(%arg10 : memref<200x128xf32, #tpu.memory_space<vmem>>) dst(%dma_wait3A_80 : memref<200x128xf32, #tpu.memory_space<hbm>>)
    return
  }
}

module attributes {stable_mosaic.version = 14 : i64} {
  func.func @_mm_body(%arg0: memref<10000x128xf32, #tpu.memory_space<vmem>>, %arg1: memref<256x128xf32, #tpu.memory_space<vmem>>, %arg2: memref<2x320000xi32, #tpu.memory_space<vmem>>, %arg3: memref<10000x128xf32, #tpu.memory_space<vmem>>, %arg4: memref<10000x128xf32, #tpu.memory_space<vmem>>, %arg5: memref<320000xi32, #tpu.memory_space<vmem>>, %arg6: memref<320000xi32, #tpu.memory_space<vmem>>) attributes {dimension_semantics = [], scalar_prefetch = 0 : i64, scratch_operands = 0 : i64, tpu.core_type = #tpu.core_type<tc>} {
    %get3A = arith.constant 0 : index
    %get3A_0 = arith.constant 0 : index
    %get3A_1 = vector.load %arg0[%get3A, %get3A_0] : memref<10000x128xf32, #tpu.memory_space<vmem>>, vector<10000x128xf32>
    %get3A_2 = arith.constant 0 : index
    %get3A_3 = arith.constant 0 : index
    %get3A_4 = vector.load %arg1[%get3A_2, %get3A_3] : memref<256x128xf32, #tpu.memory_space<vmem>>, vector<128x128xf32>
    %dot_general3A = arith.constant dense<0.000000e+00> : vector<10000x128xf32>
    %dot_general3A_5 = tpu.matmul %get3A_1, %get3A_4, %dot_general3A {dimension_numbers = #tpu.dot_dimension_numbers<[1], [0], [0], [1], [0, 0, 1, 1], [], []>, transpose_lhs_hint = false} : vector<10000x128xf32>, vector<128x128xf32>, vector<10000x128xf32> -> vector<10000x128xf32>
    %swap3A = arith.constant 0 : index
    %swap3A_6 = arith.constant 0 : index
    %swap3A_7 = vector.load %arg3[%swap3A, %swap3A_6] : memref<10000x128xf32, #tpu.memory_space<vmem>>, vector<10000x128xf32>
    tpu.vector_store %arg3[%swap3A, %swap3A_6], %dot_general3A_5 {strides = array<i32>} : memref<10000x128xf32, #tpu.memory_space<vmem>>, vector<10000x128xf32>,
    %get3A_8 = arith.constant 128 : index
    %get3A_9 = arith.constant 0 : index
    %get3A_10 = vector.load %arg1[%get3A_8, %get3A_9] : memref<256x128xf32, #tpu.memory_space<vmem>>, vector<128x128xf32>
    %dot_general3A_11 = arith.constant dense<0.000000e+00> : vector<10000x128xf32>
    %dot_general3A_12 = tpu.matmul %get3A_1, %get3A_10, %dot_general3A_11 {dimension_numbers = #tpu.dot_dimension_numbers<[1], [0], [0], [1], [0, 0, 1, 1], [], []>, transpose_lhs_hint = false} : vector<10000x128xf32>, vector<128x128xf32>, vector<10000x128xf32> -> vector<10000x128xf32>
    %swap3A_13 = arith.constant 0 : index
    %swap3A_14 = arith.constant 0 : index
    %swap3A_15 = vector.load %arg4[%swap3A_13, %swap3A_14] : memref<10000x128xf32, #tpu.memory_space<vmem>>, vector<10000x128xf32>
    tpu.vector_store %arg4[%swap3A_13, %swap3A_14], %dot_general3A_12 {strides = array<i32>} : memref<10000x128xf32, #tpu.memory_space<vmem>>, vector<10000x128xf32>,
    %get3A_16 = arith.constant 0 : index
    %get3A_17 = arith.constant 0 : index
    %get3A_18 = vector.load %arg2[%get3A_16, %get3A_17] : memref<2x320000xi32, #tpu.memory_space<vmem>>, vector<1x320000xi32>
    %get3A_19 = vector.shape_cast %get3A_18 : vector<1x320000xi32> to vector<320000xi32>
    %swap3A_20 = arith.constant 0 : index
    %swap3A_21 = vector.load %arg5[%swap3A_20] : memref<320000xi32, #tpu.memory_space<vmem>>, vector<320000xi32>
    tpu.vector_store %arg5[%swap3A_20], %get3A_19 {strides = array<i32>} : memref<320000xi32, #tpu.memory_space<vmem>>, vector<320000xi32>,
    %get3A_22 = arith.constant 1 : index
    %get3A_23 = arith.constant 0 : index
    %get3A_24 = vector.load %arg2[%get3A_22, %get3A_23] : memref<2x320000xi32, #tpu.memory_space<vmem>>, vector<1x320000xi32>
    %get3A_25 = vector.shape_cast %get3A_24 : vector<1x320000xi32> to vector<320000xi32>
    %swap3A_26 = arith.constant 0 : index
    %swap3A_27 = vector.load %arg6[%swap3A_26] : memref<320000xi32, #tpu.memory_space<vmem>>, vector<320000xi32>
    tpu.vector_store %arg6[%swap3A_26], %get3A_25 {strides = array<i32>} : memref<320000xi32, #tpu.memory_space<vmem>>, vector<320000xi32>,
    return
  }
}

</mosaic_0001>

<sc_bundles>
// kernel: kernel.4.cloned.1.call-start
scs
__scs_entry_jumppad:
0x0: {  	(pc) =	sbr.rel $0x88, $3  }
0x1: {  	(tag) =	ssettag $0x0;
	lr =	simm.s32 $0x1  }
0x2: {  	[smem:$0x3F9E] =	sst lr;
	_ =	strace $0xD0000000  }
0x3: {  	_ = 	snop  }
0x4: {  	_ = 	snop  }
0x5: {  	_ = 	snop  }
0x6: {  	_ = 	snop  }
0x7: {  	_ = 	snop  }
__scs_overlays_trampoline_lowered:
0x8: {  	[smem:$0x3FAD] =	sst s0  }
0x9: {  	[smem:$0x3FAE] =	sst s1  }
0xa: {  	[smem:$0x3FAF] =	sst s2  }
0xb: {  	[smem:$0x3FB0] =	sst s3  }
0xc: {  	[smem:$0x3FB1] =	sst s4  }
0xd: {  	[smem:$0x3FB2] =	sst s5  }
0xe: {  	[smem:$0x3FB3] =	sst s6  }
0xf: {  	[smem:$0x3FB4] =	sst s7  }
0x10: {  	[smem:$0x3FB5] =	sst s8  }
0x11: {  	[smem:$0x3FB6] =	sst s9;
	s0 =	simm.s32 @!p0 $0x0  }
0x12: {  	s1 =	sld [smem:$0x3F9C];
	s0 =	simm.s32 @p0 $0x1  }
0x13: {  	[smem:$0x3FB7] =	sst s0;
	s0 =	simm.s32 @!p1 $0x0  }
0x14: {  	s2 =	sld [smem:$0x3F9B];
	s0 =	simm.s32 @p1 $0x1  }
0x15: {  	[smem:$0x3FB8] =	sst s0;
	s0 =	simm.s32 @!p2 $0x0  }
0x16: {  	s3 =	sld [smem:$0x3FDB];
	s0 =	simm.s32 @p2 $0x1  }
0x17: {  	s4 =	simm.s32 $0x1BF5;
	[smem:$0x3FBA] =	sst s0  }
0x18: {  	s0 =	sld [smem:$0x3F9D];
	_ =	swait.ge [sflag:s4], $0x0  }
0x19: {  	s7 =	sld [smem:$0x3F9E]  }
0x1a: {  	s8 =	sadd.s32 $0xFFFFE003, lr  }
0x1b: {  	s9 =	sadd.s32 $0xFFFFFEF7, lr;
	s5 =	simm.s32 $0xFFFFFFFF;
	p2 =	slt.u32 s8, $0xFFFFF086  }
0x1c: {  	p1 =	slt.u32 s9, $0xF7A;
	s5 =	simm.s32 @!p2 $0x0  }
0x1d: {  	s5 =	simm.s32 @p1 $0x1;
	p0 =	seq.s32 s7, s2  }
0x1e: {  	s7 =	smul.u32 @!p0 $0xF7A, s2;
	p2 =	seq.s32 @!p0 s5, $0x0  }
0x1f: {  	s9 =	smul.u32 $0xF7A, s1;
	s8 =	simm.s32 @!p0 $0x1BF5;
	p2 =	por !p2, p0  }
0x20: {  	[sflag:s8] =	ssyncset.s32 @!p0 $0xFFFFF086;
	s6 =	sadd.s32 @!p0 s3, s7;
	s7 =	simm.s32 @!p0 $0x108  }
0x21: {  	s3 =	sadd.s32 s3, s9;
	s6 =	sadd.s32 @!p0 $0x88, s6;
	s7 =	simm.s32 @p2 $0x1082  }
0x22: {  	[simem:s7], [sflag:s8] =	dma.local @!p0 [hbm:s6], $0xF7A  }
0x23: {  	s9 =	sor.u32 $0xD0000000, s2;
	s6 =	simm.s32 $0x108;
	_ =	swait.ge @!p0 [sflag:s8], $0x0  }
0x24: {  	s3 =	sadd.s32 $0x88, s3;
	s6 =	simm.s32 @!p1 $0x1082;
	[sflag:s4] =	ssyncset.s32 $0xFFFFF086  }
0x25: {  	[simem:s6], [sflag:s4] =	dma.local [hbm:s3], $0xF7A  }
0x26: {  	[smem:$0x3F9E] =	sst s1;
	(tag) =	ssettag s2;
	_ =	strace s9  }
0x27: {  	s1 =	sld [smem:$0x3FAE]  }
0x28: {  	s2 =	sld [smem:$0x3FAF]  }
0x29: {  	s4 =	sld [smem:$0x3FB1]  }
0x2a: {  	p0 =	seq.s32 s5, $0x0;
	s5 =	sld [smem:$0x3FB2]  }
0x2b: {  	s6 =	sld [smem:$0x3FB3]  }
0x2c: {  	s7 =	sld [smem:$0x3FB4]  }
0x2d: {  	s3 =	simm.s32 $0x108;
	s8 =	sld [smem:$0x3FB5]  }
0x2e: {  	s3 =	simm.s32 @!p0 $0x1082;
	s9 =	sld [smem:$0x3FB6]  }
0x2f: {  	lr =	sadd.s32 s0, s3;
	s0 =	sld [smem:$0x3FAD]  }
0x30: {  	s3 =	sld [smem:$0x3FB0]  }
0x31: {  	[smem:$0x3FB9] =	sst s10  }
0x32: {  	s10 =	sld [smem:$0x3FB7];
	_ =	sdelay $0x3  }
0x33: {  	p0 =	seq.s32 s10, $0x1;
	s10 =	sld [smem:$0x3FB9];
	_ =	sdelay $0x3  }
0x34: {  	[smem:$0x3FB9] =	sst s10  }
0x35: {  	s10 =	sld [smem:$0x3FB8];
	_ =	sdelay $0x3  }
0x36: {  	p1 =	seq.s32 s10, $0x1;
	s10 =	sld [smem:$0x3FB9];
	_ =	sdelay $0x3  }
0x37: {  	[smem:$0x3FB9] =	sst s10  }
0x38: {  	s10 =	sld [smem:$0x3FBA]  }
0x39: {  	_ = 	snop;
	(pc) =	sbr.ind lr, $3  }
0x3a: {  	_ = 	snop  }
0x3b: {  	_ = 	snop  }
0x3c: {  	p2 =	seq.s32 s10, $0x1;
	s10 =	sld [smem:$0x3FB9]  }
0x3d: {  	_ =	shalt  }
0x3e: {  	_ =	shalt  }
0x3f: {  	_ =	shalt  }
0x40: {  	_ =	shalt  }
0x41: {  	_ =	shalt  }
0x42: {  	_ =	shalt  }
0x43: {  	_ =	shalt  }
0x44: {  	_ =	shalt  }
0x45: {  	_ =	shalt  }
0x46: {  	_ =	shalt  }
0x47: {  	_ =	shalt  }
0x48: {  	_ =	shalt  }
0x49: {  	_ =	shalt  }
0x4a: {  	_ =	shalt  }
0x4b: {  	_ =	shalt  }
0x4c: {  	_ =	shalt  }
0x4d: {  	_ =	shalt  }
0x4e: {  	_ =	shalt  }
0x4f: {  	_ =	shalt  }
0x50: {  	_ =	shalt  }
0x51: {  	_ =	shalt  }
0x52: {  	_ =	shalt  }
0x53: {  	_ =	shalt  }
0x54: {  	_ =	shalt  }
0x55: {  	_ =	shalt  }
0x56: {  	_ =	shalt  }
0x57: {  	_ =	shalt  }
0x58: {  	_ =	shalt  }
0x59: {  	_ =	shalt  }
0x5a: {  	_ =	shalt  }
0x5b: {  	_ =	shalt  }
0x5c: {  	_ =	shalt  }
0x5d: {  	_ =	shalt  }
0x5e: {  	_ =	shalt  }
0x5f: {  	_ =	shalt  }
0x60: {  	_ =	shalt  }
0x61: {  	_ =	shalt  }
0x62: {  	_ =	shalt  }
0x63: {  	_ =	shalt  }
0x64: {  	_ =	shalt  }
0x65: {  	_ =	shalt  }
0x66: {  	_ =	shalt  }
0x67: {  	_ =	shalt  }
0x68: {  	_ =	shalt  }
0x69: {  	_ =	shalt  }
0x6a: {  	_ =	shalt  }
0x6b: {  	_ =	shalt  }
0x6c: {  	_ =	shalt  }
0x6d: {  	_ =	shalt  }
0x6e: {  	_ =	shalt  }
0x6f: {  	_ =	shalt  }
0x70: {  	_ =	shalt  }
0x71: {  	_ =	shalt  }
0x72: {  	_ =	shalt  }
0x73: {  	_ =	shalt  }
0x74: {  	_ =	shalt  }
0x75: {  	_ =	shalt  }
0x76: {  	_ =	shalt  }
0x77: {  	_ =	shalt  }
0x78: {  	_ =	shalt  }
0x79: {  	_ =	shalt  }
0x7a: {  	_ =	shalt  }
0x7b: {  	_ =	shalt  }
0x7c: {  	_ =	shalt  }
0x7d: {  	_ =	shalt  }
0x7e: {  	_ =	shalt  }
0x7f: {  	_ =	shalt  }
0x80: {  	_ =	shalt  }
0x81: {  	_ =	shalt  }
0x82: {  	_ =	shalt  }
0x83: {  	_ =	shalt  }
0x84: {  	_ =	shalt  }
0x85: {  	_ =	shalt  }
0x86: {  	_ =	shalt  }
0x87: {  	_ =	shalt  }
.Lfunc_end0:
.L_simem_size_0:
called_computation_lowered:
.L_overlay_start_0:
0x88: {  	s2 =	sld [smem:$0x3FD9]  }
0x89: {  	s3 =	sld [smem:$0x3FFE];
	_ =	sdelay $0x1  }
0x8a: {  	s1 =	srdreg.scid  }
0x8b: {  	s0 =	sand.u32 $0x1, s1  }
0x8c: {  	s17 =	sshll.u32 s0, $0xA;
	s2 =	sadd.s32 s3, s2  }
0x8d: {  	s2 =	sadd.s32 s2, s17  }
0x8e: {  	[smem:$0x3FC5] =	sst s2  }
0x8f: {  	_ = 	snop  }
0x90: {  	s2 =	sld [smem:$0x3FD0];
	(tm) =	ssettm $0x1  }
0x91: {  	s18 =	sld [smem:$0x3FFB];
	_ =	sdelay $0x3  }
0x92: {  	_ =	strace s18  }
0x93: {  	s3 =	sld [smem:$0x3FFC];
	_ =	sdelay $0x3  }
0x94: {  	_ =	strace s3  }
0x95: {  	s3 =	sld [smem:$0x3FFD];
	_ =	sdelay $0x3  }
0x96: {  	_ =	strace s3  }
0x97: {  	_ =	strace $0x8FFFFFFF  }
0x98: {  	s19 =	sld [smem:$0x3FDB];
	_ =	sdelay $0x1  }
0x99: {  	s4 =	simm.s32 $_scs_section_size  }
0x9a: {  	s5 =	simm.s32 $_size__tile_overlayer_lowered;
	s6 =	simm.s32 $_tile_overlayer_lowered  }
0x9b: {  	s22 =	simm.s32 $0x1BFF;
	s21 =	sshll.u32 s6, $0x1;
	s3 =	sadd.s32 s4, s19  }
0x9c: {  	s7 =	simm.s32 $0x0;
	s20 =	sshll.u32 s5, $0x1;
	s5 =	sadd.s32 s21, s3  }
0x9d: {  	[timem:s7], [sflag:s22] =	dma.local [hbm:s5], s20  }
0x9e: {  	_ =	swait.ge [sflag:s22], s20  }
0x9f: {  	s4 =	ssub.s32 $0x0, s20;
	[sflag:s22] =	ssyncset.done $0x0  }
0xa0: {  	[sflag:s22] =	ssyncadd.s32 s4;
	_ =	sdelay $0x1  }
0xa1: {  	s23 =	simm.s32 $0x1B8B  }
0xa2: {  	_ =	swait.ge [sflag:s23], $0x1  }
0xa3: {  	[sflag:s23] =	ssyncset.done $0x0  }
0xa4: {  	s25 =	simm.s32 $0x1B8E;
	s24 =	sld [smem:$0x3FFE];
	[sflag:s23] =	ssyncadd.s32 $0xFFFFFFFF  }
0xa5: {  	s26 =	simm.s32 $execute0_lowered;
	[smem:$0x3FD2] =	sst s25  }
0xa6: {  	s5 =	sshll.u32 s26, $0x1;
	_ =	strace $0x80000046;
	[dreg:$0x1] =	wrdreg $0xFFFFFFFF  }
0xa7: {  	s28 =	simm.s32 $_size_execute0_lowered;
	s3 =	sadd.s32 s3, s5;
	[dreg:$0x0] =	wrdreg $0x0  }
0xa8: {  	s5 =	sshll.u32 s28, $0x1;
	[dreg:$0x2] =	wrdreg s3  }
0xa9: {  	[dreg:$0x3] =	wrdreg s5  }
0xaa: {  	[dreg:$0x4] =	wrdreg $0xC0  }
0xab: {  	_ =	task [dreg:s7], $0x5FFFF  }
0xac: {  	[dreg:$0x1] =	wrdreg $0xFFFFFFFF  }
0xad: {  	[dreg:$0x0] =	wrdreg $0x60  }
0xae: {  	[dreg:$0x2] =	wrdreg s24  }
0xaf: {  	[dreg:$0x3] =	wrdreg s2  }
0xb0: {  	[dreg:$0x4] =	wrdreg $0x9  }
0xb1: {  	_ =	task.clear_ibuf [dreg:s7], $0x5FFFF;
	_ =	strace $0x90000046  }
0xb2: {  	s29 =	simm.s32 $0x9;
	_ =	strace $0x80000048  }
0xb3: {  	_ =	swait.ge [sflag:s29], $0x1  }
0xb4: {  	[sflag:s29] =	ssyncadd.s32 $0xFFFFFFFF  }
0xb5: {  	_ =	strace $0x90000048  }
0xb6: {  	_ =	sfence  }
0xb7: {  	s30 =	sld [smem:$0x0];
	_ =	sdelay $0x2  }
0xb8: {  	s31 =	sshll.u32 s1, $0xD;
	s1 =	sshrl.u32 s1, $0x2  }
0xb9: {  	s3 =	sand.u32 $0x4000, s31;
	s1 =	sadd.s32 s1, s30  }
0xba: {  	s0 =	sor.u32 s3, s0;
	s1 =	sshll.u32 s1, $0x11  }
0xbb: {  	s0 =	sor.u32 s1, s0  }
0xbc: {  	s0 =	sadd.s32 $0x8F2B, s0  }
0xbd: {  	[sflag:s0] =	ssyncadd.remote.s32 $0x1  }
0xbe: {  	_ =	sfence.sel $0xFFFF  }
0xbf: {  	[dreg:$0x0] =	wrdreg $0xFFFFFFFF;
	(pc) =	sbr.abs _section_cstart, $3  }
0xc0: {  	[dreg:$0x1] =	wrdreg $0xFFFFFFFF  }
0xc1: {  	_ =	task.clear_ibuf [dreg:s7], $0x2FFFF;
	_ =	strace $0x9FFFFFFF  }
0xc2: {  	(tm) =	ssettm $0x7FFFFFFF  }
0xc3: {  	_ =	shalt  }
tec
execute0_lowered:
.L_overlay_start_1:
0x0: {  	(tag) =	ssettag $0x1  }
0x1: {  	s0 =	rddreg [dreg:$0x0]  }
0x2: {  	s2 =	rddreg [dreg:$0x1];
	s1 =	srdreg.scid  }
0x3: {  	s4 =	stileid.u32;
	s3 =	simm.s32 $0x0;
	s12 =	simm.s32 $0xA  }
0x4: {  	s14 =	simm.s32 $0xC8;
	s15 =	simm.s32 $0x4F00;
	s16 =	simm.s32 $0x1  }
0x5: {  	s17 =	simm.s32 $0xB300;
	s18 =	simm.s32 $0x2;
	s19 =	simm.s32 $0x4  }
0x6: {  	s20 =	simm.s32 $0x11700;
	s21 =	simm.s32 $0x5;
	s22 =	simm.s32 $0x7  }
0x7: {  	s23 =	simm.s32 $0x3;
	s24 =	simm.s32 $0x8;
	s25 =	simm.s32 $0x6  }
0x8: {  	s28 =	simm.s32 $0x9;
	s1 =	sand.u32 $0x1, s1;
	s4 =	sshll.u32 s4, $0x1  }
0x9: {  	s29 =	simm.s32 $0x0;
	[smem:$0x7FF] =	sst s3;
	s6 =	sor.u32 s1, s4  }
0xa: {  	s5 =	sadd.s32 $0x1400, s0;
	s1 =	ssub.s32 $0x2, s1;
	s4 =	smul.u32 $0x2710, s6  }
0xb: {  	_ =	strace $0x80000047;
	s7 =	smul.u32 $0x138800, s6;
	s30 =	sshrl.u32 s1, $0x1  }
0xc: {  	s6 =	sadd.s32 $0x28600, s0;
	s1 =	ssub.s32 s1, s30;
	s8 =	sshrl.u32 s4, $0x3  }
0xd: {  	s7 =	sshrl.u32 s7, $0x3;
	s11 =	smax.u32 s1, $0x1;
	s0 =	sadd.s32 s8, s0  }
0xe: {  	s7 =	sadd.s32 s2, s7;
	s31 =	sadd.s32 $0x4F800, s0;
	s8 =	sadd.s32 $0x59600, s0  }
0xf: {  	s9 =	sadd.s32 $0x25800, s7;
	s10 =	sadd.s32 $0x26480, s7;
	[dreg:$0x3] =	wrdreg s31  }
.LBB2_1:
0x10: {  	s0 =	rddreg [dreg:$0x3]  }
0x11: {  	[tilespmem:s3], [sflag:$0xA] =	stream.linear.gather [hbm4b:s0+s3], $0x2710, $0x38;
	[tilespmem:$0x17B00] =	vst v63  }
0x12: {  	_ =	swait.ge [sflag:s12], $0x2710  }
0x13: {  	[sflag:s12] =	ssyncset.done $0x0  }
0x14: {  	s31 =	simm.s32 $0x2780;
	[sflag:s12] =	ssyncadd.s32 $0xFFFFD8F0  }
0x15: {  	[tilespmem:s31], [sflag:$0xA] =	stream.linear.gather [hbm4b:s8+s3], $0x2710, $0x38;
	[tilespmem:$0x17B00] =	vst v63  }
0x16: {  	_ =	swait.ge [sflag:s12], $0x2710  }
0x17: {  	[sflag:s12] =	ssyncset.done $0x0  }
0x18: {  	[sflag:s12] =	ssyncadd.s32 $0xFFFFD8F0  }
0x19: {  	[tilespmem:s15], [sflag:$0x1] =	stream.indirect.gather [hbm4b:s5+s14], $0x80, s3, s14, $0xb8;
	[tilespmem:$0x17B00] =	vst v63  }
0x1a: {  	_ =	swait.ge [sflag:s16], $0x6400  }
0x1b: {  	[sflag:s16] =	ssyncset.done $0x0  }
0x1c: {  	[sflag:s16] =	ssyncadd.s32 $0xFFFF9C00  }
0x1d: {  	[tilespmem:s15], [sflag:$0x2] =	stream.indirect.gather.add.f32 [hbm:s6], $0x80, s31, s14, $0xb8;
	[tilespmem:$0x17B00] =	vst v63  }
0x1e: {  	s30 =	simm.s32 $0x0  }
0x1f: {  	[tilespmem:s17], [sflag:$0x4] =	stream.indirect.gather [hbm4b:s5+s14], $0x80, s14, s14, $0xb8;
	[tilespmem:$0x17B00] =	vst v63  }
.LBB2_2:
0x20: {  	_ =	swait.ge [sflag:s18], $0x6400  }
0x21: {  	[sflag:s18] =	ssyncset.done $0x0  }
0x22: {  	s26 =	simm.s32 $0x4F80;
	[sflag:s18] =	ssyncadd.s32 $0xFFFF9C00  }
0x23: {  	v0 =	vld [tilespmem:s26+$0x70]  }
0x24: {  	v1 =	vld [tilespmem:s26+$0xFFFFFF90]  }
0x25: {  	v2 =	vld [tilespmem:s26+$0xFFFFFFA0]  }
0x26: {  	v3 =	vld [tilespmem:s26+$0xFFFFFFB0]  }
0x27: {  	v4 =	vld [tilespmem:s26+$0xFFFFFFC0]  }
0x28: {  	v5 =	vld [tilespmem:s26+$0xFFFFFFD0];
	v6 =	vmul.f32 $9.999999770e-03, v0  }
0x29: {  	v8 =	vld [tilespmem:s26+$0xFFFFFFE0];
	v7 =	vmul.f32 $9.999999770e-03, v1  }
0x2a: {  	v9 =	vmul.f32 $9.999999770e-03, v2;
	v0 =	vmax.f32 v0, v6;
	v6 =	vld [tilespmem:s26+$0xFFFFFFF0]  }
0x2b: {  	v10 =	vld [tilespmem:s26+$0x0];
	v1 =	vmax.f32 v1, v7;
	v7 =	vmul.f32 $9.999999770e-03, v3;
	[tilespmem:s26+$0x70] =	vst v0  }
0x2c: {  	[tilespmem:s26+$0xFFFFFF90] =	vst v1;
	v0 =	vmax.f32 v2, v9;
	v9 =	vmul.f32 $9.999999770e-03, v4;
	v1 =	vld [tilespmem:s26+$0x10]  }
0x2d: {  	v2 =	vld [tilespmem:s26+$0x20];
	[tilespmem:s26+$0xFFFFFFA0] =	vst v0;
	v0 =	vmax.f32 v3, v7;
	v7 =	vmul.f32 $9.999999770e-03, v5  }
0x2e: {  	v3 =	vld [tilespmem:s26+$0x30];
	[tilespmem:s26+$0xFFFFFFB0] =	vst v0;
	v0 =	vmax.f32 v4, v9;
	v4 =	vmul.f32 $9.999999770e-03, v8  }
0x2f: {  	[tilespmem:s26+$0xFFFFFFC0] =	vst v0;
	v0 =	vmax.f32 v5, v7;
	v5 =	vld [tilespmem:s26+$0x40];
	v7 =	vmul.f32 $9.999999770e-03, v6  }
0x30: {  	[tilespmem:s26+$0xFFFFFFD0] =	vst v0;
	v0 =	vmax.f32 v8, v4;
	v8 =	vmul.f32 $9.999999770e-03, v10;
	v4 =	vld [tilespmem:s26+$0x50]  }
0x31: {  	[tilespmem:s26+$0xFFFFFFE0] =	vst v0;
	v9 =	vmax.f32 v6, v7;
	v7 =	vmul.f32 $9.999999770e-03, v1;
	v6 =	vld [tilespmem:s26+$0x60]  }
0x32: {  	s0 =	simm.s32 $0x0;
	s1 =	simm.s32 $0x5080;
	v0 =	vld [tilespmem:s26+$0xFFFFFF80];
	[tilespmem:s26+$0xFFFFFFF0] =	vst v9;
	v9 =	vmax.f32 v10, v8;
	v8 =	vmul.f32 $9.999999770e-03, v2  }
.LBB2_3:
0x33: {  	v10 =	vld [tilespmem:s1+$0x70];
	s0 =	sadd.s32 $0x2, s0;
	[tilespmem:s26+$0x0] =	vst v9;
	v1 =	vmax.f32 v1, v7;
	v7 =	vmul.f32 $9.999999770e-03, v3  }
0x34: {  	v9 =	vld [tilespmem:s1+$0xFFFFFF90];
	p0 =	slt.u32 s0, $0x62;
	[tilespmem:s26+$0x10] =	vst v1;
	v1 =	vmax.f32 v2, v8;
	v2 =	vmul.f32 $9.999999770e-03, v5  }
0x35: {  	v8 =	vld [tilespmem:s1+$0xFFFFFFA0];
	[tilespmem:s26+$0x20] =	vst v1;
	v1 =	vmax.f32 v3, v7;
	v3 =	vmul.f32 $9.999999770e-03, v4  }
0x36: {  	v7 =	vld [tilespmem:s1+$0xFFFFFFB0];
	[tilespmem:s26+$0x30] =	vst v1;
	v1 =	vmax.f32 v5, v2;
	v2 =	vmul.f32 $9.999999770e-03, v6  }
0x37: {  	v5 =	vld [tilespmem:s1+$0xFFFFFFC0];
	v11 =	vmul.f32 $9.999999770e-03, v0;
	[tilespmem:s26+$0x40] =	vst v1;
	v1 =	vmax.f32 v4, v3  }
0x38: {  	v4 =	vld [tilespmem:s1+$0xFFFFFFD0];
	v3 =	vmul.f32 $9.999999770e-03, v10;
	[tilespmem:s26+$0x50] =	vst v1;
	v1 =	vmax.f32 v6, v2  }
0x39: {  	v2 =	vmul.f32 $9.999999770e-03, v9;
	v6 =	vld [tilespmem:s1+$0xFFFFFFE0];
	v0 =	vmax.f32 v0, v11;
	[tilespmem:s26+$0x60] =	vst v1  }
0x3a: {  	v1 =	vmul.f32 $9.999999770e-03, v8;
	v11 =	vld [tilespmem:s1+$0xFFFFFFF0];
	v3 =	vmax.f32 v10, v3;
	[tilespmem:s26+$0xFFFFFF80] =	vst v0;
	s26 =	smov.u32 s1  }
0x3b: {  	v0 =	vmax.f32 v9, v2;
	v2 =	vmul.f32 $9.999999770e-03, v7;
	v9 =	vld [tilespmem:s1+$0x0];
	[tilespmem:s1+$0x70] =	vst v3  }
0x3c: {  	[tilespmem:s1+$0xFFFFFF90] =	vst v0;
	v0 =	vmax.f32 v8, v1;
	v3 =	vmul.f32 $9.999999770e-03, v5;
	v1 =	vld [tilespmem:s1+$0x10]  }
0x3d: {  	[tilespmem:s1+$0xFFFFFFA0] =	vst v0;
	v0 =	vmax.f32 v7, v2;
	v7 =	vmul.f32 $9.999999770e-03, v4;
	v2 =	vld [tilespmem:s1+$0x20]  }
.Ltmp0:
0x3e: {  	[tilespmem:s1+$0xFFFFFFB0] =	vst v0;
	v0 =	vmax.f32 v5, v3;
	v8 =	vmul.f32 $9.999999770e-03, v6;
	v3 =	vld [tilespmem:s1+$0x30];
	(pc) =	sbr.rel @p0 .LBB2_3-.Ltmp0, $4  }
0x3f: {  	[tilespmem:s1+$0xFFFFFFC0] =	vst v0;
	v0 =	vmax.f32 v4, v7;
	v7 =	vmul.f32 $9.999999770e-03, v11;
	v5 =	vld [tilespmem:s1+$0x40]  }
0x40: {  	[tilespmem:s1+$0xFFFFFFD0] =	vst v0;
	v0 =	vmax.f32 v6, v8;
	v8 =	vmul.f32 $9.999999770e-03, v9;
	v4 =	vld [tilespmem:s1+$0x50]  }
0x41: {  	[tilespmem:s1+$0xFFFFFFE0] =	vst v0;
	v10 =	vmax.f32 v11, v7;
	v7 =	vmul.f32 $9.999999770e-03, v1;
	v6 =	vld [tilespmem:s1+$0x60]  }
0x42: {  	s1 =	sadd.s32 $0x100, s1;
	v0 =	vld [tilespmem:s26+$0xFFFFFF80];
	[tilespmem:s26+$0xFFFFFFF0] =	vst v10;
	v9 =	vmax.f32 v9, v8;
	v8 =	vmul.f32 $9.999999770e-03, v2  }
0x43: {  	[tilespmem:s26+$0x0] =	vst v9;
	v1 =	vmax.f32 v1, v7;
	v7 =	vmul.f32 $9.999999770e-03, v3  }
0x44: {  	[tilespmem:s26+$0x10] =	vst v1;
	v1 =	vmax.f32 v2, v8;
	v2 =	vmul.f32 $9.999999770e-03, v5  }
0x45: {  	[tilespmem:s26+$0x20] =	vst v1;
	v1 =	vmax.f32 v3, v7;
	v3 =	vmul.f32 $9.999999770e-03, v4  }
0x46: {  	[tilespmem:s26+$0x30] =	vst v1;
	v1 =	vmax.f32 v5, v2;
	v2 =	vmul.f32 $9.999999770e-03, v6  }
0x47: {  	s1 =	smul.u32 $0x3, s30;
	v5 =	vmul.f32 $9.999999770e-03, v0;
	[tilespmem:s26+$0x40] =	vst v1;
	v1 =	vmax.f32 v4, v3  }
0x48: {  	[tilespmem:s26+$0x50] =	vst v1;
	v1 =	vmax.f32 v6, v2  }
0x49: {  	s0 =	sadd.s32 $0x1, s1;
	v0 =	vmax.f32 v0, v5;
	[tilespmem:s26+$0x60] =	vst v1  }
0x4a: {  	s7 =	smul.u32 $0x320, s0;
	[tilespmem:s26+$0xFFFFFF80] =	vst v0  }
0x4b: {  	_ =	swait.ge [sflag:s19], $0x6400  }
0x4c: {  	s7 =	sshra.s32 s7, $0x2;
	[sflag:s19] =	ssyncset.done $0x0  }
0x4d: {  	s7 =	sadd.s32 $0x2780, s7;
	s26 =	simm.s32 $0x81F0;
	[sflag:s19] =	ssyncadd.s32 $0xFFFF9C00  }
0x4e: {  	[tilespmem:s17], [sflag:$0x5] =	stream.indirect.gather.add.f32 [hbm:s6], $0x80, s7, s14, $0xb8;
	[tilespmem:$0x17B00] =	vst v63  }
0x4f: {  	v0 =	vld [tilespmem:s26+$0x0]  }
0x50: {  	v1 =	vld [tilespmem:s26+$0xFFFFFF20]  }
0x51: {  	v2 =	vld [tilespmem:s26+$0xFFFFFF30]  }
0x52: {  	v3 =	vld [tilespmem:s26+$0xFFFFFF40]  }
0x53: {  	v4 =	vld [tilespmem:s26+$0xFFFFFF50]  }
0x54: {  	v5 =	vld [tilespmem:s26+$0xFFFFFF60];
	v6 =	vmul.f32 $9.999999770e-03, v0  }
0x55: {  	v8 =	vld [tilespmem:s26+$0xFFFFFF70];
	v7 =	vmul.f32 $9.999999770e-03, v1  }
0x56: {  	v9 =	vmul.f32 $9.999999770e-03, v2;
	v0 =	vmax.f32 v0, v6;
	v6 =	vld [tilespmem:s26+$0xFFFFFF80]  }
0x57: {  	v10 =	vld [tilespmem:s26+$0xFFFFFF90];
	v1 =	vmax.f32 v1, v7;
	v7 =	vmul.f32 $9.999999770e-03, v3;
	[tilespmem:s26+$0x0] =	vst v0  }
0x58: {  	[tilespmem:s26+$0xFFFFFF20] =	vst v1;
	v0 =	vmax.f32 v2, v9;
	v9 =	vmul.f32 $9.999999770e-03, v4;
	v1 =	vld [tilespmem:s26+$0xFFFFFFA0]  }
0x59: {  	v2 =	vld [tilespmem:s26+$0xFFFFFFB0];
	[tilespmem:s26+$0xFFFFFF30] =	vst v0;
	v0 =	vmax.f32 v3, v7;
	v7 =	vmul.f32 $9.999999770e-03, v5  }
0x5a: {  	v3 =	vld [tilespmem:s26+$0xFFFFFFC0];
	[tilespmem:s26+$0xFFFFFF40] =	vst v0;
	v0 =	vmax.f32 v4, v9;
	v4 =	vmul.f32 $9.999999770e-03, v8  }
0x5b: {  	[tilespmem:s26+$0xFFFFFF50] =	vst v0;
	v0 =	vmax.f32 v5, v7;
	v5 =	vld [tilespmem:s26+$0xFFFFFFD0];
	v7 =	vmul.f32 $9.999999770e-03, v6  }
0x5c: {  	[tilespmem:s26+$0xFFFFFF60] =	vst v0;
	v0 =	vmax.f32 v8, v4;
	v8 =	vmul.f32 $9.999999770e-03, v10;
	v4 =	vld [tilespmem:s26+$0xFFFFFFE0]  }
0x5d: {  	[tilespmem:s26+$0xFFFFFF70] =	vst v0;
	v9 =	vmax.f32 v6, v7;
	v7 =	vmul.f32 $9.999999770e-03, v1;
	v6 =	vld [tilespmem:s26+$0xFFFFFFF0]  }
0x5e: {  	s31 =	simm.s32 $0x64;
	s13 =	simm.s32 $0x82F0;
	v0 =	vld [tilespmem:s26+$0xFFFFFF10];
	[tilespmem:s26+$0xFFFFFF80] =	vst v9;
	v9 =	vmax.f32 v10, v8;
	v8 =	vmul.f32 $9.999999770e-03, v2  }
.LBB2_5:
0x5f: {  	v10 =	vld [tilespmem:s13+$0x0];
	s31 =	sadd.s32 $0x2, s31;
	[tilespmem:s26+$0xFFFFFF90] =	vst v9;
	v1 =	vmax.f32 v1, v7;
	v7 =	vmul.f32 $9.999999770e-03, v3  }
0x60: {  	v9 =	vld [tilespmem:s13+$0xFFFFFF20];
	p0 =	slt.u32 s31, $0xC6;
	[tilespmem:s26+$0xFFFFFFA0] =	vst v1;
	v1 =	vmax.f32 v2, v8;
	v2 =	vmul.f32 $9.999999770e-03, v5  }
0x61: {  	v8 =	vld [tilespmem:s13+$0xFFFFFF30];
	[tilespmem:s26+$0xFFFFFFB0] =	vst v1;
	v1 =	vmax.f32 v3, v7;
	v3 =	vmul.f32 $9.999999770e-03, v4  }
0x62: {  	v7 =	vld [tilespmem:s13+$0xFFFFFF40];
	[tilespmem:s26+$0xFFFFFFC0] =	vst v1;
	v1 =	vmax.f32 v5, v2;
	v2 =	vmul.f32 $9.999999770e-03, v6  }
0x63: {  	v5 =	vld [tilespmem:s13+$0xFFFFFF50];
	v11 =	vmul.f32 $9.999999770e-03, v0;
	[tilespmem:s26+$0xFFFFFFD0] =	vst v1;
	v1 =	vmax.f32 v4, v3  }
0x64: {  	v4 =	vld [tilespmem:s13+$0xFFFFFF60];
	v3 =	vmul.f32 $9.999999770e-03, v10;
	[tilespmem:s26+$0xFFFFFFE0] =	vst v1;
	v1 =	vmax.f32 v6, v2  }
0x65: {  	v2 =	vmul.f32 $9.999999770e-03, v9;
	v6 =	vld [tilespmem:s13+$0xFFFFFF70];
	v0 =	vmax.f32 v0, v11;
	[tilespmem:s26+$0xFFFFFFF0] =	vst v1  }
0x66: {  	v1 =	vmul.f32 $9.999999770e-03, v8;
	v11 =	vld [tilespmem:s13+$0xFFFFFF80];
	v3 =	vmax.f32 v10, v3;
	[tilespmem:s26+$0xFFFFFF10] =	vst v0;
	s26 =	smov.u32 s13  }
0x67: {  	v0 =	vmax.f32 v9, v2;
	v2 =	vmul.f32 $9.999999770e-03, v7;
	v9 =	vld [tilespmem:s13+$0xFFFFFF90];
	[tilespmem:s13+$0x0] =	vst v3  }
0x68: {  	[tilespmem:s13+$0xFFFFFF20] =	vst v0;
	v0 =	vmax.f32 v8, v1;
	v3 =	vmul.f32 $9.999999770e-03, v5;
	v1 =	vld [tilespmem:s13+$0xFFFFFFA0]  }
0x69: {  	[tilespmem:s13+$0xFFFFFF30] =	vst v0;
	v0 =	vmax.f32 v7, v2;
	v7 =	vmul.f32 $9.999999770e-03, v4;
	v2 =	vld [tilespmem:s13+$0xFFFFFFB0]  }
.Ltmp1:
0x6a: {  	[tilespmem:s13+$0xFFFFFF40] =	vst v0;
	v0 =	vmax.f32 v5, v3;
	v8 =	vmul.f32 $9.999999770e-03, v6;
	v3 =	vld [tilespmem:s13+$0xFFFFFFC0];
	(pc) =	sbr.rel @p0 .LBB2_5-.Ltmp1, $4  }
0x6b: {  	[tilespmem:s13+$0xFFFFFF50] =	vst v0;
	v0 =	vmax.f32 v4, v7;
	v7 =	vmul.f32 $9.999999770e-03, v11;
	v5 =	vld [tilespmem:s13+$0xFFFFFFD0]  }
0x6c: {  	[tilespmem:s13+$0xFFFFFF60] =	vst v0;
	v0 =	vmax.f32 v6, v8;
	v8 =	vmul.f32 $9.999999770e-03, v9;
	v4 =	vld [tilespmem:s13+$0xFFFFFFE0]  }
0x6d: {  	[tilespmem:s13+$0xFFFFFF70] =	vst v0;
	v10 =	vmax.f32 v11, v7;
	v7 =	vmul.f32 $9.999999770e-03, v1;
	v6 =	vld [tilespmem:s13+$0xFFFFFFF0]  }
0x6e: {  	s13 =	sadd.s32 $0x100, s13;
	v0 =	vld [tilespmem:s26+$0xFFFFFF10];
	[tilespmem:s26+$0xFFFFFF80] =	vst v10;
	v9 =	vmax.f32 v9, v8;
	v8 =	vmul.f32 $9.999999770e-03, v2  }
0x6f: {  	[tilespmem:s26+$0xFFFFFF90] =	vst v9;
	v1 =	vmax.f32 v1, v7;
	v7 =	vmul.f32 $9.999999770e-03, v3  }
0x70: {  	[tilespmem:s26+$0xFFFFFFA0] =	vst v1;
	v1 =	vmax.f32 v2, v8;
	v2 =	vmul.f32 $9.999999770e-03, v5  }
0x71: {  	[tilespmem:s26+$0xFFFFFFB0] =	vst v1;
	v1 =	vmax.f32 v3, v7;
	v3 =	vmul.f32 $9.999999770e-03, v4  }
0x72: {  	[tilespmem:s26+$0xFFFFFFC0] =	vst v1;
	v1 =	vmax.f32 v5, v2;
	v2 =	vmul.f32 $9.999999770e-03, v6  }
0x73: {  	v5 =	vmul.f32 $9.999999770e-03, v0;
	[tilespmem:s26+$0xFFFFFFD0] =	vst v1;
	v1 =	vmax.f32 v4, v3  }
0x74: {  	[tilespmem:s26+$0xFFFFFFE0] =	vst v1;
	v1 =	vmax.f32 v6, v2  }
0x75: {  	p0 =	seq.s32 s30, $0x0;
	s31 =	sadd.s32 $0x2, s1;
	v0 =	vmax.f32 v0, v5;
	[tilespmem:s26+$0xFFFFFFF0] =	vst v1  }
0x76: {  	s1 =	simm.s32 @!p0 $0x9;
	s7 =	smul.u32 $0x320, s31;
	[tilespmem:s26+$0xFFFFFF10] =	vst v0  }
0x77: {  	s26 =	smul.u32 $0x258, s30;
	_ =	swait.ge @!p0 [sflag:s1], $0x6400  }
0x78: {  	[sflag:s1] =	ssyncset.done @!p0 $0x0  }
0x79: {  	[sflag:s1] =	ssyncadd.s32 @!p0 $0xFFFF9C00;
	s1 =	sshra.s32 s7, $0x2;
	s7 =	sadd.s32 s4, s26  }
0x7a: {  	[tilespmem:s20], [sflag:$0x7] =	stream.indirect.gather [hbm4b:s5+s14], $0x80, s1, s14, $0xb8;
	[tilespmem:$0x17B00] =	vst v63  }
0x7b: {  	s7 =	sshll.u32 s7, $0x4  }
0x7c: {  	s7 =	sadd.s32 s2, s7  }
0x7d: {  	[hbm4b:s7+s3] =	stream.linear.scatter [tilespmem:s15], [sflag:$0x3], $0x6400, $0x38;
	[tilespmem:$0x17B00] =	vst v63  }
0x7e: {  	_ =	swait.ge [sflag:s21], $0x6400  }
0x7f: {  	[sflag:s21] =	ssyncset.done $0x0  }
0x80: {  	s26 =	simm.s32 $0xB380;
	[sflag:s21] =	ssyncadd.s32 $0xFFFF9C00  }
0x81: {  	v0 =	vld [tilespmem:s26+$0x70]  }
0x82: {  	v1 =	vld [tilespmem:s26+$0xFFFFFF90]  }
0x83: {  	v2 =	vld [tilespmem:s26+$0xFFFFFFA0]  }
0x84: {  	v3 =	vld [tilespmem:s26+$0xFFFFFFB0]  }
0x85: {  	v4 =	vld [tilespmem:s26+$0xFFFFFFC0]  }
0x86: {  	v5 =	vld [tilespmem:s26+$0xFFFFFFD0];
	v6 =	vmul.f32 $9.999999770e-03, v0  }
0x87: {  	v8 =	vld [tilespmem:s26+$0xFFFFFFE0];
	v7 =	vmul.f32 $9.999999770e-03, v1  }
0x88: {  	v9 =	vmul.f32 $9.999999770e-03, v2;
	v0 =	vmax.f32 v0, v6;
	v6 =	vld [tilespmem:s26+$0xFFFFFFF0]  }
0x89: {  	v10 =	vld [tilespmem:s26+$0x0];
	v1 =	vmax.f32 v1, v7;
	v7 =	vmul.f32 $9.999999770e-03, v3;
	[tilespmem:s26+$0x70] =	vst v0  }
0x8a: {  	[tilespmem:s26+$0xFFFFFF90] =	vst v1;
	v0 =	vmax.f32 v2, v9;
	v9 =	vmul.f32 $9.999999770e-03, v4;
	v1 =	vld [tilespmem:s26+$0x10]  }
0x8b: {  	v2 =	vld [tilespmem:s26+$0x20];
	[tilespmem:s26+$0xFFFFFFA0] =	vst v0;
	v0 =	vmax.f32 v3, v7;
	v7 =	vmul.f32 $9.999999770e-03, v5  }
0x8c: {  	v3 =	vld [tilespmem:s26+$0x30];
	[tilespmem:s26+$0xFFFFFFB0] =	vst v0;
	v0 =	vmax.f32 v4, v9;
	v4 =	vmul.f32 $9.999999770e-03, v8  }
0x8d: {  	[tilespmem:s26+$0xFFFFFFC0] =	vst v0;
	v0 =	vmax.f32 v5, v7;
	v5 =	vld [tilespmem:s26+$0x40];
	v7 =	vmul.f32 $9.999999770e-03, v6  }
0x8e: {  	[tilespmem:s26+$0xFFFFFFD0] =	vst v0;
	v0 =	vmax.f32 v8, v4;
	v8 =	vmul.f32 $9.999999770e-03, v10;
	v4 =	vld [tilespmem:s26+$0x50]  }
0x8f: {  	[tilespmem:s26+$0xFFFFFFE0] =	vst v0;
	v9 =	vmax.f32 v6, v7;
	v7 =	vmul.f32 $9.999999770e-03, v1;
	v6 =	vld [tilespmem:s26+$0x60]  }
0x90: {  	s13 =	simm.s32 $0x0;
	s7 =	simm.s32 $0xB480;
	v0 =	vld [tilespmem:s26+$0xFFFFFF80];
	[tilespmem:s26+$0xFFFFFFF0] =	vst v9;
	v9 =	vmax.f32 v10, v8;
	v8 =	vmul.f32 $9.999999770e-03, v2  }
.LBB2_7:
0x91: {  	v10 =	vld [tilespmem:s7+$0x70];
	s13 =	sadd.s32 $0x2, s13;
	[tilespmem:s26+$0x0] =	vst v9;
	v1 =	vmax.f32 v1, v7;
	v7 =	vmul.f32 $9.999999770e-03, v3  }
0x92: {  	v9 =	vld [tilespmem:s7+$0xFFFFFF90];
	p0 =	slt.u32 s13, $0x62;
	[tilespmem:s26+$0x10] =	vst v1;
	v1 =	vmax.f32 v2, v8;
	v2 =	vmul.f32 $9.999999770e-03, v5  }
0x93: {  	v8 =	vld [tilespmem:s7+$0xFFFFFFA0];
	[tilespmem:s26+$0x20] =	vst v1;
	v1 =	vmax.f32 v3, v7;
	v3 =	vmul.f32 $9.999999770e-03, v4  }
0x94: {  	v7 =	vld [tilespmem:s7+$0xFFFFFFB0];
	[tilespmem:s26+$0x30] =	vst v1;
	v1 =	vmax.f32 v5, v2;
	v2 =	vmul.f32 $9.999999770e-03, v6  }
0x95: {  	v5 =	vld [tilespmem:s7+$0xFFFFFFC0];
	v11 =	vmul.f32 $9.999999770e-03, v0;
	[tilespmem:s26+$0x40] =	vst v1;
	v1 =	vmax.f32 v4, v3  }
0x96: {  	v4 =	vld [tilespmem:s7+$0xFFFFFFD0];
	v3 =	vmul.f32 $9.999999770e-03, v10;
	[tilespmem:s26+$0x50] =	vst v1;
	v1 =	vmax.f32 v6, v2  }
0x97: {  	v2 =	vmul.f32 $9.999999770e-03, v9;
	v6 =	vld [tilespmem:s7+$0xFFFFFFE0];
	v0 =	vmax.f32 v0, v11;
	[tilespmem:s26+$0x60] =	vst v1  }
0x98: {  	v1 =	vmul.f32 $9.999999770e-03, v8;
	v11 =	vld [tilespmem:s7+$0xFFFFFFF0];
	v3 =	vmax.f32 v10, v3;
	[tilespmem:s26+$0xFFFFFF80] =	vst v0;
	s26 =	smov.u32 s7  }
0x99: {  	v0 =	vmax.f32 v9, v2;
	v2 =	vmul.f32 $9.999999770e-03, v7;
	v9 =	vld [tilespmem:s7+$0x0];
	[tilespmem:s7+$0x70] =	vst v3  }
0x9a: {  	[tilespmem:s7+$0xFFFFFF90] =	vst v0;
	v0 =	vmax.f32 v8, v1;
	v3 =	vmul.f32 $9.999999770e-03, v5;
	v1 =	vld [tilespmem:s7+$0x10]  }
0x9b: {  	[tilespmem:s7+$0xFFFFFFA0] =	vst v0;
	v0 =	vmax.f32 v7, v2;
	v7 =	vmul.f32 $9.999999770e-03, v4;
	v2 =	vld [tilespmem:s7+$0x20]  }
.Ltmp2:
0x9c: {  	[tilespmem:s7+$0xFFFFFFB0] =	vst v0;
	v0 =	vmax.f32 v5, v3;
	v8 =	vmul.f32 $9.999999770e-03, v6;
	v3 =	vld [tilespmem:s7+$0x30];
	(pc) =	sbr.rel @p0 .LBB2_7-.Ltmp2, $4  }
0x9d: {  	[tilespmem:s7+$0xFFFFFFC0] =	vst v0;
	v0 =	vmax.f32 v4, v7;
	v7 =	vmul.f32 $9.999999770e-03, v11;
	v5 =	vld [tilespmem:s7+$0x40]  }
0x9e: {  	[tilespmem:s7+$0xFFFFFFD0] =	vst v0;
	v0 =	vmax.f32 v6, v8;
	v8 =	vmul.f32 $9.999999770e-03, v9;
	v4 =	vld [tilespmem:s7+$0x50]  }
0x9f: {  	[tilespmem:s7+$0xFFFFFFE0] =	vst v0;
	v10 =	vmax.f32 v11, v7;
	v7 =	vmul.f32 $9.999999770e-03, v1;
	v6 =	vld [tilespmem:s7+$0x60]  }
0xa0: {  	s7 =	sadd.s32 $0x100, s7;
	v0 =	vld [tilespmem:s26+$0xFFFFFF80];
	[tilespmem:s26+$0xFFFFFFF0] =	vst v10;
	v9 =	vmax.f32 v9, v8;
	v8 =	vmul.f32 $9.999999770e-03, v2  }
0xa1: {  	[tilespmem:s26+$0x0] =	vst v9;
	v1 =	vmax.f32 v1, v7;
	v7 =	vmul.f32 $9.999999770e-03, v3  }
0xa2: {  	[tilespmem:s26+$0x10] =	vst v1;
	v1 =	vmax.f32 v2, v8;
	v2 =	vmul.f32 $9.999999770e-03, v5  }
0xa3: {  	[tilespmem:s26+$0x20] =	vst v1;
	v1 =	vmax.f32 v3, v7;
	v3 =	vmul.f32 $9.999999770e-03, v4  }
0xa4: {  	[tilespmem:s26+$0x30] =	vst v1;
	v1 =	vmax.f32 v5, v2;
	v2 =	vmul.f32 $9.999999770e-03, v6  }
0xa5: {  	v5 =	vmul.f32 $9.999999770e-03, v0;
	[tilespmem:s26+$0x40] =	vst v1;
	v1 =	vmax.f32 v4, v3  }
0xa6: {  	[tilespmem:s26+$0x50] =	vst v1;
	v1 =	vmax.f32 v6, v2  }
0xa7: {  	v0 =	vmax.f32 v0, v5;
	[tilespmem:s26+$0x60] =	vst v1  }
0xa8: {  	[tilespmem:s26+$0xFFFFFF80] =	vst v0  }
0xa9: {  	_ =	swait.ge [sflag:s22], $0x6400  }
0xaa: {  	[sflag:s22] =	ssyncset.done $0x0  }
0xab: {  	s1 =	sadd.s32 $0x2780, s1;
	[sflag:s22] =	ssyncadd.s32 $0xFFFF9C00  }
0xac: {  	[tilespmem:s20], [sflag:$0x8] =	stream.indirect.gather.add.f32 [hbm:s6], $0x80, s1, s14, $0xb8;
	[tilespmem:$0x17B00] =	vst v63  }
0xad: {  	s1 =	simm.s32 $0xE5F0  }
0xae: {  	v0 =	vld [tilespmem:s1+$0x0]  }
0xaf: {  	v1 =	vld [tilespmem:s1+$0xFFFFFF20]  }
0xb0: {  	v2 =	vld [tilespmem:s1+$0xFFFFFF30]  }
0xb1: {  	v3 =	vld [tilespmem:s1+$0xFFFFFF40]  }
0xb2: {  	v4 =	vld [tilespmem:s1+$0xFFFFFF50]  }
0xb3: {  	v5 =	vld [tilespmem:s1+$0xFFFFFF60];
	v6 =	vmul.f32 $9.999999770e-03, v0  }
0xb4: {  	v8 =	vld [tilespmem:s1+$0xFFFFFF70];
	v7 =	vmul.f32 $9.999999770e-03, v1  }
0xb5: {  	v9 =	vmul.f32 $9.999999770e-03, v2;
	v0 =	vmax.f32 v0, v6;
	v6 =	vld [tilespmem:s1+$0xFFFFFF80]  }
0xb6: {  	v10 =	vld [tilespmem:s1+$0xFFFFFF90];
	v1 =	vmax.f32 v1, v7;
	v7 =	vmul.f32 $9.999999770e-03, v3;
	[tilespmem:s1+$0x0] =	vst v0  }
0xb7: {  	[tilespmem:s1+$0xFFFFFF20] =	vst v1;
	v0 =	vmax.f32 v2, v9;
	v9 =	vmul.f32 $9.999999770e-03, v4;
	v1 =	vld [tilespmem:s1+$0xFFFFFFA0]  }
0xb8: {  	v2 =	vld [tilespmem:s1+$0xFFFFFFB0];
	[tilespmem:s1+$0xFFFFFF30] =	vst v0;
	v0 =	vmax.f32 v3, v7;
	v7 =	vmul.f32 $9.999999770e-03, v5  }
0xb9: {  	v3 =	vld [tilespmem:s1+$0xFFFFFFC0];
	[tilespmem:s1+$0xFFFFFF40] =	vst v0;
	v0 =	vmax.f32 v4, v9;
	v4 =	vmul.f32 $9.999999770e-03, v8  }
0xba: {  	[tilespmem:s1+$0xFFFFFF50] =	vst v0;
	v0 =	vmax.f32 v5, v7;
	v5 =	vld [tilespmem:s1+$0xFFFFFFD0];
	v7 =	vmul.f32 $9.999999770e-03, v6  }
0xbb: {  	[tilespmem:s1+$0xFFFFFF60] =	vst v0;
	v0 =	vmax.f32 v8, v4;
	v8 =	vmul.f32 $9.999999770e-03, v10;
	v4 =	vld [tilespmem:s1+$0xFFFFFFE0]  }
0xbc: {  	[tilespmem:s1+$0xFFFFFF70] =	vst v0;
	v9 =	vmax.f32 v6, v7;
	v7 =	vmul.f32 $9.999999770e-03, v1;
	v6 =	vld [tilespmem:s1+$0xFFFFFFF0]  }
0xbd: {  	s13 =	simm.s32 $0x64;
	s7 =	simm.s32 $0xE6F0;
	v0 =	vld [tilespmem:s1+$0xFFFFFF10];
	[tilespmem:s1+$0xFFFFFF80] =	vst v9;
	v9 =	vmax.f32 v10, v8;
	v8 =	vmul.f32 $9.999999770e-03, v2  }
.LBB2_9:
0xbe: {  	v10 =	vld [tilespmem:s7+$0x0];
	s13 =	sadd.s32 $0x2, s13;
	[tilespmem:s1+$0xFFFFFF90] =	vst v9;
	v1 =	vmax.f32 v1, v7;
	v7 =	vmul.f32 $9.999999770e-03, v3  }
0xbf: {  	v9 =	vld [tilespmem:s7+$0xFFFFFF20];
	p0 =	slt.u32 s13, $0xC6;
	[tilespmem:s1+$0xFFFFFFA0] =	vst v1;
	v1 =	vmax.f32 v2, v8;
	v2 =	vmul.f32 $9.999999770e-03, v5  }
0xc0: {  	v8 =	vld [tilespmem:s7+$0xFFFFFF30];
	[tilespmem:s1+$0xFFFFFFB0] =	vst v1;
	v1 =	vmax.f32 v3, v7;
	v3 =	vmul.f32 $9.999999770e-03, v4  }
0xc1: {  	v7 =	vld [tilespmem:s7+$0xFFFFFF40];
	[tilespmem:s1+$0xFFFFFFC0] =	vst v1;
	v1 =	vmax.f32 v5, v2;
	v2 =	vmul.f32 $9.999999770e-03, v6  }
0xc2: {  	v5 =	vld [tilespmem:s7+$0xFFFFFF50];
	v11 =	vmul.f32 $9.999999770e-03, v0;
	[tilespmem:s1+$0xFFFFFFD0] =	vst v1;
	v1 =	vmax.f32 v4, v3  }
0xc3: {  	v4 =	vld [tilespmem:s7+$0xFFFFFF60];
	v3 =	vmul.f32 $9.999999770e-03, v10;
	[tilespmem:s1+$0xFFFFFFE0] =	vst v1;
	v1 =	vmax.f32 v6, v2  }
0xc4: {  	v2 =	vmul.f32 $9.999999770e-03, v9;
	v6 =	vld [tilespmem:s7+$0xFFFFFF70];
	v0 =	vmax.f32 v0, v11;
	[tilespmem:s1+$0xFFFFFFF0] =	vst v1  }
0xc5: {  	v1 =	vmul.f32 $9.999999770e-03, v8;
	v11 =	vld [tilespmem:s7+$0xFFFFFF80];
	v3 =	vmax.f32 v10, v3;
	[tilespmem:s1+$0xFFFFFF10] =	vst v0;
	s1 =	smov.u32 s7  }
0xc6: {  	v0 =	vmax.f32 v9, v2;
	v2 =	vmul.f32 $9.999999770e-03, v7;
	v9 =	vld [tilespmem:s7+$0xFFFFFF90];
	[tilespmem:s7+$0x0] =	vst v3  }
0xc7: {  	[tilespmem:s7+$0xFFFFFF20] =	vst v0;
	v0 =	vmax.f32 v8, v1;
	v3 =	vmul.f32 $9.999999770e-03, v5;
	v1 =	vld [tilespmem:s7+$0xFFFFFFA0]  }
0xc8: {  	[tilespmem:s7+$0xFFFFFF30] =	vst v0;
	v0 =	vmax.f32 v7, v2;
	v7 =	vmul.f32 $9.999999770e-03, v4;
	v2 =	vld [tilespmem:s7+$0xFFFFFFB0]  }
.Ltmp3:
0xc9: {  	[tilespmem:s7+$0xFFFFFF40] =	vst v0;
	v0 =	vmax.f32 v5, v3;
	v8 =	vmul.f32 $9.999999770e-03, v6;
	v3 =	vld [tilespmem:s7+$0xFFFFFFC0];
	(pc) =	sbr.rel @p0 .LBB2_9-.Ltmp3, $4  }
0xca: {  	[tilespmem:s7+$0xFFFFFF50] =	vst v0;
	v0 =	vmax.f32 v4, v7;
	v7 =	vmul.f32 $9.999999770e-03, v11;
	v5 =	vld [tilespmem:s7+$0xFFFFFFD0]  }
0xcb: {  	[tilespmem:s7+$0xFFFFFF60] =	vst v0;
	v0 =	vmax.f32 v6, v8;
	v8 =	vmul.f32 $9.999999770e-03, v9;
	v4 =	vld [tilespmem:s7+$0xFFFFFFE0]  }
0xcc: {  	[tilespmem:s7+$0xFFFFFF70] =	vst v0;
	v10 =	vmax.f32 v11, v7;
	v7 =	vmul.f32 $9.999999770e-03, v1;
	v6 =	vld [tilespmem:s7+$0xFFFFFFF0]  }
0xcd: {  	s7 =	sadd.s32 $0x100, s7;
	v0 =	vld [tilespmem:s1+$0xFFFFFF10];
	[tilespmem:s1+$0xFFFFFF80] =	vst v10;
	v9 =	vmax.f32 v9, v8;
	v8 =	vmul.f32 $9.999999770e-03, v2  }
0xce: {  	[tilespmem:s1+$0xFFFFFF90] =	vst v9;
	v1 =	vmax.f32 v1, v7;
	v7 =	vmul.f32 $9.999999770e-03, v3  }
0xcf: {  	[tilespmem:s1+$0xFFFFFFA0] =	vst v1;
	v1 =	vmax.f32 v2, v8;
	v2 =	vmul.f32 $9.999999770e-03, v5  }
0xd0: {  	[tilespmem:s1+$0xFFFFFFB0] =	vst v1;
	v1 =	vmax.f32 v3, v7;
	v3 =	vmul.f32 $9.999999770e-03, v4  }
0xd1: {  	[tilespmem:s1+$0xFFFFFFC0] =	vst v1;
	v1 =	vmax.f32 v5, v2;
	v2 =	vmul.f32 $9.999999770e-03, v6  }
0xd2: {  	v5 =	vmul.f32 $9.999999770e-03, v0;
	[tilespmem:s1+$0xFFFFFFD0] =	vst v1;
	v1 =	vmax.f32 v4, v3  }
0xd3: {  	[tilespmem:s1+$0xFFFFFFE0] =	vst v1;
	v1 =	vmax.f32 v6, v2  }
0xd4: {  	s0 =	smul.u32 $0xC8, s0;
	v0 =	vmax.f32 v0, v5;
	[tilespmem:s1+$0xFFFFFFF0] =	vst v1  }
0xd5: {  	[tilespmem:s1+$0xFFFFFF10] =	vst v0;
	s1 =	smul.u32 $0x960, s30  }
0xd6: {  	_ =	swait.ge [sflag:s23], $0x6400  }
0xd7: {  	s0 =	sadd.s32 s4, s0;
	[sflag:s23] =	ssyncset.done $0x0;
	s7 =	sadd.s32 $0x960, s1  }
0xd8: {  	s0 =	sshll.u32 s0, $0x4;
	[sflag:s23] =	ssyncadd.s32 $0xFFFF9C00;
	s26 =	sshra.s32 s7, $0x2  }
0xd9: {  	[tilespmem:s15], [sflag:$0x1] =	stream.indirect.gather [hbm4b:s5+s14], $0x80, s26, s14, $0xb8;
	[tilespmem:$0x17B00] =	vst v63  }
0xda: {  	s0 =	sadd.s32 s2, s0  }
0xdb: {  	[hbm4b:s0+s3] =	stream.linear.scatter [tilespmem:s17], [sflag:$0x6], $0x6400, $0x38;
	[tilespmem:$0x17B00] =	vst v63  }
0xdc: {  	_ =	swait.ge [sflag:s24], $0x6400  }
0xdd: {  	[sflag:s24] =	ssyncset.done $0x0  }
0xde: {  	s0 =	simm.s32 $0x11780;
	[sflag:s24] =	ssyncadd.s32 $0xFFFF9C00  }
0xdf: {  	v0 =	vld [tilespmem:s0+$0x70]  }
0xe0: {  	v1 =	vld [tilespmem:s0+$0xFFFFFF90]  }
0xe1: {  	v2 =	vld [tilespmem:s0+$0xFFFFFFA0]  }
0xe2: {  	v3 =	vld [tilespmem:s0+$0xFFFFFFB0]  }
0xe3: {  	v4 =	vld [tilespmem:s0+$0xFFFFFFC0]  }
0xe4: {  	v5 =	vld [tilespmem:s0+$0xFFFFFFD0];
	v6 =	vmul.f32 $9.999999770e-03, v0  }
0xe5: {  	v8 =	vld [tilespmem:s0+$0xFFFFFFE0];
	v7 =	vmul.f32 $9.999999770e-03, v1  }
0xe6: {  	v9 =	vmul.f32 $9.999999770e-03, v2;
	v0 =	vmax.f32 v0, v6;
	v6 =	vld [tilespmem:s0+$0xFFFFFFF0]  }
0xe7: {  	v10 =	vld [tilespmem:s0+$0x0];
	v1 =	vmax.f32 v1, v7;
	v7 =	vmul.f32 $9.999999770e-03, v3;
	[tilespmem:s0+$0x70] =	vst v0  }
0xe8: {  	[tilespmem:s0+$0xFFFFFF90] =	vst v1;
	v0 =	vmax.f32 v2, v9;
	v9 =	vmul.f32 $9.999999770e-03, v4;
	v1 =	vld [tilespmem:s0+$0x10]  }
0xe9: {  	v2 =	vld [tilespmem:s0+$0x20];
	[tilespmem:s0+$0xFFFFFFA0] =	vst v0;
	v0 =	vmax.f32 v3, v7;
	v7 =	vmul.f32 $9.999999770e-03, v5  }
0xea: {  	v3 =	vld [tilespmem:s0+$0x30];
	[tilespmem:s0+$0xFFFFFFB0] =	vst v0;
	v0 =	vmax.f32 v4, v9;
	v4 =	vmul.f32 $9.999999770e-03, v8  }
0xeb: {  	[tilespmem:s0+$0xFFFFFFC0] =	vst v0;
	v0 =	vmax.f32 v5, v7;
	v5 =	vld [tilespmem:s0+$0x40];
	v7 =	vmul.f32 $9.999999770e-03, v6  }
0xec: {  	[tilespmem:s0+$0xFFFFFFD0] =	vst v0;
	v0 =	vmax.f32 v8, v4;
	v8 =	vmul.f32 $9.999999770e-03, v10;
	v4 =	vld [tilespmem:s0+$0x50]  }
0xed: {  	[tilespmem:s0+$0xFFFFFFE0] =	vst v0;
	v9 =	vmax.f32 v6, v7;
	v7 =	vmul.f32 $9.999999770e-03, v1;
	v6 =	vld [tilespmem:s0+$0x60]  }
0xee: {  	s13 =	simm.s32 $0x0;
	s7 =	simm.s32 $0x11880;
	v0 =	vld [tilespmem:s0+$0xFFFFFF80];
	[tilespmem:s0+$0xFFFFFFF0] =	vst v9;
	v9 =	vmax.f32 v10, v8;
	v8 =	vmul.f32 $9.999999770e-03, v2  }
.LBB2_11:
0xef: {  	v10 =	vld [tilespmem:s7+$0x70];
	s13 =	sadd.s32 $0x2, s13;
	[tilespmem:s0+$0x0] =	vst v9;
	v1 =	vmax.f32 v1, v7;
	v7 =	vmul.f32 $9.999999770e-03, v3  }
0xf0: {  	v9 =	vld [tilespmem:s7+$0xFFFFFF90];
	p0 =	slt.u32 s13, $0x62;
	[tilespmem:s0+$0x10] =	vst v1;
	v1 =	vmax.f32 v2, v8;
	v2 =	vmul.f32 $9.999999770e-03, v5  }
0xf1: {  	v8 =	vld [tilespmem:s7+$0xFFFFFFA0];
	[tilespmem:s0+$0x20] =	vst v1;
	v1 =	vmax.f32 v3, v7;
	v3 =	vmul.f32 $9.999999770e-03, v4  }
0xf2: {  	v7 =	vld [tilespmem:s7+$0xFFFFFFB0];
	[tilespmem:s0+$0x30] =	vst v1;
	v1 =	vmax.f32 v5, v2;
	v2 =	vmul.f32 $9.999999770e-03, v6  }
0xf3: {  	v5 =	vld [tilespmem:s7+$0xFFFFFFC0];
	v11 =	vmul.f32 $9.999999770e-03, v0;
	[tilespmem:s0+$0x40] =	vst v1;
	v1 =	vmax.f32 v4, v3  }
0xf4: {  	v4 =	vld [tilespmem:s7+$0xFFFFFFD0];
	v3 =	vmul.f32 $9.999999770e-03, v10;
	[tilespmem:s0+$0x50] =	vst v1;
	v1 =	vmax.f32 v6, v2  }
0xf5: {  	v2 =	vmul.f32 $9.999999770e-03, v9;
	v6 =	vld [tilespmem:s7+$0xFFFFFFE0];
	v0 =	vmax.f32 v0, v11;
	[tilespmem:s0+$0x60] =	vst v1  }
0xf6: {  	v1 =	vmul.f32 $9.999999770e-03, v8;
	v11 =	vld [tilespmem:s7+$0xFFFFFFF0];
	v3 =	vmax.f32 v10, v3;
	[tilespmem:s0+$0xFFFFFF80] =	vst v0;
	s0 =	smov.u32 s7  }
0xf7: {  	v0 =	vmax.f32 v9, v2;
	v2 =	vmul.f32 $9.999999770e-03, v7;
	v9 =	vld [tilespmem:s7+$0x0];
	[tilespmem:s7+$0x70] =	vst v3  }
0xf8: {  	[tilespmem:s7+$0xFFFFFF90] =	vst v0;
	v0 =	vmax.f32 v8, v1;
	v3 =	vmul.f32 $9.999999770e-03, v5;
	v1 =	vld [tilespmem:s7+$0x10]  }
0xf9: {  	[tilespmem:s7+$0xFFFFFFA0] =	vst v0;
	v0 =	vmax.f32 v7, v2;
	v7 =	vmul.f32 $9.999999770e-03, v4;
	v2 =	vld [tilespmem:s7+$0x20]  }
.Ltmp4:
0xfa: {  	[tilespmem:s7+$0xFFFFFFB0] =	vst v0;
	v0 =	vmax.f32 v5, v3;
	v8 =	vmul.f32 $9.999999770e-03, v6;
	v3 =	vld [tilespmem:s7+$0x30];
	(pc) =	sbr.rel @p0 .LBB2_11-.Ltmp4, $4  }
0xfb: {  	[tilespmem:s7+$0xFFFFFFC0] =	vst v0;
	v0 =	vmax.f32 v4, v7;
	v7 =	vmul.f32 $9.999999770e-03, v11;
	v5 =	vld [tilespmem:s7+$0x40]  }
0xfc: {  	[tilespmem:s7+$0xFFFFFFD0] =	vst v0;
	v0 =	vmax.f32 v6, v8;
	v8 =	vmul.f32 $9.999999770e-03, v9;
	v4 =	vld [tilespmem:s7+$0x50]  }
0xfd: {  	[tilespmem:s7+$0xFFFFFFE0] =	vst v0;
	v10 =	vmax.f32 v11, v7;
	v7 =	vmul.f32 $9.999999770e-03, v1;
	v6 =	vld [tilespmem:s7+$0x60]  }
0xfe: {  	s7 =	sadd.s32 $0x100, s7;
	v0 =	vld [tilespmem:s0+$0xFFFFFF80];
	[tilespmem:s0+$0xFFFFFFF0] =	vst v10;
	v9 =	vmax.f32 v9, v8;
	v8 =	vmul.f32 $9.999999770e-03, v2  }
0xff: {  	[tilespmem:s0+$0x0] =	vst v9;
	v1 =	vmax.f32 v1, v7;
	v7 =	vmul.f32 $9.999999770e-03, v3  }
0x100: {  	[tilespmem:s0+$0x10] =	vst v1;
	v1 =	vmax.f32 v2, v8;
	v2 =	vmul.f32 $9.999999770e-03, v5  }
0x101: {  	[tilespmem:s0+$0x20] =	vst v1;
	v1 =	vmax.f32 v3, v7;
	v3 =	vmul.f32 $9.999999770e-03, v4  }
0x102: {  	[tilespmem:s0+$0x30] =	vst v1;
	v1 =	vmax.f32 v5, v2;
	v2 =	vmul.f32 $9.999999770e-03, v6  }
0x103: {  	v5 =	vmul.f32 $9.999999770e-03, v0;
	[tilespmem:s0+$0x40] =	vst v1;
	v1 =	vmax.f32 v4, v3  }
0x104: {  	[tilespmem:s0+$0x50] =	vst v1;
	v1 =	vmax.f32 v6, v2  }
0x105: {  	v0 =	vmax.f32 v0, v5;
	[tilespmem:s0+$0x60] =	vst v1  }
0x106: {  	[tilespmem:s0+$0xFFFFFF80] =	vst v0  }
0x107: {  	_ =	swait.ge [sflag:s16], $0x6400  }
0x108: {  	[sflag:s16] =	ssyncset.done $0x0  }
0x109: {  	s26 =	sadd.s32 $0x2780, s26;
	s0 =	simm.s32 $0x149F0;
	[sflag:s16] =	ssyncadd.s32 $0xFFFF9C00  }
0x10a: {  	[tilespmem:s15], [sflag:$0x2] =	stream.indirect.gather.add.f32 [hbm:s6], $0x80, s26, s14, $0xb8;
	[tilespmem:$0x17B00] =	vst v63  }
0x10b: {  	v0 =	vld [tilespmem:s0+$0x0]  }
0x10c: {  	v1 =	vld [tilespmem:s0+$0xFFFFFF20]  }
0x10d: {  	v2 =	vld [tilespmem:s0+$0xFFFFFF30]  }
0x10e: {  	v3 =	vld [tilespmem:s0+$0xFFFFFF40]  }
0x10f: {  	v4 =	vld [tilespmem:s0+$0xFFFFFF50]  }
0x110: {  	v5 =	vld [tilespmem:s0+$0xFFFFFF60];
	v6 =	vmul.f32 $9.999999770e-03, v0  }
0x111: {  	v8 =	vld [tilespmem:s0+$0xFFFFFF70];
	v7 =	vmul.f32 $9.999999770e-03, v1  }
0x112: {  	v9 =	vmul.f32 $9.999999770e-03, v2;
	v0 =	vmax.f32 v0, v6;
	v6 =	vld [tilespmem:s0+$0xFFFFFF80]  }
0x113: {  	v10 =	vld [tilespmem:s0+$0xFFFFFF90];
	v1 =	vmax.f32 v1, v7;
	v7 =	vmul.f32 $9.999999770e-03, v3;
	[tilespmem:s0+$0x0] =	vst v0  }
0x114: {  	[tilespmem:s0+$0xFFFFFF20] =	vst v1;
	v0 =	vmax.f32 v2, v9;
	v9 =	vmul.f32 $9.999999770e-03, v4;
	v1 =	vld [tilespmem:s0+$0xFFFFFFA0]  }
0x115: {  	v2 =	vld [tilespmem:s0+$0xFFFFFFB0];
	[tilespmem:s0+$0xFFFFFF30] =	vst v0;
	v0 =	vmax.f32 v3, v7;
	v7 =	vmul.f32 $9.999999770e-03, v5  }
0x116: {  	v3 =	vld [tilespmem:s0+$0xFFFFFFC0];
	[tilespmem:s0+$0xFFFFFF40] =	vst v0;
	v0 =	vmax.f32 v4, v9;
	v4 =	vmul.f32 $9.999999770e-03, v8  }
0x117: {  	[tilespmem:s0+$0xFFFFFF50] =	vst v0;
	v0 =	vmax.f32 v5, v7;
	v5 =	vld [tilespmem:s0+$0xFFFFFFD0];
	v7 =	vmul.f32 $9.999999770e-03, v6  }
0x118: {  	[tilespmem:s0+$0xFFFFFF60] =	vst v0;
	v0 =	vmax.f32 v8, v4;
	v8 =	vmul.f32 $9.999999770e-03, v10;
	v4 =	vld [tilespmem:s0+$0xFFFFFFE0]  }
0x119: {  	[tilespmem:s0+$0xFFFFFF70] =	vst v0;
	v9 =	vmax.f32 v6, v7;
	v7 =	vmul.f32 $9.999999770e-03, v1;
	v6 =	vld [tilespmem:s0+$0xFFFFFFF0]  }
0x11a: {  	s13 =	simm.s32 $0x64;
	s7 =	simm.s32 $0x14AF0;
	v0 =	vld [tilespmem:s0+$0xFFFFFF10];
	[tilespmem:s0+$0xFFFFFF80] =	vst v9;
	v9 =	vmax.f32 v10, v8;
	v8 =	vmul.f32 $9.999999770e-03, v2  }
.LBB2_13:
0x11b: {  	v10 =	vld [tilespmem:s7+$0x0];
	s13 =	sadd.s32 $0x2, s13;
	[tilespmem:s0+$0xFFFFFF90] =	vst v9;
	v1 =	vmax.f32 v1, v7;
	v7 =	vmul.f32 $9.999999770e-03, v3  }
0x11c: {  	v9 =	vld [tilespmem:s7+$0xFFFFFF20];
	p0 =	slt.u32 s13, $0xC6;
	[tilespmem:s0+$0xFFFFFFA0] =	vst v1;
	v1 =	vmax.f32 v2, v8;
	v2 =	vmul.f32 $9.999999770e-03, v5  }
0x11d: {  	v8 =	vld [tilespmem:s7+$0xFFFFFF30];
	[tilespmem:s0+$0xFFFFFFB0] =	vst v1;
	v1 =	vmax.f32 v3, v7;
	v3 =	vmul.f32 $9.999999770e-03, v4  }
0x11e: {  	v7 =	vld [tilespmem:s7+$0xFFFFFF40];
	[tilespmem:s0+$0xFFFFFFC0] =	vst v1;
	v1 =	vmax.f32 v5, v2;
	v2 =	vmul.f32 $9.999999770e-03, v6  }
0x11f: {  	v5 =	vld [tilespmem:s7+$0xFFFFFF50];
	v11 =	vmul.f32 $9.999999770e-03, v0;
	[tilespmem:s0+$0xFFFFFFD0] =	vst v1;
	v1 =	vmax.f32 v4, v3  }
0x120: {  	v4 =	vld [tilespmem:s7+$0xFFFFFF60];
	v3 =	vmul.f32 $9.999999770e-03, v10;
	[tilespmem:s0+$0xFFFFFFE0] =	vst v1;
	v1 =	vmax.f32 v6, v2  }
0x121: {  	v2 =	vmul.f32 $9.999999770e-03, v9;
	v6 =	vld [tilespmem:s7+$0xFFFFFF70];
	v0 =	vmax.f32 v0, v11;
	[tilespmem:s0+$0xFFFFFFF0] =	vst v1  }
0x122: {  	v1 =	vmul.f32 $9.999999770e-03, v8;
	v11 =	vld [tilespmem:s7+$0xFFFFFF80];
	v3 =	vmax.f32 v10, v3;
	[tilespmem:s0+$0xFFFFFF10] =	vst v0;
	s0 =	smov.u32 s7  }
0x123: {  	v0 =	vmax.f32 v9, v2;
	v2 =	vmul.f32 $9.999999770e-03, v7;
	v9 =	vld [tilespmem:s7+$0xFFFFFF90];
	[tilespmem:s7+$0x0] =	vst v3  }
0x124: {  	[tilespmem:s7+$0xFFFFFF20] =	vst v0;
	v0 =	vmax.f32 v8, v1;
	v3 =	vmul.f32 $9.999999770e-03, v5;
	v1 =	vld [tilespmem:s7+$0xFFFFFFA0]  }
0x125: {  	[tilespmem:s7+$0xFFFFFF30] =	vst v0;
	v0 =	vmax.f32 v7, v2;
	v7 =	vmul.f32 $9.999999770e-03, v4;
	v2 =	vld [tilespmem:s7+$0xFFFFFFB0]  }
.Ltmp5:
0x126: {  	[tilespmem:s7+$0xFFFFFF40] =	vst v0;
	v0 =	vmax.f32 v5, v3;
	v8 =	vmul.f32 $9.999999770e-03, v6;
	v3 =	vld [tilespmem:s7+$0xFFFFFFC0];
	(pc) =	sbr.rel @p0 .LBB2_13-.Ltmp5, $4  }
0x127: {  	[tilespmem:s7+$0xFFFFFF50] =	vst v0;
	v0 =	vmax.f32 v4, v7;
	v7 =	vmul.f32 $9.999999770e-03, v11;
	v5 =	vld [tilespmem:s7+$0xFFFFFFD0]  }
0x128: {  	[tilespmem:s7+$0xFFFFFF60] =	vst v0;
	v0 =	vmax.f32 v6, v8;
	v8 =	vmul.f32 $9.999999770e-03, v9;
	v4 =	vld [tilespmem:s7+$0xFFFFFFE0]  }
0x129: {  	[tilespmem:s7+$0xFFFFFF70] =	vst v0;
	v10 =	vmax.f32 v11, v7;
	v7 =	vmul.f32 $9.999999770e-03, v1;
	v6 =	vld [tilespmem:s7+$0xFFFFFFF0]  }
0x12a: {  	s7 =	sadd.s32 $0x100, s7;
	v0 =	vld [tilespmem:s0+$0xFFFFFF10];
	[tilespmem:s0+$0xFFFFFF80] =	vst v10;
	v9 =	vmax.f32 v9, v8;
	v8 =	vmul.f32 $9.999999770e-03, v2  }
0x12b: {  	[tilespmem:s0+$0xFFFFFF90] =	vst v9;
	v1 =	vmax.f32 v1, v7;
	v54 =	vmul.f32 $9.999999770e-03, v3  }
0x12c: {  	[tilespmem:s0+$0xFFFFFFA0] =	vst v1;
	v55 =	vmax.f32 v2, v8;
	v56 =	vmul.f32 $9.999999770e-03, v5  }
0x12d: {  	[tilespmem:s0+$0xFFFFFFB0] =	vst v55;
	v57 =	vmax.f32 v3, v54;
	v58 =	vmul.f32 $9.999999770e-03, v4  }
0x12e: {  	[tilespmem:s0+$0xFFFFFFC0] =	vst v57;
	v59 =	vmax.f32 v5, v56;
	v60 =	vmul.f32 $9.999999770e-03, v6  }
0x12f: {  	v61 =	vmul.f32 $9.999999770e-03, v0;
	[tilespmem:s0+$0xFFFFFFD0] =	vst v59;
	v62 =	vmax.f32 v4, v58  }
0x130: {  	[tilespmem:s0+$0xFFFFFFE0] =	vst v62;
	v63 =	vmax.f32 v6, v60  }
0x131: {  	v0 =	vmax.f32 v0, v61;
	[tilespmem:s0+$0xFFFFFFF0] =	vst v63  }
0x132: {  	s26 =	smul.u32 $0xC8, s31;
	[tilespmem:s0+$0xFFFFFF10] =	vst v0  }
0x133: {  	s13 =	sshra.s32 s1, $0x2;
	s30 =	sadd.s32 $0x1, s30;
	_ =	swait.ge [sflag:s25], $0x6400  }
0x134: {  	p0 =	sne.s32 s30, $0x10;
	s31 =	sadd.s32 s4, s26;
	[sflag:s25] =	ssyncset.done $0x0  }
.Ltmp6:
0x135: {  	s0 =	sadd.s32 $0x320, s13;
	[sflag:s25] =	ssyncadd.s32 $0xFFFF9C00;
	(pc) =	sbr.rel @p0 .LBB2_2-.Ltmp6, $4  }
0x136: {  	[tilespmem:s17], [sflag:$0x4] =	stream.indirect.gather [hbm4b:s5+s14], $0x80, s0, s14, $0xb8;
	[tilespmem:$0x17B00] =	vst v63  }
0x137: {  	s0 =	sshll.u32 s31, $0x4  }
0x138: {  	s0 =	sadd.s32 s2, s0  }
0x139: {  	[hbm4b:s0+s3] =	stream.linear.scatter [tilespmem:s20], [sflag:$0x9], $0x6400, $0x38;
	[tilespmem:$0x17B00] =	vst v63  }
0x13a: {  	_ =	swait.ge [sflag:s18], $0x6400  }
0x13b: {  	[sflag:s18] =	ssyncset.done $0x0  }
0x13c: {  	s0 =	simm.s32 $0x4F80;
	[sflag:s18] =	ssyncadd.s32 $0xFFFF9C00  }
0x13d: {  	v0 =	vld [tilespmem:s0+$0x70]  }
0x13e: {  	v1 =	vld [tilespmem:s0+$0xFFFFFF90]  }
0x13f: {  	v2 =	vld [tilespmem:s0+$0xFFFFFFA0]  }
0x140: {  	v3 =	vld [tilespmem:s0+$0xFFFFFFB0]  }
0x141: {  	v4 =	vld [tilespmem:s0+$0xFFFFFFC0]  }
0x142: {  	v5 =	vld [tilespmem:s0+$0xFFFFFFD0];
	v6 =	vmul.f32 $9.999999770e-03, v0  }
0x143: {  	v8 =	vld [tilespmem:s0+$0xFFFFFFE0];
	v7 =	vmul.f32 $9.999999770e-03, v1  }
0x144: {  	v9 =	vmul.f32 $9.999999770e-03, v2;
	v0 =	vmax.f32 v0, v6;
	v6 =	vld [tilespmem:s0+$0xFFFFFFF0]  }
0x145: {  	v10 =	vld [tilespmem:s0+$0x0];
	v1 =	vmax.f32 v1, v7;
	v7 =	vmul.f32 $9.999999770e-03, v3;
	[tilespmem:s0+$0x70] =	vst v0  }
0x146: {  	[tilespmem:s0+$0xFFFFFF90] =	vst v1;
	v0 =	vmax.f32 v2, v9;
	v9 =	vmul.f32 $9.999999770e-03, v4;
	v1 =	vld [tilespmem:s0+$0x10]  }
0x147: {  	v2 =	vld [tilespmem:s0+$0x20];
	[tilespmem:s0+$0xFFFFFFA0] =	vst v0;
	v0 =	vmax.f32 v3, v7;
	v7 =	vmul.f32 $9.999999770e-03, v5  }
0x148: {  	v3 =	vld [tilespmem:s0+$0x30];
	[tilespmem:s0+$0xFFFFFFB0] =	vst v0;
	v0 =	vmax.f32 v4, v9;
	v4 =	vmul.f32 $9.999999770e-03, v8  }
0x149: {  	[tilespmem:s0+$0xFFFFFFC0] =	vst v0;
	v0 =	vmax.f32 v5, v7;
	v5 =	vld [tilespmem:s0+$0x40];
	v7 =	vmul.f32 $9.999999770e-03, v6  }
0x14a: {  	[tilespmem:s0+$0xFFFFFFD0] =	vst v0;
	v0 =	vmax.f32 v8, v4;
	v8 =	vmul.f32 $9.999999770e-03, v10;
	v4 =	vld [tilespmem:s0+$0x50]  }
0x14b: {  	[tilespmem:s0+$0xFFFFFFE0] =	vst v0;
	v9 =	vmax.f32 v6, v7;
	v7 =	vmul.f32 $9.999999770e-03, v1;
	v6 =	vld [tilespmem:s0+$0x60]  }
0x14c: {  	s1 =	simm.s32 $0x0;
	s7 =	simm.s32 $0x5080;
	v0 =	vld [tilespmem:s0+$0xFFFFFF80];
	[tilespmem:s0+$0xFFFFFFF0] =	vst v9;
	v9 =	vmax.f32 v10, v8;
	v8 =	vmul.f32 $9.999999770e-03, v2  }
.LBB2_16:
0x14d: {  	v10 =	vld [tilespmem:s7+$0x70];
	s1 =	sadd.s32 $0x2, s1;
	[tilespmem:s0+$0x0] =	vst v9;
	v1 =	vmax.f32 v1, v7;
	v7 =	vmul.f32 $9.999999770e-03, v3  }
0x14e: {  	v9 =	vld [tilespmem:s7+$0xFFFFFF90];
	p0 =	slt.u32 s1, $0x62;
	[tilespmem:s0+$0x10] =	vst v1;
	v1 =	vmax.f32 v2, v8;
	v2 =	vmul.f32 $9.999999770e-03, v5  }
0x14f: {  	v8 =	vld [tilespmem:s7+$0xFFFFFFA0];
	[tilespmem:s0+$0x20] =	vst v1;
	v1 =	vmax.f32 v3, v7;
	v3 =	vmul.f32 $9.999999770e-03, v4  }
0x150: {  	v7 =	vld [tilespmem:s7+$0xFFFFFFB0];
	[tilespmem:s0+$0x30] =	vst v1;
	v1 =	vmax.f32 v5, v2;
	v2 =	vmul.f32 $9.999999770e-03, v6  }
0x151: {  	v5 =	vld [tilespmem:s7+$0xFFFFFFC0];
	v11 =	vmul.f32 $9.999999770e-03, v0;
	[tilespmem:s0+$0x40] =	vst v1;
	v1 =	vmax.f32 v4, v3  }
0x152: {  	v4 =	vld [tilespmem:s7+$0xFFFFFFD0];
	v3 =	vmul.f32 $9.999999770e-03, v10;
	[tilespmem:s0+$0x50] =	vst v1;
	v1 =	vmax.f32 v6, v2  }
0x153: {  	v2 =	vmul.f32 $9.999999770e-03, v9;
	v6 =	vld [tilespmem:s7+$0xFFFFFFE0];
	v0 =	vmax.f32 v0, v11;
	[tilespmem:s0+$0x60] =	vst v1  }
0x154: {  	v1 =	vmul.f32 $9.999999770e-03, v8;
	v11 =	vld [tilespmem:s7+$0xFFFFFFF0];
	v3 =	vmax.f32 v10, v3;
	[tilespmem:s0+$0xFFFFFF80] =	vst v0;
	s0 =	smov.u32 s7  }
0x155: {  	v0 =	vmax.f32 v9, v2;
	v2 =	vmul.f32 $9.999999770e-03, v7;
	v9 =	vld [tilespmem:s7+$0x0];
	[tilespmem:s7+$0x70] =	vst v3  }
0x156: {  	[tilespmem:s7+$0xFFFFFF90] =	vst v0;
	v0 =	vmax.f32 v8, v1;
	v3 =	vmul.f32 $9.999999770e-03, v5;
	v1 =	vld [tilespmem:s7+$0x10]  }
0x157: {  	[tilespmem:s7+$0xFFFFFFA0] =	vst v0;
	v0 =	vmax.f32 v7, v2;
	v7 =	vmul.f32 $9.999999770e-03, v4;
	v2 =	vld [tilespmem:s7+$0x20]  }
.Ltmp7:
0x158: {  	[tilespmem:s7+$0xFFFFFFB0] =	vst v0;
	v0 =	vmax.f32 v5, v3;
	v8 =	vmul.f32 $9.999999770e-03, v6;
	v3 =	vld [tilespmem:s7+$0x30];
	(pc) =	sbr.rel @p0 .LBB2_16-.Ltmp7, $4  }
0x159: {  	[tilespmem:s7+$0xFFFFFFC0] =	vst v0;
	v0 =	vmax.f32 v4, v7;
	v7 =	vmul.f32 $9.999999770e-03, v11;
	v5 =	vld [tilespmem:s7+$0x40]  }
0x15a: {  	[tilespmem:s7+$0xFFFFFFD0] =	vst v0;
	v0 =	vmax.f32 v6, v8;
	v8 =	vmul.f32 $9.999999770e-03, v9;
	v4 =	vld [tilespmem:s7+$0x50]  }
0x15b: {  	[tilespmem:s7+$0xFFFFFFE0] =	vst v0;
	v10 =	vmax.f32 v11, v7;
	v7 =	vmul.f32 $9.999999770e-03, v1;
	v6 =	vld [tilespmem:s7+$0x60]  }
0x15c: {  	s7 =	sadd.s32 $0x100, s7;
	v0 =	vld [tilespmem:s0+$0xFFFFFF80];
	[tilespmem:s0+$0xFFFFFFF0] =	vst v10;
	v9 =	vmax.f32 v9, v8;
	v8 =	vmul.f32 $9.999999770e-03, v2  }
0x15d: {  	[tilespmem:s0+$0x0] =	vst v9;
	v1 =	vmax.f32 v1, v7;
	v7 =	vmul.f32 $9.999999770e-03, v3  }
0x15e: {  	[tilespmem:s0+$0x10] =	vst v1;
	v1 =	vmax.f32 v2, v8;
	v2 =	vmul.f32 $9.999999770e-03, v5  }
0x15f: {  	[tilespmem:s0+$0x20] =	vst v1;
	v1 =	vmax.f32 v3, v7;
	v3 =	vmul.f32 $9.999999770e-03, v4  }
0x160: {  	[tilespmem:s0+$0x30] =	vst v1;
	v1 =	vmax.f32 v5, v2;
	v2 =	vmul.f32 $9.999999770e-03, v6  }
0x161: {  	v5 =	vmul.f32 $9.999999770e-03, v0;
	[tilespmem:s0+$0x40] =	vst v1;
	v1 =	vmax.f32 v4, v3  }
0x162: {  	[tilespmem:s0+$0x50] =	vst v1;
	v1 =	vmax.f32 v6, v2  }
0x163: {  	v0 =	vmax.f32 v0, v5;
	[tilespmem:s0+$0x60] =	vst v1  }
0x164: {  	[tilespmem:s0+$0xFFFFFF80] =	vst v0  }
0x165: {  	_ =	swait.ge [sflag:s19], $0x6400  }
0x166: {  	[sflag:s19] =	ssyncset.done $0x0  }
0x167: {  	s31 =	simm.s32 $0x4DC8;
	s0 =	simm.s32 $0x81F0;
	[sflag:s19] =	ssyncadd.s32 $0xFFFF9C00  }
0x168: {  	[tilespmem:s17], [sflag:$0x5] =	stream.indirect.gather.add.f32 [hbm:s6], $0x80, s31, s14, $0xb8;
	[tilespmem:$0x17B00] =	vst v63  }
0x169: {  	v0 =	vld [tilespmem:s0+$0x0]  }
0x16a: {  	v1 =	vld [tilespmem:s0+$0xFFFFFF20]  }
0x16b: {  	v2 =	vld [tilespmem:s0+$0xFFFFFF30]  }
0x16c: {  	v3 =	vld [tilespmem:s0+$0xFFFFFF40]  }
0x16d: {  	v4 =	vld [tilespmem:s0+$0xFFFFFF50]  }
0x16e: {  	v5 =	vld [tilespmem:s0+$0xFFFFFF60];
	v6 =	vmul.f32 $9.999999770e-03, v0  }
0x16f: {  	v8 =	vld [tilespmem:s0+$0xFFFFFF70];
	v7 =	vmul.f32 $9.999999770e-03, v1  }
0x170: {  	v9 =	vmul.f32 $9.999999770e-03, v2;
	v0 =	vmax.f32 v0, v6;
	v6 =	vld [tilespmem:s0+$0xFFFFFF80]  }
0x171: {  	v10 =	vld [tilespmem:s0+$0xFFFFFF90];
	v1 =	vmax.f32 v1, v7;
	v7 =	vmul.f32 $9.999999770e-03, v3;
	[tilespmem:s0+$0x0] =	vst v0  }
0x172: {  	[tilespmem:s0+$0xFFFFFF20] =	vst v1;
	v0 =	vmax.f32 v2, v9;
	v9 =	vmul.f32 $9.999999770e-03, v4;
	v1 =	vld [tilespmem:s0+$0xFFFFFFA0]  }
0x173: {  	v2 =	vld [tilespmem:s0+$0xFFFFFFB0];
	[tilespmem:s0+$0xFFFFFF30] =	vst v0;
	v0 =	vmax.f32 v3, v7;
	v7 =	vmul.f32 $9.999999770e-03, v5  }
0x174: {  	v3 =	vld [tilespmem:s0+$0xFFFFFFC0];
	[tilespmem:s0+$0xFFFFFF40] =	vst v0;
	v0 =	vmax.f32 v4, v9;
	v4 =	vmul.f32 $9.999999770e-03, v8  }
0x175: {  	[tilespmem:s0+$0xFFFFFF50] =	vst v0;
	v0 =	vmax.f32 v5, v7;
	v5 =	vld [tilespmem:s0+$0xFFFFFFD0];
	v7 =	vmul.f32 $9.999999770e-03, v6  }
0x176: {  	[tilespmem:s0+$0xFFFFFF60] =	vst v0;
	v0 =	vmax.f32 v8, v4;
	v8 =	vmul.f32 $9.999999770e-03, v10;
	v4 =	vld [tilespmem:s0+$0xFFFFFFE0]  }
0x177: {  	[tilespmem:s0+$0xFFFFFF70] =	vst v0;
	v9 =	vmax.f32 v6, v7;
	v7 =	vmul.f32 $9.999999770e-03, v1;
	v6 =	vld [tilespmem:s0+$0xFFFFFFF0]  }
0x178: {  	s1 =	simm.s32 $0x64;
	s7 =	simm.s32 $0x82F0;
	v0 =	vld [tilespmem:s0+$0xFFFFFF10];
	[tilespmem:s0+$0xFFFFFF80] =	vst v9;
	v9 =	vmax.f32 v10, v8;
	v8 =	vmul.f32 $9.999999770e-03, v2  }
.LBB2_18:
0x179: {  	v10 =	vld [tilespmem:s7+$0x0];
	s1 =	sadd.s32 $0x2, s1;
	[tilespmem:s0+$0xFFFFFF90] =	vst v9;
	v1 =	vmax.f32 v1, v7;
	v7 =	vmul.f32 $9.999999770e-03, v3  }
0x17a: {  	v9 =	vld [tilespmem:s7+$0xFFFFFF20];
	p0 =	slt.u32 s1, $0xC6;
	[tilespmem:s0+$0xFFFFFFA0] =	vst v1;
	v1 =	vmax.f32 v2, v8;
	v2 =	vmul.f32 $9.999999770e-03, v5  }
0x17b: {  	v8 =	vld [tilespmem:s7+$0xFFFFFF30];
	[tilespmem:s0+$0xFFFFFFB0] =	vst v1;
	v1 =	vmax.f32 v3, v7;
	v3 =	vmul.f32 $9.999999770e-03, v4  }
0x17c: {  	v7 =	vld [tilespmem:s7+$0xFFFFFF40];
	[tilespmem:s0+$0xFFFFFFC0] =	vst v1;
	v1 =	vmax.f32 v5, v2;
	v2 =	vmul.f32 $9.999999770e-03, v6  }
0x17d: {  	v5 =	vld [tilespmem:s7+$0xFFFFFF50];
	v11 =	vmul.f32 $9.999999770e-03, v0;
	[tilespmem:s0+$0xFFFFFFD0] =	vst v1;
	v1 =	vmax.f32 v4, v3  }
0x17e: {  	v4 =	vld [tilespmem:s7+$0xFFFFFF60];
	v3 =	vmul.f32 $9.999999770e-03, v10;
	[tilespmem:s0+$0xFFFFFFE0] =	vst v1;
	v1 =	vmax.f32 v6, v2  }
0x17f: {  	v2 =	vmul.f32 $9.999999770e-03, v9;
	v6 =	vld [tilespmem:s7+$0xFFFFFF70];
	v0 =	vmax.f32 v0, v11;
	[tilespmem:s0+$0xFFFFFFF0] =	vst v1  }
0x180: {  	v1 =	vmul.f32 $9.999999770e-03, v8;
	v11 =	vld [tilespmem:s7+$0xFFFFFF80];
	v3 =	vmax.f32 v10, v3;
	[tilespmem:s0+$0xFFFFFF10] =	vst v0;
	s0 =	smov.u32 s7  }
0x181: {  	v0 =	vmax.f32 v9, v2;
	v2 =	vmul.f32 $9.999999770e-03, v7;
	v9 =	vld [tilespmem:s7+$0xFFFFFF90];
	[tilespmem:s7+$0x0] =	vst v3  }
0x182: {  	[tilespmem:s7+$0xFFFFFF20] =	vst v0;
	v0 =	vmax.f32 v8, v1;
	v3 =	vmul.f32 $9.999999770e-03, v5;
	v1 =	vld [tilespmem:s7+$0xFFFFFFA0]  }
0x183: {  	[tilespmem:s7+$0xFFFFFF30] =	vst v0;
	v0 =	vmax.f32 v7, v2;
	v7 =	vmul.f32 $9.999999770e-03, v4;
	v2 =	vld [tilespmem:s7+$0xFFFFFFB0]  }
.Ltmp8:
0x184: {  	[tilespmem:s7+$0xFFFFFF40] =	vst v0;
	v0 =	vmax.f32 v5, v3;
	v8 =	vmul.f32 $9.999999770e-03, v6;
	v3 =	vld [tilespmem:s7+$0xFFFFFFC0];
	(pc) =	sbr.rel @p0 .LBB2_18-.Ltmp8, $4  }
0x185: {  	[tilespmem:s7+$0xFFFFFF50] =	vst v0;
	v0 =	vmax.f32 v4, v7;
	v7 =	vmul.f32 $9.999999770e-03, v11;
	v5 =	vld [tilespmem:s7+$0xFFFFFFD0]  }
0x186: {  	[tilespmem:s7+$0xFFFFFF60] =	vst v0;
	v0 =	vmax.f32 v6, v8;
	v8 =	vmul.f32 $9.999999770e-03, v9;
	v4 =	vld [tilespmem:s7+$0xFFFFFFE0]  }
0x187: {  	[tilespmem:s7+$0xFFFFFF70] =	vst v0;
	v10 =	vmax.f32 v11, v7;
	v7 =	vmul.f32 $9.999999770e-03, v1;
	v6 =	vld [tilespmem:s7+$0xFFFFFFF0]  }
0x188: {  	s7 =	sadd.s32 $0x100, s7;
	v0 =	vld [tilespmem:s0+$0xFFFFFF10];
	[tilespmem:s0+$0xFFFFFF80] =	vst v10;
	v9 =	vmax.f32 v9, v8;
	v8 =	vmul.f32 $9.999999770e-03, v2  }
0x189: {  	[tilespmem:s0+$0xFFFFFF90] =	vst v9;
	v1 =	vmax.f32 v1, v7;
	v7 =	vmul.f32 $9.999999770e-03, v3  }
0x18a: {  	[tilespmem:s0+$0xFFFFFFA0] =	vst v1;
	v1 =	vmax.f32 v2, v8;
	v2 =	vmul.f32 $9.999999770e-03, v5  }
0x18b: {  	[tilespmem:s0+$0xFFFFFFB0] =	vst v1;
	v1 =	vmax.f32 v3, v7;
	v3 =	vmul.f32 $9.999999770e-03, v4  }
0x18c: {  	[tilespmem:s0+$0xFFFFFFC0] =	vst v1;
	v1 =	vmax.f32 v5, v2;
	v2 =	vmul.f32 $9.999999770e-03, v6  }
0x18d: {  	v5 =	vmul.f32 $9.999999770e-03, v0;
	[tilespmem:s0+$0xFFFFFFD0] =	vst v1;
	v1 =	vmax.f32 v4, v3  }
0x18e: {  	[tilespmem:s0+$0xFFFFFFE0] =	vst v1;
	v1 =	vmax.f32 v6, v2  }
0x18f: {  	v0 =	vmax.f32 v0, v5;
	[tilespmem:s0+$0xFFFFFFF0] =	vst v1  }
0x190: {  	[tilespmem:s0+$0xFFFFFF10] =	vst v0  }
0x191: {  	[hbm4b:s9+s3] =	stream.linear.scatter [tilespmem:s15], [sflag:$0x3], $0x6400, $0x38;
	[tilespmem:$0x17B00] =	vst v63  }
0x192: {  	_ =	swait.ge [sflag:s21], $0x6400  }
0x193: {  	[sflag:s21] =	ssyncset.done $0x0  }
0x194: {  	s1 =	simm.s32 $0xB380;
	[sflag:s21] =	ssyncadd.s32 $0xFFFF9C00  }
0x195: {  	v0 =	vld [tilespmem:s1+$0x70]  }
0x196: {  	v1 =	vld [tilespmem:s1+$0xFFFFFF90]  }
0x197: {  	v2 =	vld [tilespmem:s1+$0xFFFFFFA0]  }
0x198: {  	v3 =	vld [tilespmem:s1+$0xFFFFFFB0]  }
0x199: {  	v4 =	vld [tilespmem:s1+$0xFFFFFFC0]  }
0x19a: {  	v5 =	vld [tilespmem:s1+$0xFFFFFFD0];
	v6 =	vmul.f32 $9.999999770e-03, v0  }
0x19b: {  	v8 =	vld [tilespmem:s1+$0xFFFFFFE0];
	v7 =	vmul.f32 $9.999999770e-03, v1  }
0x19c: {  	v9 =	vmul.f32 $9.999999770e-03, v2;
	v0 =	vmax.f32 v0, v6;
	v6 =	vld [tilespmem:s1+$0xFFFFFFF0]  }
0x19d: {  	v10 =	vld [tilespmem:s1+$0x0];
	v1 =	vmax.f32 v1, v7;
	v7 =	vmul.f32 $9.999999770e-03, v3;
	[tilespmem:s1+$0x70] =	vst v0  }
0x19e: {  	[tilespmem:s1+$0xFFFFFF90] =	vst v1;
	v0 =	vmax.f32 v2, v9;
	v9 =	vmul.f32 $9.999999770e-03, v4;
	v1 =	vld [tilespmem:s1+$0x10]  }
0x19f: {  	v2 =	vld [tilespmem:s1+$0x20];
	[tilespmem:s1+$0xFFFFFFA0] =	vst v0;
	v0 =	vmax.f32 v3, v7;
	v7 =	vmul.f32 $9.999999770e-03, v5  }
0x1a0: {  	v3 =	vld [tilespmem:s1+$0x30];
	[tilespmem:s1+$0xFFFFFFB0] =	vst v0;
	v0 =	vmax.f32 v4, v9;
	v4 =	vmul.f32 $9.999999770e-03, v8  }
0x1a1: {  	[tilespmem:s1+$0xFFFFFFC0] =	vst v0;
	v0 =	vmax.f32 v5, v7;
	v5 =	vld [tilespmem:s1+$0x40];
	v7 =	vmul.f32 $9.999999770e-03, v6  }
0x1a2: {  	[tilespmem:s1+$0xFFFFFFD0] =	vst v0;
	v0 =	vmax.f32 v8, v4;
	v8 =	vmul.f32 $9.999999770e-03, v10;
	v4 =	vld [tilespmem:s1+$0x50]  }
0x1a3: {  	[tilespmem:s1+$0xFFFFFFE0] =	vst v0;
	v9 =	vmax.f32 v6, v7;
	v7 =	vmul.f32 $9.999999770e-03, v1;
	v6 =	vld [tilespmem:s1+$0x60]  }
0x1a4: {  	s26 =	simm.s32 $0x0;
	s13 =	simm.s32 $0xB480;
	v0 =	vld [tilespmem:s1+$0xFFFFFF80];
	[tilespmem:s1+$0xFFFFFFF0] =	vst v9;
	v9 =	vmax.f32 v10, v8;
	v8 =	vmul.f32 $9.999999770e-03, v2  }
.LBB2_20:
0x1a5: {  	v10 =	vld [tilespmem:s13+$0x70];
	s26 =	sadd.s32 $0x2, s26;
	[tilespmem:s1+$0x0] =	vst v9;
	v1 =	vmax.f32 v1, v7;
	v7 =	vmul.f32 $9.999999770e-03, v3  }
0x1a6: {  	v9 =	vld [tilespmem:s13+$0xFFFFFF90];
	p0 =	slt.u32 s26, $0x62;
	[tilespmem:s1+$0x10] =	vst v1;
	v1 =	vmax.f32 v2, v8;
	v2 =	vmul.f32 $9.999999770e-03, v5  }
0x1a7: {  	v8 =	vld [tilespmem:s13+$0xFFFFFFA0];
	[tilespmem:s1+$0x20] =	vst v1;
	v1 =	vmax.f32 v3, v7;
	v3 =	vmul.f32 $9.999999770e-03, v4  }
0x1a8: {  	v7 =	vld [tilespmem:s13+$0xFFFFFFB0];
	[tilespmem:s1+$0x30] =	vst v1;
	v1 =	vmax.f32 v5, v2;
	v2 =	vmul.f32 $9.999999770e-03, v6  }
0x1a9: {  	v5 =	vld [tilespmem:s13+$0xFFFFFFC0];
	v11 =	vmul.f32 $9.999999770e-03, v0;
	[tilespmem:s1+$0x40] =	vst v1;
	v1 =	vmax.f32 v4, v3  }
0x1aa: {  	v4 =	vld [tilespmem:s13+$0xFFFFFFD0];
	v3 =	vmul.f32 $9.999999770e-03, v10;
	[tilespmem:s1+$0x50] =	vst v1;
	v1 =	vmax.f32 v6, v2  }
0x1ab: {  	v2 =	vmul.f32 $9.999999770e-03, v9;
	v6 =	vld [tilespmem:s13+$0xFFFFFFE0];
	v0 =	vmax.f32 v0, v11;
	[tilespmem:s1+$0x60] =	vst v1  }
0x1ac: {  	v1 =	vmul.f32 $9.999999770e-03, v8;
	v11 =	vld [tilespmem:s13+$0xFFFFFFF0];
	v3 =	vmax.f32 v10, v3;
	[tilespmem:s1+$0xFFFFFF80] =	vst v0;
	s1 =	smov.u32 s13  }
0x1ad: {  	s0 =	simm.s32 $0xE5F0;
	v0 =	vmax.f32 v9, v2;
	v2 =	vmul.f32 $9.999999770e-03, v7;
	v9 =	vld [tilespmem:s13+$0x0];
	[tilespmem:s13+$0x70] =	vst v3  }
0x1ae: {  	[tilespmem:s13+$0xFFFFFF90] =	vst v0;
	v0 =	vmax.f32 v8, v1;
	v3 =	vmul.f32 $9.999999770e-03, v5;
	v1 =	vld [tilespmem:s13+$0x10]  }
0x1af: {  	[tilespmem:s13+$0xFFFFFFA0] =	vst v0;
	v0 =	vmax.f32 v7, v2;
	v7 =	vmul.f32 $9.999999770e-03, v4;
	v2 =	vld [tilespmem:s13+$0x20]  }
.Ltmp9:
0x1b0: {  	[tilespmem:s13+$0xFFFFFFB0] =	vst v0;
	v0 =	vmax.f32 v5, v3;
	v8 =	vmul.f32 $9.999999770e-03, v6;
	v3 =	vld [tilespmem:s13+$0x30];
	(pc) =	sbr.rel @p0 .LBB2_20-.Ltmp9, $4  }
0x1b1: {  	[tilespmem:s13+$0xFFFFFFC0] =	vst v0;
	v0 =	vmax.f32 v4, v7;
	v7 =	vmul.f32 $9.999999770e-03, v11;
	v5 =	vld [tilespmem:s13+$0x40]  }
0x1b2: {  	[tilespmem:s13+$0xFFFFFFD0] =	vst v0;
	v0 =	vmax.f32 v6, v8;
	v8 =	vmul.f32 $9.999999770e-03, v9;
	v4 =	vld [tilespmem:s13+$0x50]  }
0x1b3: {  	[tilespmem:s13+$0xFFFFFFE0] =	vst v0;
	v10 =	vmax.f32 v11, v7;
	v7 =	vmul.f32 $9.999999770e-03, v1;
	v6 =	vld [tilespmem:s13+$0x60]  }
0x1b4: {  	s13 =	sadd.s32 $0x100, s13;
	v0 =	vld [tilespmem:s1+$0xFFFFFF80];
	[tilespmem:s1+$0xFFFFFFF0] =	vst v10;
	v9 =	vmax.f32 v9, v8;
	v8 =	vmul.f32 $9.999999770e-03, v2  }
0x1b5: {  	[tilespmem:s1+$0x0] =	vst v9;
	v1 =	vmax.f32 v1, v7;
	v7 =	vmul.f32 $9.999999770e-03, v3  }
0x1b6: {  	[tilespmem:s1+$0x10] =	vst v1;
	v1 =	vmax.f32 v2, v8;
	v2 =	vmul.f32 $9.999999770e-03, v5  }
0x1b7: {  	[tilespmem:s1+$0x20] =	vst v1;
	v1 =	vmax.f32 v3, v7;
	v3 =	vmul.f32 $9.999999770e-03, v4  }
0x1b8: {  	[tilespmem:s1+$0x30] =	vst v1;
	v1 =	vmax.f32 v5, v2;
	v2 =	vmul.f32 $9.999999770e-03, v6  }
0x1b9: {  	v5 =	vmul.f32 $9.999999770e-03, v0;
	[tilespmem:s1+$0x40] =	vst v1;
	v1 =	vmax.f32 v4, v3  }
0x1ba: {  	[tilespmem:s1+$0x50] =	vst v1;
	v1 =	vmax.f32 v6, v2  }
0x1bb: {  	v0 =	vmax.f32 v0, v5;
	[tilespmem:s1+$0x60] =	vst v1  }
0x1bc: {  	[tilespmem:s1+$0xFFFFFF80] =	vst v0  }
0x1bd: {  	v0 =	vld [tilespmem:s0+$0x0]  }
0x1be: {  	v1 =	vld [tilespmem:s0+$0xFFFFFF20]  }
0x1bf: {  	v2 =	vld [tilespmem:s0+$0xFFFFFF30]  }
0x1c0: {  	v3 =	vld [tilespmem:s0+$0xFFFFFF40]  }
0x1c1: {  	v4 =	vld [tilespmem:s0+$0xFFFFFF50]  }
0x1c2: {  	v5 =	vld [tilespmem:s0+$0xFFFFFF60];
	v6 =	vmul.f32 $9.999999770e-03, v0  }
0x1c3: {  	v8 =	vld [tilespmem:s0+$0xFFFFFF70];
	v7 =	vmul.f32 $9.999999770e-03, v1  }
0x1c4: {  	v9 =	vmul.f32 $9.999999770e-03, v2;
	v0 =	vmax.f32 v0, v6;
	v6 =	vld [tilespmem:s0+$0xFFFFFF80]  }
0x1c5: {  	v10 =	vld [tilespmem:s0+$0xFFFFFF90];
	v1 =	vmax.f32 v1, v7;
	v7 =	vmul.f32 $9.999999770e-03, v3;
	[tilespmem:s0+$0x0] =	vst v0  }
0x1c6: {  	[tilespmem:s0+$0xFFFFFF20] =	vst v1;
	v0 =	vmax.f32 v2, v9;
	v9 =	vmul.f32 $9.999999770e-03, v4;
	v1 =	vld [tilespmem:s0+$0xFFFFFFA0]  }
0x1c7: {  	v2 =	vld [tilespmem:s0+$0xFFFFFFB0];
	[tilespmem:s0+$0xFFFFFF30] =	vst v0;
	v0 =	vmax.f32 v3, v7;
	v7 =	vmul.f32 $9.999999770e-03, v5  }
0x1c8: {  	v3 =	vld [tilespmem:s0+$0xFFFFFFC0];
	[tilespmem:s0+$0xFFFFFF40] =	vst v0;
	v0 =	vmax.f32 v4, v9;
	v4 =	vmul.f32 $9.999999770e-03, v8  }
0x1c9: {  	[tilespmem:s0+$0xFFFFFF50] =	vst v0;
	v0 =	vmax.f32 v5, v7;
	v5 =	vld [tilespmem:s0+$0xFFFFFFD0];
	v7 =	vmul.f32 $9.999999770e-03, v6  }
0x1ca: {  	[tilespmem:s0+$0xFFFFFF60] =	vst v0;
	v0 =	vmax.f32 v8, v4;
	v8 =	vmul.f32 $9.999999770e-03, v10;
	v4 =	vld [tilespmem:s0+$0xFFFFFFE0]  }
0x1cb: {  	[tilespmem:s0+$0xFFFFFF70] =	vst v0;
	v9 =	vmax.f32 v6, v7;
	v7 =	vmul.f32 $9.999999770e-03, v1;
	v6 =	vld [tilespmem:s0+$0xFFFFFFF0]  }
0x1cc: {  	s7 =	simm.s32 $0xE6F0;
	s1 =	simm.s32 $0x64;
	v0 =	vld [tilespmem:s0+$0xFFFFFF10];
	[tilespmem:s0+$0xFFFFFF80] =	vst v9;
	v9 =	vmax.f32 v10, v8;
	v8 =	vmul.f32 $9.999999770e-03, v2  }
.LBB2_22:
0x1cd: {  	v10 =	vld [tilespmem:s7+$0x0];
	s1 =	sadd.s32 $0x2, s1;
	[tilespmem:s0+$0xFFFFFF90] =	vst v9;
	v1 =	vmax.f32 v1, v7;
	v7 =	vmul.f32 $9.999999770e-03, v3  }
0x1ce: {  	v9 =	vld [tilespmem:s7+$0xFFFFFF20];
	p0 =	slt.u32 s1, $0xC6;
	[tilespmem:s0+$0xFFFFFFA0] =	vst v1;
	v1 =	vmax.f32 v2, v8;
	v2 =	vmul.f32 $9.999999770e-03, v5  }
0x1cf: {  	v8 =	vld [tilespmem:s7+$0xFFFFFF30];
	[tilespmem:s0+$0xFFFFFFB0] =	vst v1;
	v1 =	vmax.f32 v3, v7;
	v3 =	vmul.f32 $9.999999770e-03, v4  }
0x1d0: {  	v7 =	vld [tilespmem:s7+$0xFFFFFF40];
	[tilespmem:s0+$0xFFFFFFC0] =	vst v1;
	v1 =	vmax.f32 v5, v2;
	v2 =	vmul.f32 $9.999999770e-03, v6  }
0x1d1: {  	v5 =	vld [tilespmem:s7+$0xFFFFFF50];
	v11 =	vmul.f32 $9.999999770e-03, v0;
	[tilespmem:s0+$0xFFFFFFD0] =	vst v1;
	v1 =	vmax.f32 v4, v3  }
0x1d2: {  	v4 =	vld [tilespmem:s7+$0xFFFFFF60];
	v3 =	vmul.f32 $9.999999770e-03, v10;
	[tilespmem:s0+$0xFFFFFFE0] =	vst v1;
	v1 =	vmax.f32 v6, v2  }
0x1d3: {  	v2 =	vmul.f32 $9.999999770e-03, v9;
	v6 =	vld [tilespmem:s7+$0xFFFFFF70];
	v0 =	vmax.f32 v0, v11;
	[tilespmem:s0+$0xFFFFFFF0] =	vst v1  }
0x1d4: {  	v1 =	vmul.f32 $9.999999770e-03, v8;
	v11 =	vld [tilespmem:s7+$0xFFFFFF80];
	v3 =	vmax.f32 v10, v3;
	[tilespmem:s0+$0xFFFFFF10] =	vst v0;
	s0 =	smov.u32 s7  }
0x1d5: {  	v0 =	vmax.f32 v9, v2;
	v2 =	vmul.f32 $9.999999770e-03, v7;
	v9 =	vld [tilespmem:s7+$0xFFFFFF90];
	[tilespmem:s7+$0x0] =	vst v3  }
0x1d6: {  	[tilespmem:s7+$0xFFFFFF20] =	vst v0;
	v0 =	vmax.f32 v8, v1;
	v3 =	vmul.f32 $9.999999770e-03, v5;
	v1 =	vld [tilespmem:s7+$0xFFFFFFA0]  }
0x1d7: {  	[tilespmem:s7+$0xFFFFFF30] =	vst v0;
	v0 =	vmax.f32 v7, v2;
	v7 =	vmul.f32 $9.999999770e-03, v4;
	v2 =	vld [tilespmem:s7+$0xFFFFFFB0]  }
.Ltmp10:
0x1d8: {  	[tilespmem:s7+$0xFFFFFF40] =	vst v0;
	v0 =	vmax.f32 v5, v3;
	v8 =	vmul.f32 $9.999999770e-03, v6;
	v3 =	vld [tilespmem:s7+$0xFFFFFFC0];
	(pc) =	sbr.rel @p0 .LBB2_22-.Ltmp10, $4  }
0x1d9: {  	[tilespmem:s7+$0xFFFFFF50] =	vst v0;
	v0 =	vmax.f32 v4, v7;
	v7 =	vmul.f32 $9.999999770e-03, v11;
	v5 =	vld [tilespmem:s7+$0xFFFFFFD0]  }
0x1da: {  	[tilespmem:s7+$0xFFFFFF60] =	vst v0;
	v0 =	vmax.f32 v6, v8;
	v8 =	vmul.f32 $9.999999770e-03, v9;
	v4 =	vld [tilespmem:s7+$0xFFFFFFE0]  }
0x1db: {  	[tilespmem:s7+$0xFFFFFF70] =	vst v0;
	v10 =	vmax.f32 v11, v7;
	v7 =	vmul.f32 $9.999999770e-03, v1;
	v6 =	vld [tilespmem:s7+$0xFFFFFFF0]  }
0x1dc: {  	s7 =	sadd.s32 $0x100, s7;
	v0 =	vld [tilespmem:s0+$0xFFFFFF10];
	[tilespmem:s0+$0xFFFFFF80] =	vst v10;
	v9 =	vmax.f32 v9, v8;
	v8 =	vmul.f32 $9.999999770e-03, v2  }
0x1dd: {  	[tilespmem:s0+$0xFFFFFF90] =	vst v9;
	v1 =	vmax.f32 v1, v7;
	v54 =	vmul.f32 $9.999999770e-03, v3  }
0x1de: {  	[tilespmem:s0+$0xFFFFFFA0] =	vst v1;
	v55 =	vmax.f32 v2, v8;
	v56 =	vmul.f32 $9.999999770e-03, v5  }
0x1df: {  	[tilespmem:s0+$0xFFFFFFB0] =	vst v55;
	v57 =	vmax.f32 v3, v54;
	v58 =	vmul.f32 $9.999999770e-03, v4  }
0x1e0: {  	[tilespmem:s0+$0xFFFFFFC0] =	vst v57;
	v59 =	vmax.f32 v5, v56;
	v60 =	vmul.f32 $9.999999770e-03, v6  }
0x1e1: {  	v61 =	vmul.f32 $9.999999770e-03, v0;
	[tilespmem:s0+$0xFFFFFFD0] =	vst v59;
	v62 =	vmax.f32 v4, v58  }
0x1e2: {  	[tilespmem:s0+$0xFFFFFFE0] =	vst v62;
	v63 =	vmax.f32 v6, v60  }
0x1e3: {  	v0 =	vmax.f32 v0, v61;
	[tilespmem:s0+$0xFFFFFFF0] =	vst v63  }
0x1e4: {  	[tilespmem:s0+$0xFFFFFF10] =	vst v0  }
0x1e5: {  	[hbm4b:s10+s3] =	stream.linear.scatter [tilespmem:s17], [sflag:$0x6], $0x6400, $0x38;
	[tilespmem:$0x17B00] =	vst v63  }
0x1e6: {  	_ =	swait.ge [sflag:s28], $0x6400  }
0x1e7: {  	[sflag:s28] =	ssyncset.done $0x0  }
0x1e8: {  	s29 =	sadd.s32 $0x1, s29;
	[sflag:s28] =	ssyncadd.s32 $0xFFFF9C00  }
0x1e9: {  	p0 =	sne.s32 s29, s11;
	_ =	swait.ge [sflag:s23], $0x6400  }
.Ltmp11:
0x1ea: {  	[sflag:s23] =	ssyncset.done $0x0;
	(pc) =	sbr.rel @p0 .LBB2_1-.Ltmp11, $4  }
0x1eb: {  	[sflag:s23] =	ssyncadd.s32 $0xFFFF9C00  }
0x1ec: {  	_ =	swait.ge [sflag:s25], $0x6400  }
0x1ed: {  	[sflag:s25] =	ssyncset.done $0x0  }
0x1ee: {  	[sflag:s25] =	ssyncadd.s32 $0xFFFF9C00  }
0x1ef: {  	_ =	sfence.sel $0x180000  }
0x1f0: {  	[bflag:$0x0] =	sbarrier.arrive $0xFFFF  }
0x1f1: {  	_ =	strace $0x90000047  }
0x1f2: {  	s0 =	stileid.u32;
	[bflag:$0x2] =	sbarrier.arrive $0xFFFF  }
0x1f3: {  	p0 =	sne.s32 s0, $0x0;
	s0 =	rddreg [dreg:$0x2]  }
0x1f4: {  	s0 =	sadd.s32 @!p0 $0x100000, s0  }
0x1f5: {  	[sflag:s0] =	ssyncadd.tile.s32 @!p0 $0x1;
	_ =	shalt  }
.Lfunc_end2:
_tile_overlayer_lowered:
.L_overlay_start_2:
0x1f6: {  	(tag) =	ssettag $0x2  }
0x1f7: {  	s0 =	rddreg [dreg:$0x0];
	s2 =	stileid.u32  }
0x1f8: {  	s1 =	rddreg [dreg:$0x1];
	p0 =	sne.s32 s2, $0x0  }
0x1f9: {  	s3 =	rddreg [dreg:$0x2];
	[bflag:$0x3] =	sbarrier.arrive $0xFFFF;
	s2 =	simm.s32 @!p0 $0x1C0A  }
0x1fa: {  	[timem:s3], [sflag:s2] =	dma.local @!p0 [hbm:s0], s1  }
0x1fb: {  	s0 =	simm.s32 @!p0 $0xA  }
0x1fc: {  	_ =	swait.ge @!p0 [sflag:s0], s1  }
0x1fd: {  	s1 =	ssub.s32 @!p0 $0x0, s1;
	[sflag:s0] =	ssyncset.done @!p0 $0x0  }
0x1fe: {  	[sflag:s0] =	ssyncadd.s32 @!p0 s1  }
0x1ff: {  	[bflag:$0x3] =	sbarrier.arrive $0xFFFF  }
0x200: {  	_ =	shalt  }

</sc_bundles>
